<compile_context>
chip_gen: v7x
topology: tpu7x:2x2x1
jax: 0.10.2.dev20260603
libtpu: 0.0.44.dev20260713+nightly
codegen_flags: <defaults>
</compile_context>

<pallas_src>
import functools

import jax
import jax.numpy as jnp
from jax import lax
from jax.experimental import pallas as pl
from jax.experimental.pallas import tpu as pltpu
from jax.experimental.pallas import tpu_sc as plsc

N_NODES = 100000
C = 20
M = 128
N_GEN = 16
_TAB = N_GEN * M

_NC = 2
_NS = 16
_NW = _NC * _NS
_B_PER_W = 3136
_B_LAST = N_NODES - (_NW - 1) * _B_PER_W


def _table_body(bt_ref, pi_ref, t_ref):
    bt = bt_ref[...]
    pi = pi_ref[...]
    sm_b = jax.nn.softmax(bt, axis=2)
    sm_pi = jax.nn.softmax(pi, axis=0)
    acc = jnp.sum(sm_pi[:, :, None] * sm_b, axis=0)
    t_ref[...] = jnp.log(acc + C * 1e-12)


def _compute_table_gm(B, Pi):
    return pl.pallas_call(
        _table_body,
        out_shape=jax.ShapeDtypeStruct((N_GEN, M), jnp.float32),
    )(jnp.transpose(B, (0, 2, 1)), Pi)


_MESH = plsc.VectorSubcoreMesh(core_axis_name="c", subcore_axis_name="s")


@functools.partial(
    pl.kernel,
    mesh=_MESH,
    out_type=jax.ShapeDtypeStruct((N_NODES, 1, N_GEN), jnp.float32),
    scratch_types=[
        pltpu.VMEM((_TAB,), jnp.float32),
        pltpu.VMEM((_B_PER_W,), jnp.int32),
        pltpu.VMEM((_B_PER_W, 1, N_GEN), jnp.float32),
    ],
    compiler_params=pltpu.CompilerParams(
        use_tc_tiling_on_sc=False, needs_layout_passes=False),
)
def _lookup_kernel(idx_hbm, tab_hbm, out_hbm, tab_v, idx_v, rows_v):
    wid = lax.axis_index("s") * _NC + lax.axis_index("c")
    base = wid * _B_PER_W
    lane = lax.iota(jnp.int32, 16)

    pltpu.sync_copy(tab_hbm, tab_v)

    def _chunk(n):
        pltpu.sync_copy(idx_hbm.at[pl.ds(base, n)], idx_v.at[pl.ds(0, n)])

        zero = lane * 0

        @plsc.parallel_loop(0, n // 16, 1, unroll=8)
        def _batch(i):
            row = i * 16 + lane
            xv = plsc.load_gather(idx_v, [row])
            for k in range(N_GEN):
                col = (k + lane) & 15
                vals = plsc.load_gather(tab_v, [col * M + xv])
                plsc.store_scatter(rows_v, [row, zero, col], vals)

        pltpu.sync_copy(rows_v.at[pl.ds(0, n)], out_hbm.at[pl.ds(base, n)])

    @pl.when(wid < _NW - 1)
    def _full_chunk():
        _chunk(_B_PER_W)

    @pl.when(wid == _NW - 1)
    def _tail_chunk():
        _chunk(_B_LAST)


def kernel(x, edge_index, B, Pi):
    del edge_index
    tab_flat = _compute_table_gm(B, Pi).reshape(_TAB)
    return _lookup_kernel(x, tab_flat)

# --- scband reference (transcript-rebuilt; emitter-appended) ---
"""Pipeline reference for scband-cgmm-62216896250319 (READ-ONLY COPY).

The authoritative reference and input builder live on the scoring server;
editing this copy changes nothing except your own understanding.
"""

import jax, jax.numpy as jnp
import numpy as np

N_NODES = 100000
N_EDGES = 3200000
C = 20
M = 128
N_GEN = 16


def setup_inputs(seed: int = 0) -> dict:
    key = jax.random.key(seed)
    k1, k2, k3, k4 = jax.random.split(key, 4)
    x = jax.random.randint(k1, (N_NODES,), 0, M, dtype=jnp.int32)
    edge_index = jax.random.randint(k2, (2, N_EDGES), 0, N_NODES, dtype=jnp.int32)
    # learned parameters of CGMMLayer_0 (the only layer in a freshly-built CGMM)
    B = jax.random.normal(k3, (C, M, N_GEN), dtype=jnp.float32) * 2.5
    Pi = jax.random.normal(k4, (C, N_GEN), dtype=jnp.float32) * 2.5
    return {"x": x, "edge_index": edge_index, "B": B, "Pi": Pi}


def reference(x, edge_index, B, Pi):
    # CGMM.forward with a single CGMMLayer_0 (eval / frozen; no in-forward backward).
    # _softmax_reparameterization: softmax over M for B (per j), over C for Pi (per j)
    sm_B = jax.nn.softmax(B, axis=1)      # [C, M, n_gen]
    sm_Pi = jax.nn.softmax(Pi, axis=0)    # [C, n_gen]
    # B[:, x] -> [C, N, n_gen]; permute(1,0,2) -> [N, C, n_gen]
    B_nodes = jnp.transpose(jnp.take(sm_B, x, axis=1), (1, 0, 2))
    unnorm_posterior = sm_Pi[None, :, :] * B_nodes + 1e-12   # [N, C, n_gen]
    log_likelihood = jnp.log(unnorm_posterior.sum(axis=1))   # [N, n_gen]
    # CGMM stacks per-layer likelihoods along dim=1 -> [N, 1, n_gen]
    return log_likelihood[:, None, :]

if __name__ == "__main__":
    import jax
    _d = setup_inputs()
    print(jax.jit(kernel)(*tuple(_d.values())))

</pallas_src>

<mosaic_0001>
#map = affine_map<(d0, d1) -> (0)>
#map1 = affine_map<(d0, d1) -> (0, 0, 0)>
module attributes {stable_mosaic.version = 14 : i64} {
  func.func @_lookup_kernel(%arg0: i32, %arg1: i32, %arg2: memref<100000xi32, #tpu.memory_space<hbm>>, %arg3: memref<2048xf32, #tpu.memory_space<hbm>>, %arg4: memref<100000x1x16xf32, #tpu.memory_space<hbm>>, %arg5: memref<2048xf32, #tpu.memory_space<vmem>>, %arg6: memref<3136xi32, #tpu.memory_space<vmem>>, %arg7: memref<3136x1x16xf32, #tpu.memory_space<vmem>>) attributes {dimension_semantics = [#tpu.dimension_semantics<core_parallel>, #tpu.dimension_semantics<subcore_parallel>], iteration_bounds = array<i64: 2, 16>, scalar_prefetch = 0 : i64, scratch_operands = 3 : i64, tpu.core_type = #tpu.core_type<sc_vector_subcore>, window_params = [{transform_indices = #map}, {transform_indices = #map}, {transform_indices = #map1}]} {
    %mul3A = arith.constant 2 : i32
    %mul3A_0 = arith.muli %arg1, %mul3A : i32
    %add3A = arith.addi %mul3A_0, %arg0 : i32
    %mul3A_1 = arith.constant 3136 : i32
    %mul3A_2 = arith.muli %add3A, %mul3A_1 : i32
    %iota3A = tpu.iota {dimensions = array<i32: 0>} : vector<16xi32>
    "tpu.region"() ({
      %run_scoped3A = tpu.sem_alloc : memref<!tpu.dma_semaphore, #tpu.memory_space<semaphore_mem>>
      tpu.enqueue_dma source(%arg3 : memref<2048xf32, #tpu.memory_space<hbm>>) target(%arg5 : memref<2048xf32, #tpu.memory_space<vmem>>) target_semaphore(%run_scoped3A : memref<!tpu.dma_semaphore, #tpu.memory_space<semaphore_mem>>)
      tpu.wait_dma2 semaphore(%run_scoped3A : memref<!tpu.dma_semaphore, #tpu.memory_space<semaphore_mem>>) src(%arg3 : memref<2048xf32, #tpu.memory_space<hbm>>) dst(%arg5 : memref<2048xf32, #tpu.memory_space<vmem>>)
      tpu.yield
    }) : () -> ()
    %lt3A = arith.constant 31 : i32
    %lt3A_3 = arith.cmpi slt, %add3A, %lt3A : i32
    %convert_element_type3A = arith.extui %lt3A_3 : i1 to i32
    %cond3A = arith.constant 0 : i32
    %cond3A_4 = arith.cmpi ne, %convert_element_type3A, %cond3A : i32
    scf.if %cond3A_4 {
      "tpu.region"() ({
        %run_scoped3A = tpu.sem_alloc : memref<!tpu.dma_semaphore, #tpu.memory_space<semaphore_mem>>
        %dma_start3A = arith.constant 0 : i32
        %dma_start3A_14 = tpu.memref_slice %arg6[%dma_start3A] : memref<3136xi32, #tpu.memory_space<vmem>> -> memref<3136xi32, #tpu.memory_space<vmem>>
        %dma_start3A_15 = tpu.memref_slice %arg2[%mul3A_2] : memref<100000xi32, #tpu.memory_space<hbm>> -> memref<3136xi32, #tpu.memory_space<hbm>>
        %dma_start3A_16 = arith.constant 0 : i32
        %dma_start3A_17 = tpu.memref_slice %arg6[%dma_start3A_16] : memref<3136xi32, #tpu.memory_space<vmem>> -> memref<3136xi32, #tpu.memory_space<vmem>>
        %dma_start3A_18 = tpu.memref_slice %arg2[%mul3A_2] : memref<100000xi32, #tpu.memory_space<hbm>> -> memref<3136xi32, #tpu.memory_space<hbm>>
        tpu.enqueue_dma source(%dma_start3A_18 : memref<3136xi32, #tpu.memory_space<hbm>>) target(%dma_start3A_17 : memref<3136xi32, #tpu.memory_space<vmem>>) target_semaphore(%run_scoped3A : memref<!tpu.dma_semaphore, #tpu.memory_space<semaphore_mem>>)
        %dma_wait3A = arith.constant 0 : i32
        %dma_wait3A_19 = tpu.memref_slice %arg6[%dma_wait3A] : memref<3136xi32, #tpu.memory_space<vmem>> -> memref<3136xi32, #tpu.memory_space<vmem>>
        %dma_wait3A_20 = tpu.memref_slice %arg2[%mul3A_2] : memref<100000xi32, #tpu.memory_space<hbm>> -> memref<3136xi32, #tpu.memory_space<hbm>>
        %dma_wait3A_21 = arith.constant 0 : i32
        %dma_wait3A_22 = tpu.memref_slice %arg6[%dma_wait3A_21] : memref<3136xi32, #tpu.memory_space<vmem>> -> memref<3136xi32, #tpu.memory_space<vmem>>
        %dma_wait3A_23 = tpu.memref_slice %arg2[%mul3A_2] : memref<100000xi32, #tpu.memory_space<hbm>> -> memref<3136xi32, #tpu.memory_space<hbm>>
        tpu.wait_dma2 semaphore(%run_scoped3A : memref<!tpu.dma_semaphore, #tpu.memory_space<semaphore_mem>>) src(%dma_wait3A_23 : memref<3136xi32, #tpu.memory_space<hbm>>) dst(%dma_wait3A_22 : memref<3136xi32, #tpu.memory_space<vmem>>)
        tpu.yield
      }) : () -> ()
      %mul3A_9 = arith.constant 0 : i32
      %mul3A_10 = vector.broadcast %mul3A_9 : i32 to vector<16xi32>
      %mul3A_11 = arith.muli %iota3A, %mul3A_10 : vector<16xi32>
      %parallel_loop3A = arith.constant 0 : i32
      %parallel_loop3A_12 = arith.constant 196 : i32
      %parallel_loop3A_13 = arith.constant 1 : i32
      scf.for %parallel_loop3A_14 = %parallel_loop3A to %parallel_loop3A_12 step %parallel_loop3A_13  : i32 {
        %parallel_loop3A_15 = arith.constant 16 : i32
        %parallel_loop3A_16 = arith.muli %parallel_loop3A_14, %parallel_loop3A_15 : i32
        %parallel_loop3A_17 = vector.broadcast %parallel_loop3A_16 : i32 to vector<16xi32>
        %parallel_loop3A_18 = arith.addi %parallel_loop3A_17, %iota3A : vector<16xi32>
        %parallel_loop3A_19 = tpu.vector_load_idx %arg6[%parallel_loop3A_18] : memref<3136xi32, #tpu.memory_space<vmem>>[vector<16xi32>], vector<16xi32>,
        %parallel_loop3A_20 = arith.constant 0 : i32
        %parallel_loop3A_21 = vector.broadcast %parallel_loop3A_20 : i32 to vector<16xi32>
        %parallel_loop3A_22 = arith.addi %parallel_loop3A_21, %iota3A : vector<16xi32>
        %parallel_loop3A_23 = arith.constant 15 : i32
        %parallel_loop3A_24 = vector.broadcast %parallel_loop3A_23 : i32 to vector<16xi32>
        %parallel_loop3A_25 = arith.andi %parallel_loop3A_22, %parallel_loop3A_24 : vector<16xi32>
        %parallel_loop3A_26 = arith.constant 128 : i32
        %parallel_loop3A_27 = vector.broadcast %parallel_loop3A_26 : i32 to vector<16xi32>
        %parallel_loop3A_28 = arith.muli %parallel_loop3A_25, %parallel_loop3A_27 : vector<16xi32>
        %parallel_loop3A_29 = arith.addi %parallel_loop3A_28, %parallel_loop3A_19 : vector<16xi32>
        %parallel_loop3A_30 = tpu.vector_load_idx %arg5[%parallel_loop3A_29] : memref<2048xf32, #tpu.memory_space<vmem>>[vector<16xi32>], vector<16xf32>,
        tpu.vector_store_idx %arg7[%parallel_loop3A_18, %mul3A_11, %parallel_loop3A_25], %parallel_loop3A_30 : memref<3136x1x16xf32, #tpu.memory_space<vmem>>[vector<16xi32>, vector<16xi32>, vector<16xi32>], vector<16xf32>,
        %parallel_loop3A_31 = arith.constant 1 : i32
        %parallel_loop3A_32 = vector.broadcast %parallel_loop3A_31 : i32 to vector<16xi32>
        %parallel_loop3A_33 = arith.addi %parallel_loop3A_32, %iota3A : vector<16xi32>
        %parallel_loop3A_34 = arith.constant 15 : i32
        %parallel_loop3A_35 = vector.broadcast %parallel_loop3A_34 : i32 to vector<16xi32>
        %parallel_loop3A_36 = arith.andi %parallel_loop3A_33, %parallel_loop3A_35 : vector<16xi32>
        %parallel_loop3A_37 = arith.constant 128 : i32
        %parallel_loop3A_38 = vector.broadcast %parallel_loop3A_37 : i32 to vector<16xi32>
        %parallel_loop3A_39 = arith.muli %parallel_loop3A_36, %parallel_loop3A_38 : vector<16xi32>
        %parallel_loop3A_40 = arith.addi %parallel_loop3A_39, %parallel_loop3A_19 : vector<16xi32>
        %parallel_loop3A_41 = tpu.vector_load_idx %arg5[%parallel_loop3A_40] : memref<2048xf32, #tpu.memory_space<vmem>>[vector<16xi32>], vector<16xf32>,
        tpu.vector_store_idx %arg7[%parallel_loop3A_18, %mul3A_11, %parallel_loop3A_36], %parallel_loop3A_41 : memref<3136x1x16xf32, #tpu.memory_space<vmem>>[vector<16xi32>, vector<16xi32>, vector<16xi32>], vector<16xf32>,
        %parallel_loop3A_42 = arith.constant 2 : i32
        %parallel_loop3A_43 = vector.broadcast %parallel_loop3A_42 : i32 to vector<16xi32>
        %parallel_loop3A_44 = arith.addi %parallel_loop3A_43, %iota3A : vector<16xi32>
        %parallel_loop3A_45 = arith.constant 15 : i32
        %parallel_loop3A_46 = vector.broadcast %parallel_loop3A_45 : i32 to vector<16xi32>
        %parallel_loop3A_47 = arith.andi %parallel_loop3A_44, %parallel_loop3A_46 : vector<16xi32>
        %parallel_loop3A_48 = arith.constant 128 : i32
        %parallel_loop3A_49 = vector.broadcast %parallel_loop3A_48 : i32 to vector<16xi32>
        %parallel_loop3A_50 = arith.muli %parallel_loop3A_47, %parallel_loop3A_49 : vector<16xi32>
        %parallel_loop3A_51 = arith.addi %parallel_loop3A_50, %parallel_loop3A_19 : vector<16xi32>
        %parallel_loop3A_52 = tpu.vector_load_idx %arg5[%parallel_loop3A_51] : memref<2048xf32, #tpu.memory_space<vmem>>[vector<16xi32>], vector<16xf32>,
        tpu.vector_store_idx %arg7[%parallel_loop3A_18, %mul3A_11, %parallel_loop3A_47], %parallel_loop3A_52 : memref<3136x1x16xf32, #tpu.memory_space<vmem>>[vector<16xi32>, vector<16xi32>, vector<16xi32>], vector<16xf32>,
        %parallel_loop3A_53 = arith.constant 3 : i32
        %parallel_loop3A_54 = vector.broadcast %parallel_loop3A_53 : i32 to vector<16xi32>
        %parallel_loop3A_55 = arith.addi %parallel_loop3A_54, %iota3A : vector<16xi32>
        %parallel_loop3A_56 = arith.constant 15 : i32
        %parallel_loop3A_57 = vector.broadcast %parallel_loop3A_56 : i32 to vector<16xi32>
        %parallel_loop3A_58 = arith.andi %parallel_loop3A_55, %parallel_loop3A_57 : vector<16xi32>
        %parallel_loop3A_59 = arith.constant 128 : i32
        %parallel_loop3A_60 = vector.broadcast %parallel_loop3A_59 : i32 to vector<16xi32>
        %parallel_loop3A_61 = arith.muli %parallel_loop3A_58, %parallel_loop3A_60 : vector<16xi32>
        %parallel_loop3A_62 = arith.addi %parallel_loop3A_61, %parallel_loop3A_19 : vector<16xi32>
        %parallel_loop3A_63 = tpu.vector_load_idx %arg5[%parallel_loop3A_62] : memref<2048xf32, #tpu.memory_space<vmem>>[vector<16xi32>], vector<16xf32>,
        tpu.vector_store_idx %arg7[%parallel_loop3A_18, %mul3A_11, %parallel_loop3A_58], %parallel_loop3A_63 : memref<3136x1x16xf32, #tpu.memory_space<vmem>>[vector<16xi32>, vector<16xi32>, vector<16xi32>], vector<16xf32>,
        %parallel_loop3A_64 = arith.constant 4 : i32
        %parallel_loop3A_65 = vector.broadcast %parallel_loop3A_64 : i32 to vector<16xi32>
        %parallel_loop3A_66 = arith.addi %parallel_loop3A_65, %iota3A : vector<16xi32>
        %parallel_loop3A_67 = arith.constant 15 : i32
        %parallel_loop3A_68 = vector.broadcast %parallel_loop3A_67 : i32 to vector<16xi32>
        %parallel_loop3A_69 = arith.andi %parallel_loop3A_66, %parallel_loop3A_68 : vector<16xi32>
        %parallel_loop3A_70 = arith.constant 128 : i32
        %parallel_loop3A_71 = vector.broadcast %parallel_loop3A_70 : i32 to vector<16xi32>
        %parallel_loop3A_72 = arith.muli %parallel_loop3A_69, %parallel_loop3A_71 : vector<16xi32>
        %parallel_loop3A_73 = arith.addi %parallel_loop3A_72, %parallel_loop3A_19 : vector<16xi32>
        %parallel_loop3A_74 = tpu.vector_load_idx %arg5[%parallel_loop3A_73] : memref<2048xf32, #tpu.memory_space<vmem>>[vector<16xi32>], vector<16xf32>,
        tpu.vector_store_idx %arg7[%parallel_loop3A_18, %mul3A_11, %parallel_loop3A_69], %parallel_loop3A_74 : memref<3136x1x16xf32, #tpu.memory_space<vmem>>[vector<16xi32>, vector<16xi32>, vector<16xi32>], vector<16xf32>,
        %parallel_loop3A_75 = arith.constant 5 : i32
        %parallel_loop3A_76 = vector.broadcast %parallel_loop3A_75 : i32 to vector<16xi32>
        %parallel_loop3A_77 = arith.addi %parallel_loop3A_76, %iota3A : vector<16xi32>
        %parallel_loop3A_78 = arith.constant 15 : i32
        %parallel_loop3A_79 = vector.broadcast %parallel_loop3A_78 : i32 to vector<16xi32>
        %parallel_loop3A_80 = arith.andi %parallel_loop3A_77, %parallel_loop3A_79 : vector<16xi32>
        %parallel_loop3A_81 = arith.constant 128 : i32
        %parallel_loop3A_82 = vector.broadcast %parallel_loop3A_81 : i32 to vector<16xi32>
        %parallel_loop3A_83 = arith.muli %parallel_loop3A_80, %parallel_loop3A_82 : vector<16xi32>
        %parallel_loop3A_84 = arith.addi %parallel_loop3A_83, %parallel_loop3A_19 : vector<16xi32>
        %parallel_loop3A_85 = tpu.vector_load_idx %arg5[%parallel_loop3A_84] : memref<2048xf32, #tpu.memory_space<vmem>>[vector<16xi32>], vector<16xf32>,
        tpu.vector_store_idx %arg7[%parallel_loop3A_18, %mul3A_11, %parallel_loop3A_80], %parallel_loop3A_85 : memref<3136x1x16xf32, #tpu.memory_space<vmem>>[vector<16xi32>, vector<16xi32>, vector<16xi32>], vector<16xf32>,
        %parallel_loop3A_86 = arith.constant 6 : i32
        %parallel_loop3A_87 = vector.broadcast %parallel_loop3A_86 : i32 to vector<16xi32>
        %parallel_loop3A_88 = arith.addi %parallel_loop3A_87, %iota3A : vector<16xi32>
        %parallel_loop3A_89 = arith.constant 15 : i32
        %parallel_loop3A_90 = vector.broadcast %parallel_loop3A_89 : i32 to vector<16xi32>
        %parallel_loop3A_91 = arith.andi %parallel_loop3A_88, %parallel_loop3A_90 : vector<16xi32>
        %parallel_loop3A_92 = arith.constant 128 : i32
        %parallel_loop3A_93 = vector.broadcast %parallel_loop3A_92 : i32 to vector<16xi32>
        %parallel_loop3A_94 = arith.muli %parallel_loop3A_91, %parallel_loop3A_93 : vector<16xi32>
        %parallel_loop3A_95 = arith.addi %parallel_loop3A_94, %parallel_loop3A_19 : vector<16xi32>
        %parallel_loop3A_96 = tpu.vector_load_idx %arg5[%parallel_loop3A_95] : memref<2048xf32, #tpu.memory_space<vmem>>[vector<16xi32>], vector<16xf32>,
        tpu.vector_store_idx %arg7[%parallel_loop3A_18, %mul3A_11, %parallel_loop3A_91], %parallel_loop3A_96 : memref<3136x1x16xf32, #tpu.memory_space<vmem>>[vector<16xi32>, vector<16xi32>, vector<16xi32>], vector<16xf32>,
        %parallel_loop3A_97 = arith.constant 7 : i32
        %parallel_loop3A_98 = vector.broadcast %parallel_loop3A_97 : i32 to vector<16xi32>
        %parallel_loop3A_99 = arith.addi %parallel_loop3A_98, %iota3A : vector<16xi32>
        %parallel_loop3A_100 = arith.constant 15 : i32
        %parallel_loop3A_101 = vector.broadcast %parallel_loop3A_100 : i32 to vector<16xi32>
        %parallel_loop3A_102 = arith.andi %parallel_loop3A_99, %parallel_loop3A_101 : vector<16xi32>
        %parallel_loop3A_103 = arith.constant 128 : i32
        %parallel_loop3A_104 = vector.broadcast %parallel_loop3A_103 : i32 to vector<16xi32>
        %parallel_loop3A_105 = arith.muli %parallel_loop3A_102, %parallel_loop3A_104 : vector<16xi32>
        %parallel_loop3A_106 = arith.addi %parallel_loop3A_105, %parallel_loop3A_19 : vector<16xi32>
        %parallel_loop3A_107 = tpu.vector_load_idx %arg5[%parallel_loop3A_106] : memref<2048xf32, #tpu.memory_space<vmem>>[vector<16xi32>], vector<16xf32>,
        tpu.vector_store_idx %arg7[%parallel_loop3A_18, %mul3A_11, %parallel_loop3A_102], %parallel_loop3A_107 : memref<3136x1x16xf32, #tpu.memory_space<vmem>>[vector<16xi32>, vector<16xi32>, vector<16xi32>], vector<16xf32>,
        %parallel_loop3A_108 = arith.constant 8 : i32
        %parallel_loop3A_109 = vector.broadcast %parallel_loop3A_108 : i32 to vector<16xi32>
        %parallel_loop3A_110 = arith.addi %parallel_loop3A_109, %iota3A : vector<16xi32>
        %parallel_loop3A_111 = arith.constant 15 : i32
        %parallel_loop3A_112 = vector.broadcast %parallel_loop3A_111 : i32 to vector<16xi32>
        %parallel_loop3A_113 = arith.andi %parallel_loop3A_110, %parallel_loop3A_112 : vector<16xi32>
        %parallel_loop3A_114 = arith.constant 128 : i32
        %parallel_loop3A_115 = vector.broadcast %parallel_loop3A_114 : i32 to vector<16xi32>
        %parallel_loop3A_116 = arith.muli %parallel_loop3A_113, %parallel_loop3A_115 : vector<16xi32>
        %parallel_loop3A_117 = arith.addi %parallel_loop3A_116, %parallel_loop3A_19 : vector<16xi32>
        %parallel_loop3A_118 = tpu.vector_load_idx %arg5[%parallel_loop3A_117] : memref<2048xf32, #tpu.memory_space<vmem>>[vector<16xi32>], vector<16xf32>,
        tpu.vector_store_idx %arg7[%parallel_loop3A_18, %mul3A_11, %parallel_loop3A_113], %parallel_loop3A_118 : memref<3136x1x16xf32, #tpu.memory_space<vmem>>[vector<16xi32>, vector<16xi32>, vector<16xi32>], vector<16xf32>,
        %parallel_loop3A_119 = arith.constant 9 : i32
        %parallel_loop3A_120 = vector.broadcast %parallel_loop3A_119 : i32 to vector<16xi32>
        %parallel_loop3A_121 = arith.addi %parallel_loop3A_120, %iota3A : vector<16xi32>
        %parallel_loop3A_122 = arith.constant 15 : i32
        %parallel_loop3A_123 = vector.broadcast %parallel_loop3A_122 : i32 to vector<16xi32>
        %parallel_loop3A_124 = arith.andi %parallel_loop3A_121, %parallel_loop3A_123 : vector<16xi32>
        %parallel_loop3A_125 = arith.constant 128 : i32
        %parallel_loop3A_126 = vector.broadcast %parallel_loop3A_125 : i32 to vector<16xi32>
        %parallel_loop3A_127 = arith.muli %parallel_loop3A_124, %parallel_loop3A_126 : vector<16xi32>
        %parallel_loop3A_128 = arith.addi %parallel_loop3A_127, %parallel_loop3A_19 : vector<16xi32>
        %parallel_loop3A_129 = tpu.vector_load_idx %arg5[%parallel_loop3A_128] : memref<2048xf32, #tpu.memory_space<vmem>>[vector<16xi32>], vector<16xf32>,
        tpu.vector_store_idx %arg7[%parallel_loop3A_18, %mul3A_11, %parallel_loop3A_124], %parallel_loop3A_129 : memref<3136x1x16xf32, #tpu.memory_space<vmem>>[vector<16xi32>, vector<16xi32>, vector<16xi32>], vector<16xf32>,
        %parallel_loop3A_130 = arith.constant 10 : i32
        %parallel_loop3A_131 = vector.broadcast %parallel_loop3A_130 : i32 to vector<16xi32>
        %parallel_loop3A_132 = arith.addi %parallel_loop3A_131, %iota3A : vector<16xi32>
        %parallel_loop3A_133 = arith.constant 15 : i32
        %parallel_loop3A_134 = vector.broadcast %parallel_loop3A_133 : i32 to vector<16xi32>
        %parallel_loop3A_135 = arith.andi %parallel_loop3A_132, %parallel_loop3A_134 : vector<16xi32>
        %parallel_loop3A_136 = arith.constant 128 : i32
        %parallel_loop3A_137 = vector.broadcast %parallel_loop3A_136 : i32 to vector<16xi32>
        %parallel_loop3A_138 = arith.muli %parallel_loop3A_135, %parallel_loop3A_137 : vector<16xi32>
        %parallel_loop3A_139 = arith.addi %parallel_loop3A_138, %parallel_loop3A_19 : vector<16xi32>
        %parallel_loop3A_140 = tpu.vector_load_idx %arg5[%parallel_loop3A_139] : memref<2048xf32, #tpu.memory_space<vmem>>[vector<16xi32>], vector<16xf32>,
        tpu.vector_store_idx %arg7[%parallel_loop3A_18, %mul3A_11, %parallel_loop3A_135], %parallel_loop3A_140 : memref<3136x1x16xf32, #tpu.memory_space<vmem>>[vector<16xi32>, vector<16xi32>, vector<16xi32>], vector<16xf32>,
        %parallel_loop3A_141 = arith.constant 11 : i32
        %parallel_loop3A_142 = vector.broadcast %parallel_loop3A_141 : i32 to vector<16xi32>
        %parallel_loop3A_143 = arith.addi %parallel_loop3A_142, %iota3A : vector<16xi32>
        %parallel_loop3A_144 = arith.constant 15 : i32
        %parallel_loop3A_145 = vector.broadcast %parallel_loop3A_144 : i32 to vector<16xi32>
        %parallel_loop3A_146 = arith.andi %parallel_loop3A_143, %parallel_loop3A_145 : vector<16xi32>
        %parallel_loop3A_147 = arith.constant 128 : i32
        %parallel_loop3A_148 = vector.broadcast %parallel_loop3A_147 : i32 to vector<16xi32>
        %parallel_loop3A_149 = arith.muli %parallel_loop3A_146, %parallel_loop3A_148 : vector<16xi32>
        %parallel_loop3A_150 = arith.addi %parallel_loop3A_149, %parallel_loop3A_19 : vector<16xi32>
        %parallel_loop3A_151 = tpu.vector_load_idx %arg5[%parallel_loop3A_150] : memref<2048xf32, #tpu.memory_space<vmem>>[vector<16xi32>], vector<16xf32>,
        tpu.vector_store_idx %arg7[%parallel_loop3A_18, %mul3A_11, %parallel_loop3A_146], %parallel_loop3A_151 : memref<3136x1x16xf32, #tpu.memory_space<vmem>>[vector<16xi32>, vector<16xi32>, vector<16xi32>], vector<16xf32>,
        %parallel_loop3A_152 = arith.constant 12 : i32
        %parallel_loop3A_153 = vector.broadcast %parallel_loop3A_152 : i32 to vector<16xi32>
        %parallel_loop3A_154 = arith.addi %parallel_loop3A_153, %iota3A : vector<16xi32>
        %parallel_loop3A_155 = arith.constant 15 : i32
        %parallel_loop3A_156 = vector.broadcast %parallel_loop3A_155 : i32 to vector<16xi32>
        %parallel_loop3A_157 = arith.andi %parallel_loop3A_154, %parallel_loop3A_156 : vector<16xi32>
        %parallel_loop3A_158 = arith.constant 128 : i32
        %parallel_loop3A_159 = vector.broadcast %parallel_loop3A_158 : i32 to vector<16xi32>
        %parallel_loop3A_160 = arith.muli %parallel_loop3A_157, %parallel_loop3A_159 : vector<16xi32>
        %parallel_loop3A_161 = arith.addi %parallel_loop3A_160, %parallel_loop3A_19 : vector<16xi32>
        %parallel_loop3A_162 = tpu.vector_load_idx %arg5[%parallel_loop3A_161] : memref<2048xf32, #tpu.memory_space<vmem>>[vector<16xi32>], vector<16xf32>,
        tpu.vector_store_idx %arg7[%parallel_loop3A_18, %mul3A_11, %parallel_loop3A_157], %parallel_loop3A_162 : memref<3136x1x16xf32, #tpu.memory_space<vmem>>[vector<16xi32>, vector<16xi32>, vector<16xi32>], vector<16xf32>,
        %parallel_loop3A_163 = arith.constant 13 : i32
        %parallel_loop3A_164 = vector.broadcast %parallel_loop3A_163 : i32 to vector<16xi32>
        %parallel_loop3A_165 = arith.addi %parallel_loop3A_164, %iota3A : vector<16xi32>
        %parallel_loop3A_166 = arith.constant 15 : i32
        %parallel_loop3A_167 = vector.broadcast %parallel_loop3A_166 : i32 to vector<16xi32>
        %parallel_loop3A_168 = arith.andi %parallel_loop3A_165, %parallel_loop3A_167 : vector<16xi32>
        %parallel_loop3A_169 = arith.constant 128 : i32
        %parallel_loop3A_170 = vector.broadcast %parallel_loop3A_169 : i32 to vector<16xi32>
        %parallel_loop3A_171 = arith.muli %parallel_loop3A_168, %parallel_loop3A_170 : vector<16xi32>
        %parallel_loop3A_172 = arith.addi %parallel_loop3A_171, %parallel_loop3A_19 : vector<16xi32>
        %parallel_loop3A_173 = tpu.vector_load_idx %arg5[%parallel_loop3A_172] : memref<2048xf32, #tpu.memory_space<vmem>>[vector<16xi32>], vector<16xf32>,
        tpu.vector_store_idx %arg7[%parallel_loop3A_18, %mul3A_11, %parallel_loop3A_168], %parallel_loop3A_173 : memref<3136x1x16xf32, #tpu.memory_space<vmem>>[vector<16xi32>, vector<16xi32>, vector<16xi32>], vector<16xf32>,
        %parallel_loop3A_174 = arith.constant 14 : i32
        %parallel_loop3A_175 = vector.broadcast %parallel_loop3A_174 : i32 to vector<16xi32>
        %parallel_loop3A_176 = arith.addi %parallel_loop3A_175, %iota3A : vector<16xi32>
        %parallel_loop3A_177 = arith.constant 15 : i32
        %parallel_loop3A_178 = vector.broadcast %parallel_loop3A_177 : i32 to vector<16xi32>
        %parallel_loop3A_179 = arith.andi %parallel_loop3A_176, %parallel_loop3A_178 : vector<16xi32>
        %parallel_loop3A_180 = arith.constant 128 : i32
        %parallel_loop3A_181 = vector.broadcast %parallel_loop3A_180 : i32 to vector<16xi32>
        %parallel_loop3A_182 = arith.muli %parallel_loop3A_179, %parallel_loop3A_181 : vector<16xi32>
        %parallel_loop3A_183 = arith.addi %parallel_loop3A_182, %parallel_loop3A_19 : vector<16xi32>
        %parallel_loop3A_184 = tpu.vector_load_idx %arg5[%parallel_loop3A_183] : memref<2048xf32, #tpu.memory_space<vmem>>[vector<16xi32>], vector<16xf32>,
        tpu.vector_store_idx %arg7[%parallel_loop3A_18, %mul3A_11, %parallel_loop3A_179], %parallel_loop3A_184 : memref<3136x1x16xf32, #tpu.memory_space<vmem>>[vector<16xi32>, vector<16xi32>, vector<16xi32>], vector<16xf32>,
        %parallel_loop3A_185 = arith.constant 15 : i32
        %parallel_loop3A_186 = vector.broadcast %parallel_loop3A_185 : i32 to vector<16xi32>
        %parallel_loop3A_187 = arith.addi %parallel_loop3A_186, %iota3A : vector<16xi32>
        %parallel_loop3A_188 = arith.constant 15 : i32
        %parallel_loop3A_189 = vector.broadcast %parallel_loop3A_188 : i32 to vector<16xi32>
        %parallel_loop3A_190 = arith.andi %parallel_loop3A_187, %parallel_loop3A_189 : vector<16xi32>
        %parallel_loop3A_191 = arith.constant 128 : i32
        %parallel_loop3A_192 = vector.broadcast %parallel_loop3A_191 : i32 to vector<16xi32>
        %parallel_loop3A_193 = arith.muli %parallel_loop3A_190, %parallel_loop3A_192 : vector<16xi32>
        %parallel_loop3A_194 = arith.addi %parallel_loop3A_193, %parallel_loop3A_19 : vector<16xi32>
        %parallel_loop3A_195 = tpu.vector_load_idx %arg5[%parallel_loop3A_194] : memref<2048xf32, #tpu.memory_space<vmem>>[vector<16xi32>], vector<16xf32>,
        tpu.vector_store_idx %arg7[%parallel_loop3A_18, %mul3A_11, %parallel_loop3A_190], %parallel_loop3A_195 : memref<3136x1x16xf32, #tpu.memory_space<vmem>>[vector<16xi32>, vector<16xi32>, vector<16xi32>], vector<16xf32>,
      } {sc.loop_unroll_factor = 8 : i64, sc.parallel_access}
      "tpu.region"() ({
        %run_scoped3A = tpu.sem_alloc : memref<!tpu.dma_semaphore, #tpu.memory_space<semaphore_mem>>
        %dma_start3A = arith.constant 0 : i32
        %dma_start3A_14 = arith.constant 0 : i32
        %dma_start3A_15 = arith.constant 0 : i32
        %dma_start3A_16 = tpu.memref_slice %arg7[%dma_start3A, %dma_start3A_14, %dma_start3A_15] : memref<3136x1x16xf32, #tpu.memory_space<vmem>> -> memref<3136x1x16xf32, #tpu.memory_space<vmem>>
        %dma_start3A_17 = arith.constant 0 : i32
        %dma_start3A_18 = arith.constant 0 : i32
        %dma_start3A_19 = tpu.memref_slice %arg4[%mul3A_2, %dma_start3A_17, %dma_start3A_18] : memref<100000x1x16xf32, #tpu.memory_space<hbm>> -> memref<3136x1x16xf32, #tpu.memory_space<hbm>>
        %dma_start3A_20 = arith.constant 0 : i32
        %dma_start3A_21 = arith.constant 0 : i32
        %dma_start3A_22 = tpu.memref_slice %arg4[%mul3A_2, %dma_start3A_20, %dma_start3A_21] : memref<100000x1x16xf32, #tpu.memory_space<hbm>> -> memref<3136x1x16xf32, #tpu.memory_space<hbm>>
        %dma_start3A_23 = arith.constant 0 : i32
        %dma_start3A_24 = arith.constant 0 : i32
        %dma_start3A_25 = arith.constant 0 : i32
        %dma_start3A_26 = tpu.memref_slice %arg7[%dma_start3A_23, %dma_start3A_24, %dma_start3A_25] : memref<3136x1x16xf32, #tpu.memory_space<vmem>> -> memref<3136x1x16xf32, #tpu.memory_space<vmem>>
        tpu.enqueue_dma source(%dma_start3A_26 : memref<3136x1x16xf32, #tpu.memory_space<vmem>>) target(%dma_start3A_22 : memref<3136x1x16xf32, #tpu.memory_space<hbm>>) target_semaphore(%run_scoped3A : memref<!tpu.dma_semaphore, #tpu.memory_space<semaphore_mem>>)
        %dma_wait3A = arith.constant 0 : i32
        %dma_wait3A_27 = arith.constant 0 : i32
        %dma_wait3A_28 = arith.constant 0 : i32
        %dma_wait3A_29 = tpu.memref_slice %arg7[%dma_wait3A, %dma_wait3A_27, %dma_wait3A_28] : memref<3136x1x16xf32, #tpu.memory_space<vmem>> -> memref<3136x1x16xf32, #tpu.memory_space<vmem>>
        %dma_wait3A_30 = arith.constant 0 : i32
        %dma_wait3A_31 = arith.constant 0 : i32
        %dma_wait3A_32 = tpu.memref_slice %arg4[%mul3A_2, %dma_wait3A_30, %dma_wait3A_31] : memref<100000x1x16xf32, #tpu.memory_space<hbm>> -> memref<3136x1x16xf32, #tpu.memory_space<hbm>>
        %dma_wait3A_33 = arith.constant 0 : i32
        %dma_wait3A_34 = arith.constant 0 : i32
        %dma_wait3A_35 = tpu.memref_slice %arg4[%mul3A_2, %dma_wait3A_33, %dma_wait3A_34] : memref<100000x1x16xf32, #tpu.memory_space<hbm>> -> memref<3136x1x16xf32, #tpu.memory_space<hbm>>
        %dma_wait3A_36 = arith.constant 0 : i32
        %dma_wait3A_37 = arith.constant 0 : i32
        %dma_wait3A_38 = arith.constant 0 : i32
        %dma_wait3A_39 = tpu.memref_slice %arg7[%dma_wait3A_36, %dma_wait3A_37, %dma_wait3A_38] : memref<3136x1x16xf32, #tpu.memory_space<vmem>> -> memref<3136x1x16xf32, #tpu.memory_space<vmem>>
        tpu.wait_dma2 semaphore(%run_scoped3A : memref<!tpu.dma_semaphore, #tpu.memory_space<semaphore_mem>>) src(%dma_wait3A_39 : memref<3136x1x16xf32, #tpu.memory_space<vmem>>) dst(%dma_wait3A_35 : memref<3136x1x16xf32, #tpu.memory_space<hbm>>)
        tpu.yield
      }) : () -> ()
    } else {
    }
    %eq3A = arith.constant 31 : i32
    %eq3A_5 = arith.cmpi eq, %add3A, %eq3A : i32
    %convert_element_type3A_6 = arith.extui %eq3A_5 : i1 to i32
    %cond3A_7 = arith.constant 0 : i32
    %cond3A_8 = arith.cmpi ne, %convert_element_type3A_6, %cond3A_7 : i32
    scf.if %cond3A_8 {
      "tpu.region"() ({
        %run_scoped3A = tpu.sem_alloc : memref<!tpu.dma_semaphore, #tpu.memory_space<semaphore_mem>>
        %dma_start3A = arith.constant 0 : i32
        %dma_start3A_14 = tpu.memref_slice %arg6[%dma_start3A] : memref<3136xi32, #tpu.memory_space<vmem>> -> memref<2784xi32, #tpu.memory_space<vmem>>
        %dma_start3A_15 = tpu.memref_slice %arg2[%mul3A_2] : memref<100000xi32, #tpu.memory_space<hbm>> -> memref<2784xi32, #tpu.memory_space<hbm>>
        %dma_start3A_16 = arith.constant 0 : i32
        %dma_start3A_17 = tpu.memref_slice %arg6[%dma_start3A_16] : memref<3136xi32, #tpu.memory_space<vmem>> -> memref<2784xi32, #tpu.memory_space<vmem>>
        %dma_start3A_18 = tpu.memref_slice %arg2[%mul3A_2] : memref<100000xi32, #tpu.memory_space<hbm>> -> memref<2784xi32, #tpu.memory_space<hbm>>
        tpu.enqueue_dma source(%dma_start3A_18 : memref<2784xi32, #tpu.memory_space<hbm>>) target(%dma_start3A_17 : memref<2784xi32, #tpu.memory_space<vmem>>) target_semaphore(%run_scoped3A : memref<!tpu.dma_semaphore, #tpu.memory_space<semaphore_mem>>)
        %dma_wait3A = arith.constant 0 : i32
        %dma_wait3A_19 = tpu.memref_slice %arg6[%dma_wait3A] : memref<3136xi32, #tpu.memory_space<vmem>> -> memref<2784xi32, #tpu.memory_space<vmem>>
        %dma_wait3A_20 = tpu.memref_slice %arg2[%mul3A_2] : memref<100000xi32, #tpu.memory_space<hbm>> -> memref<2784xi32, #tpu.memory_space<hbm>>
        %dma_wait3A_21 = arith.constant 0 : i32
        %dma_wait3A_22 = tpu.memref_slice %arg6[%dma_wait3A_21] : memref<3136xi32, #tpu.memory_space<vmem>> -> memref<2784xi32, #tpu.memory_space<vmem>>
        %dma_wait3A_23 = tpu.memref_slice %arg2[%mul3A_2] : memref<100000xi32, #tpu.memory_space<hbm>> -> memref<2784xi32, #tpu.memory_space<hbm>>
        tpu.wait_dma2 semaphore(%run_scoped3A : memref<!tpu.dma_semaphore, #tpu.memory_space<semaphore_mem>>) src(%dma_wait3A_23 : memref<2784xi32, #tpu.memory_space<hbm>>) dst(%dma_wait3A_22 : memref<2784xi32, #tpu.memory_space<vmem>>)
        tpu.yield
      }) : () -> ()
      %mul3A_9 = arith.constant 0 : i32
      %mul3A_10 = vector.broadcast %mul3A_9 : i32 to vector<16xi32>
      %mul3A_11 = arith.muli %iota3A, %mul3A_10 : vector<16xi32>
      %parallel_loop3A = arith.constant 0 : i32
      %parallel_loop3A_12 = arith.constant 174 : i32
      %parallel_loop3A_13 = arith.constant 1 : i32
      scf.for %parallel_loop3A_14 = %parallel_loop3A to %parallel_loop3A_12 step %parallel_loop3A_13  : i32 {
        %parallel_loop3A_15 = arith.constant 16 : i32
        %parallel_loop3A_16 = arith.muli %parallel_loop3A_14, %parallel_loop3A_15 : i32
        %parallel_loop3A_17 = vector.broadcast %parallel_loop3A_16 : i32 to vector<16xi32>
        %parallel_loop3A_18 = arith.addi %parallel_loop3A_17, %iota3A : vector<16xi32>
        %parallel_loop3A_19 = tpu.vector_load_idx %arg6[%parallel_loop3A_18] : memref<3136xi32, #tpu.memory_space<vmem>>[vector<16xi32>], vector<16xi32>,
        %parallel_loop3A_20 = arith.constant 0 : i32
        %parallel_loop3A_21 = vector.broadcast %parallel_loop3A_20 : i32 to vector<16xi32>
        %parallel_loop3A_22 = arith.addi %parallel_loop3A_21, %iota3A : vector<16xi32>
        %parallel_loop3A_23 = arith.constant 15 : i32
        %parallel_loop3A_24 = vector.broadcast %parallel_loop3A_23 : i32 to vector<16xi32>
        %parallel_loop3A_25 = arith.andi %parallel_loop3A_22, %parallel_loop3A_24 : vector<16xi32>
        %parallel_loop3A_26 = arith.constant 128 : i32
        %parallel_loop3A_27 = vector.broadcast %parallel_loop3A_26 : i32 to vector<16xi32>
        %parallel_loop3A_28 = arith.muli %parallel_loop3A_25, %parallel_loop3A_27 : vector<16xi32>
        %parallel_loop3A_29 = arith.addi %parallel_loop3A_28, %parallel_loop3A_19 : vector<16xi32>
        %parallel_loop3A_30 = tpu.vector_load_idx %arg5[%parallel_loop3A_29] : memref<2048xf32, #tpu.memory_space<vmem>>[vector<16xi32>], vector<16xf32>,
        tpu.vector_store_idx %arg7[%parallel_loop3A_18, %mul3A_11, %parallel_loop3A_25], %parallel_loop3A_30 : memref<3136x1x16xf32, #tpu.memory_space<vmem>>[vector<16xi32>, vector<16xi32>, vector<16xi32>], vector<16xf32>,
        %parallel_loop3A_31 = arith.constant 1 : i32
        %parallel_loop3A_32 = vector.broadcast %parallel_loop3A_31 : i32 to vector<16xi32>
        %parallel_loop3A_33 = arith.addi %parallel_loop3A_32, %iota3A : vector<16xi32>
        %parallel_loop3A_34 = arith.constant 15 : i32
        %parallel_loop3A_35 = vector.broadcast %parallel_loop3A_34 : i32 to vector<16xi32>
        %parallel_loop3A_36 = arith.andi %parallel_loop3A_33, %parallel_loop3A_35 : vector<16xi32>
        %parallel_loop3A_37 = arith.constant 128 : i32
        %parallel_loop3A_38 = vector.broadcast %parallel_loop3A_37 : i32 to vector<16xi32>
        %parallel_loop3A_39 = arith.muli %parallel_loop3A_36, %parallel_loop3A_38 : vector<16xi32>
        %parallel_loop3A_40 = arith.addi %parallel_loop3A_39, %parallel_loop3A_19 : vector<16xi32>
        %parallel_loop3A_41 = tpu.vector_load_idx %arg5[%parallel_loop3A_40] : memref<2048xf32, #tpu.memory_space<vmem>>[vector<16xi32>], vector<16xf32>,
        tpu.vector_store_idx %arg7[%parallel_loop3A_18, %mul3A_11, %parallel_loop3A_36], %parallel_loop3A_41 : memref<3136x1x16xf32, #tpu.memory_space<vmem>>[vector<16xi32>, vector<16xi32>, vector<16xi32>], vector<16xf32>,
        %parallel_loop3A_42 = arith.constant 2 : i32
        %parallel_loop3A_43 = vector.broadcast %parallel_loop3A_42 : i32 to vector<16xi32>
        %parallel_loop3A_44 = arith.addi %parallel_loop3A_43, %iota3A : vector<16xi32>
        %parallel_loop3A_45 = arith.constant 15 : i32
        %parallel_loop3A_46 = vector.broadcast %parallel_loop3A_45 : i32 to vector<16xi32>
        %parallel_loop3A_47 = arith.andi %parallel_loop3A_44, %parallel_loop3A_46 : vector<16xi32>
        %parallel_loop3A_48 = arith.constant 128 : i32
        %parallel_loop3A_49 = vector.broadcast %parallel_loop3A_48 : i32 to vector<16xi32>
        %parallel_loop3A_50 = arith.muli %parallel_loop3A_47, %parallel_loop3A_49 : vector<16xi32>
        %parallel_loop3A_51 = arith.addi %parallel_loop3A_50, %parallel_loop3A_19 : vector<16xi32>
        %parallel_loop3A_52 = tpu.vector_load_idx %arg5[%parallel_loop3A_51] : memref<2048xf32, #tpu.memory_space<vmem>>[vector<16xi32>], vector<16xf32>,
        tpu.vector_store_idx %arg7[%parallel_loop3A_18, %mul3A_11, %parallel_loop3A_47], %parallel_loop3A_52 : memref<3136x1x16xf32, #tpu.memory_space<vmem>>[vector<16xi32>, vector<16xi32>, vector<16xi32>], vector<16xf32>,
        %parallel_loop3A_53 = arith.constant 3 : i32
        %parallel_loop3A_54 = vector.broadcast %parallel_loop3A_53 : i32 to vector<16xi32>
        %parallel_loop3A_55 = arith.addi %parallel_loop3A_54, %iota3A : vector<16xi32>
        %parallel_loop3A_56 = arith.constant 15 : i32
        %parallel_loop3A_57 = vector.broadcast %parallel_loop3A_56 : i32 to vector<16xi32>
        %parallel_loop3A_58 = arith.andi %parallel_loop3A_55, %parallel_loop3A_57 : vector<16xi32>
        %parallel_loop3A_59 = arith.constant 128 : i32
        %parallel_loop3A_60 = vector.broadcast %parallel_loop3A_59 : i32 to vector<16xi32>
        %parallel_loop3A_61 = arith.muli %parallel_loop3A_58, %parallel_loop3A_60 : vector<16xi32>
        %parallel_loop3A_62 = arith.addi %parallel_loop3A_61, %parallel_loop3A_19 : vector<16xi32>
        %parallel_loop3A_63 = tpu.vector_load_idx %arg5[%parallel_loop3A_62] : memref<2048xf32, #tpu.memory_space<vmem>>[vector<16xi32>], vector<16xf32>,
        tpu.vector_store_idx %arg7[%parallel_loop3A_18, %mul3A_11, %parallel_loop3A_58], %parallel_loop3A_63 : memref<3136x1x16xf32, #tpu.memory_space<vmem>>[vector<16xi32>, vector<16xi32>, vector<16xi32>], vector<16xf32>,
        %parallel_loop3A_64 = arith.constant 4 : i32
        %parallel_loop3A_65 = vector.broadcast %parallel_loop3A_64 : i32 to vector<16xi32>
        %parallel_loop3A_66 = arith.addi %parallel_loop3A_65, %iota3A : vector<16xi32>
        %parallel_loop3A_67 = arith.constant 15 : i32
        %parallel_loop3A_68 = vector.broadcast %parallel_loop3A_67 : i32 to vector<16xi32>
        %parallel_loop3A_69 = arith.andi %parallel_loop3A_66, %parallel_loop3A_68 : vector<16xi32>
        %parallel_loop3A_70 = arith.constant 128 : i32
        %parallel_loop3A_71 = vector.broadcast %parallel_loop3A_70 : i32 to vector<16xi32>
        %parallel_loop3A_72 = arith.muli %parallel_loop3A_69, %parallel_loop3A_71 : vector<16xi32>
        %parallel_loop3A_73 = arith.addi %parallel_loop3A_72, %parallel_loop3A_19 : vector<16xi32>
        %parallel_loop3A_74 = tpu.vector_load_idx %arg5[%parallel_loop3A_73] : memref<2048xf32, #tpu.memory_space<vmem>>[vector<16xi32>], vector<16xf32>,
        tpu.vector_store_idx %arg7[%parallel_loop3A_18, %mul3A_11, %parallel_loop3A_69], %parallel_loop3A_74 : memref<3136x1x16xf32, #tpu.memory_space<vmem>>[vector<16xi32>, vector<16xi32>, vector<16xi32>], vector<16xf32>,
        %parallel_loop3A_75 = arith.constant 5 : i32
        %parallel_loop3A_76 = vector.broadcast %parallel_loop3A_75 : i32 to vector<16xi32>
        %parallel_loop3A_77 = arith.addi %parallel_loop3A_76, %iota3A : vector<16xi32>
        %parallel_loop3A_78 = arith.constant 15 : i32
        %parallel_loop3A_79 = vector.broadcast %parallel_loop3A_78 : i32 to vector<16xi32>
        %parallel_loop3A_80 = arith.andi %parallel_loop3A_77, %parallel_loop3A_79 : vector<16xi32>
        %parallel_loop3A_81 = arith.constant 128 : i32
        %parallel_loop3A_82 = vector.broadcast %parallel_loop3A_81 : i32 to vector<16xi32>
        %parallel_loop3A_83 = arith.muli %parallel_loop3A_80, %parallel_loop3A_82 : vector<16xi32>
        %parallel_loop3A_84 = arith.addi %parallel_loop3A_83, %parallel_loop3A_19 : vector<16xi32>
        %parallel_loop3A_85 = tpu.vector_load_idx %arg5[%parallel_loop3A_84] : memref<2048xf32, #tpu.memory_space<vmem>>[vector<16xi32>], vector<16xf32>,
        tpu.vector_store_idx %arg7[%parallel_loop3A_18, %mul3A_11, %parallel_loop3A_80], %parallel_loop3A_85 : memref<3136x1x16xf32, #tpu.memory_space<vmem>>[vector<16xi32>, vector<16xi32>, vector<16xi32>], vector<16xf32>,
        %parallel_loop3A_86 = arith.constant 6 : i32
        %parallel_loop3A_87 = vector.broadcast %parallel_loop3A_86 : i32 to vector<16xi32>
        %parallel_loop3A_88 = arith.addi %parallel_loop3A_87, %iota3A : vector<16xi32>
        %parallel_loop3A_89 = arith.constant 15 : i32
        %parallel_loop3A_90 = vector.broadcast %parallel_loop3A_89 : i32 to vector<16xi32>
        %parallel_loop3A_91 = arith.andi %parallel_loop3A_88, %parallel_loop3A_90 : vector<16xi32>
        %parallel_loop3A_92 = arith.constant 128 : i32
        %parallel_loop3A_93 = vector.broadcast %parallel_loop3A_92 : i32 to vector<16xi32>
        %parallel_loop3A_94 = arith.muli %parallel_loop3A_91, %parallel_loop3A_93 : vector<16xi32>
        %parallel_loop3A_95 = arith.addi %parallel_loop3A_94, %parallel_loop3A_19 : vector<16xi32>
        %parallel_loop3A_96 = tpu.vector_load_idx %arg5[%parallel_loop3A_95] : memref<2048xf32, #tpu.memory_space<vmem>>[vector<16xi32>], vector<16xf32>,
        tpu.vector_store_idx %arg7[%parallel_loop3A_18, %mul3A_11, %parallel_loop3A_91], %parallel_loop3A_96 : memref<3136x1x16xf32, #tpu.memory_space<vmem>>[vector<16xi32>, vector<16xi32>, vector<16xi32>], vector<16xf32>,
        %parallel_loop3A_97 = arith.constant 7 : i32
        %parallel_loop3A_98 = vector.broadcast %parallel_loop3A_97 : i32 to vector<16xi32>
        %parallel_loop3A_99 = arith.addi %parallel_loop3A_98, %iota3A : vector<16xi32>
        %parallel_loop3A_100 = arith.constant 15 : i32
        %parallel_loop3A_101 = vector.broadcast %parallel_loop3A_100 : i32 to vector<16xi32>
        %parallel_loop3A_102 = arith.andi %parallel_loop3A_99, %parallel_loop3A_101 : vector<16xi32>
        %parallel_loop3A_103 = arith.constant 128 : i32
        %parallel_loop3A_104 = vector.broadcast %parallel_loop3A_103 : i32 to vector<16xi32>
        %parallel_loop3A_105 = arith.muli %parallel_loop3A_102, %parallel_loop3A_104 : vector<16xi32>
        %parallel_loop3A_106 = arith.addi %parallel_loop3A_105, %parallel_loop3A_19 : vector<16xi32>
        %parallel_loop3A_107 = tpu.vector_load_idx %arg5[%parallel_loop3A_106] : memref<2048xf32, #tpu.memory_space<vmem>>[vector<16xi32>], vector<16xf32>,
        tpu.vector_store_idx %arg7[%parallel_loop3A_18, %mul3A_11, %parallel_loop3A_102], %parallel_loop3A_107 : memref<3136x1x16xf32, #tpu.memory_space<vmem>>[vector<16xi32>, vector<16xi32>, vector<16xi32>], vector<16xf32>,
        %parallel_loop3A_108 = arith.constant 8 : i32
        %parallel_loop3A_109 = vector.broadcast %parallel_loop3A_108 : i32 to vector<16xi32>
        %parallel_loop3A_110 = arith.addi %parallel_loop3A_109, %iota3A : vector<16xi32>
        %parallel_loop3A_111 = arith.constant 15 : i32
        %parallel_loop3A_112 = vector.broadcast %parallel_loop3A_111 : i32 to vector<16xi32>
        %parallel_loop3A_113 = arith.andi %parallel_loop3A_110, %parallel_loop3A_112 : vector<16xi32>
        %parallel_loop3A_114 = arith.constant 128 : i32
        %parallel_loop3A_115 = vector.broadcast %parallel_loop3A_114 : i32 to vector<16xi32>
        %parallel_loop3A_116 = arith.muli %parallel_loop3A_113, %parallel_loop3A_115 : vector<16xi32>
        %parallel_loop3A_117 = arith.addi %parallel_loop3A_116, %parallel_loop3A_19 : vector<16xi32>
        %parallel_loop3A_118 = tpu.vector_load_idx %arg5[%parallel_loop3A_117] : memref<2048xf32, #tpu.memory_space<vmem>>[vector<16xi32>], vector<16xf32>,
        tpu.vector_store_idx %arg7[%parallel_loop3A_18, %mul3A_11, %parallel_loop3A_113], %parallel_loop3A_118 : memref<3136x1x16xf32, #tpu.memory_space<vmem>>[vector<16xi32>, vector<16xi32>, vector<16xi32>], vector<16xf32>,
        %parallel_loop3A_119 = arith.constant 9 : i32
        %parallel_loop3A_120 = vector.broadcast %parallel_loop3A_119 : i32 to vector<16xi32>
        %parallel_loop3A_121 = arith.addi %parallel_loop3A_120, %iota3A : vector<16xi32>
        %parallel_loop3A_122 = arith.constant 15 : i32
        %parallel_loop3A_123 = vector.broadcast %parallel_loop3A_122 : i32 to vector<16xi32>
        %parallel_loop3A_124 = arith.andi %parallel_loop3A_121, %parallel_loop3A_123 : vector<16xi32>
        %parallel_loop3A_125 = arith.constant 128 : i32
        %parallel_loop3A_126 = vector.broadcast %parallel_loop3A_125 : i32 to vector<16xi32>
        %parallel_loop3A_127 = arith.muli %parallel_loop3A_124, %parallel_loop3A_126 : vector<16xi32>
        %parallel_loop3A_128 = arith.addi %parallel_loop3A_127, %parallel_loop3A_19 : vector<16xi32>
        %parallel_loop3A_129 = tpu.vector_load_idx %arg5[%parallel_loop3A_128] : memref<2048xf32, #tpu.memory_space<vmem>>[vector<16xi32>], vector<16xf32>,
        tpu.vector_store_idx %arg7[%parallel_loop3A_18, %mul3A_11, %parallel_loop3A_124], %parallel_loop3A_129 : memref<3136x1x16xf32, #tpu.memory_space<vmem>>[vector<16xi32>, vector<16xi32>, vector<16xi32>], vector<16xf32>,
        %parallel_loop3A_130 = arith.constant 10 : i32
        %parallel_loop3A_131 = vector.broadcast %parallel_loop3A_130 : i32 to vector<16xi32>
        %parallel_loop3A_132 = arith.addi %parallel_loop3A_131, %iota3A : vector<16xi32>
        %parallel_loop3A_133 = arith.constant 15 : i32
        %parallel_loop3A_134 = vector.broadcast %parallel_loop3A_133 : i32 to vector<16xi32>
        %parallel_loop3A_135 = arith.andi %parallel_loop3A_132, %parallel_loop3A_134 : vector<16xi32>
        %parallel_loop3A_136 = arith.constant 128 : i32
        %parallel_loop3A_137 = vector.broadcast %parallel_loop3A_136 : i32 to vector<16xi32>
        %parallel_loop3A_138 = arith.muli %parallel_loop3A_135, %parallel_loop3A_137 : vector<16xi32>
        %parallel_loop3A_139 = arith.addi %parallel_loop3A_138, %parallel_loop3A_19 : vector<16xi32>
        %parallel_loop3A_140 = tpu.vector_load_idx %arg5[%parallel_loop3A_139] : memref<2048xf32, #tpu.memory_space<vmem>>[vector<16xi32>], vector<16xf32>,
        tpu.vector_store_idx %arg7[%parallel_loop3A_18, %mul3A_11, %parallel_loop3A_135], %parallel_loop3A_140 : memref<3136x1x16xf32, #tpu.memory_space<vmem>>[vector<16xi32>, vector<16xi32>, vector<16xi32>], vector<16xf32>,
        %parallel_loop3A_141 = arith.constant 11 : i32
        %parallel_loop3A_142 = vector.broadcast %parallel_loop3A_141 : i32 to vector<16xi32>
        %parallel_loop3A_143 = arith.addi %parallel_loop3A_142, %iota3A : vector<16xi32>
        %parallel_loop3A_144 = arith.constant 15 : i32
        %parallel_loop3A_145 = vector.broadcast %parallel_loop3A_144 : i32 to vector<16xi32>
        %parallel_loop3A_146 = arith.andi %parallel_loop3A_143, %parallel_loop3A_145 : vector<16xi32>
        %parallel_loop3A_147 = arith.constant 128 : i32
        %parallel_loop3A_148 = vector.broadcast %parallel_loop3A_147 : i32 to vector<16xi32>
        %parallel_loop3A_149 = arith.muli %parallel_loop3A_146, %parallel_loop3A_148 : vector<16xi32>
        %parallel_loop3A_150 = arith.addi %parallel_loop3A_149, %parallel_loop3A_19 : vector<16xi32>
        %parallel_loop3A_151 = tpu.vector_load_idx %arg5[%parallel_loop3A_150] : memref<2048xf32, #tpu.memory_space<vmem>>[vector<16xi32>], vector<16xf32>,
        tpu.vector_store_idx %arg7[%parallel_loop3A_18, %mul3A_11, %parallel_loop3A_146], %parallel_loop3A_151 : memref<3136x1x16xf32, #tpu.memory_space<vmem>>[vector<16xi32>, vector<16xi32>, vector<16xi32>], vector<16xf32>,
        %parallel_loop3A_152 = arith.constant 12 : i32
        %parallel_loop3A_153 = vector.broadcast %parallel_loop3A_152 : i32 to vector<16xi32>
        %parallel_loop3A_154 = arith.addi %parallel_loop3A_153, %iota3A : vector<16xi32>
        %parallel_loop3A_155 = arith.constant 15 : i32
        %parallel_loop3A_156 = vector.broadcast %parallel_loop3A_155 : i32 to vector<16xi32>
        %parallel_loop3A_157 = arith.andi %parallel_loop3A_154, %parallel_loop3A_156 : vector<16xi32>
        %parallel_loop3A_158 = arith.constant 128 : i32
        %parallel_loop3A_159 = vector.broadcast %parallel_loop3A_158 : i32 to vector<16xi32>
        %parallel_loop3A_160 = arith.muli %parallel_loop3A_157, %parallel_loop3A_159 : vector<16xi32>
        %parallel_loop3A_161 = arith.addi %parallel_loop3A_160, %parallel_loop3A_19 : vector<16xi32>
        %parallel_loop3A_162 = tpu.vector_load_idx %arg5[%parallel_loop3A_161] : memref<2048xf32, #tpu.memory_space<vmem>>[vector<16xi32>], vector<16xf32>,
        tpu.vector_store_idx %arg7[%parallel_loop3A_18, %mul3A_11, %parallel_loop3A_157], %parallel_loop3A_162 : memref<3136x1x16xf32, #tpu.memory_space<vmem>>[vector<16xi32>, vector<16xi32>, vector<16xi32>], vector<16xf32>,
        %parallel_loop3A_163 = arith.constant 13 : i32
        %parallel_loop3A_164 = vector.broadcast %parallel_loop3A_163 : i32 to vector<16xi32>
        %parallel_loop3A_165 = arith.addi %parallel_loop3A_164, %iota3A : vector<16xi32>
        %parallel_loop3A_166 = arith.constant 15 : i32
        %parallel_loop3A_167 = vector.broadcast %parallel_loop3A_166 : i32 to vector<16xi32>
        %parallel_loop3A_168 = arith.andi %parallel_loop3A_165, %parallel_loop3A_167 : vector<16xi32>
        %parallel_loop3A_169 = arith.constant 128 : i32
        %parallel_loop3A_170 = vector.broadcast %parallel_loop3A_169 : i32 to vector<16xi32>
        %parallel_loop3A_171 = arith.muli %parallel_loop3A_168, %parallel_loop3A_170 : vector<16xi32>
        %parallel_loop3A_172 = arith.addi %parallel_loop3A_171, %parallel_loop3A_19 : vector<16xi32>
        %parallel_loop3A_173 = tpu.vector_load_idx %arg5[%parallel_loop3A_172] : memref<2048xf32, #tpu.memory_space<vmem>>[vector<16xi32>], vector<16xf32>,
        tpu.vector_store_idx %arg7[%parallel_loop3A_18, %mul3A_11, %parallel_loop3A_168], %parallel_loop3A_173 : memref<3136x1x16xf32, #tpu.memory_space<vmem>>[vector<16xi32>, vector<16xi32>, vector<16xi32>], vector<16xf32>,
        %parallel_loop3A_174 = arith.constant 14 : i32
        %parallel_loop3A_175 = vector.broadcast %parallel_loop3A_174 : i32 to vector<16xi32>
        %parallel_loop3A_176 = arith.addi %parallel_loop3A_175, %iota3A : vector<16xi32>
        %parallel_loop3A_177 = arith.constant 15 : i32
        %parallel_loop3A_178 = vector.broadcast %parallel_loop3A_177 : i32 to vector<16xi32>
        %parallel_loop3A_179 = arith.andi %parallel_loop3A_176, %parallel_loop3A_178 : vector<16xi32>
        %parallel_loop3A_180 = arith.constant 128 : i32
        %parallel_loop3A_181 = vector.broadcast %parallel_loop3A_180 : i32 to vector<16xi32>
        %parallel_loop3A_182 = arith.muli %parallel_loop3A_179, %parallel_loop3A_181 : vector<16xi32>
        %parallel_loop3A_183 = arith.addi %parallel_loop3A_182, %parallel_loop3A_19 : vector<16xi32>
        %parallel_loop3A_184 = tpu.vector_load_idx %arg5[%parallel_loop3A_183] : memref<2048xf32, #tpu.memory_space<vmem>>[vector<16xi32>], vector<16xf32>,
        tpu.vector_store_idx %arg7[%parallel_loop3A_18, %mul3A_11, %parallel_loop3A_179], %parallel_loop3A_184 : memref<3136x1x16xf32, #tpu.memory_space<vmem>>[vector<16xi32>, vector<16xi32>, vector<16xi32>], vector<16xf32>,
        %parallel_loop3A_185 = arith.constant 15 : i32
        %parallel_loop3A_186 = vector.broadcast %parallel_loop3A_185 : i32 to vector<16xi32>
        %parallel_loop3A_187 = arith.addi %parallel_loop3A_186, %iota3A : vector<16xi32>
        %parallel_loop3A_188 = arith.constant 15 : i32
        %parallel_loop3A_189 = vector.broadcast %parallel_loop3A_188 : i32 to vector<16xi32>
        %parallel_loop3A_190 = arith.andi %parallel_loop3A_187, %parallel_loop3A_189 : vector<16xi32>
        %parallel_loop3A_191 = arith.constant 128 : i32
        %parallel_loop3A_192 = vector.broadcast %parallel_loop3A_191 : i32 to vector<16xi32>
        %parallel_loop3A_193 = arith.muli %parallel_loop3A_190, %parallel_loop3A_192 : vector<16xi32>
        %parallel_loop3A_194 = arith.addi %parallel_loop3A_193, %parallel_loop3A_19 : vector<16xi32>
        %parallel_loop3A_195 = tpu.vector_load_idx %arg5[%parallel_loop3A_194] : memref<2048xf32, #tpu.memory_space<vmem>>[vector<16xi32>], vector<16xf32>,
        tpu.vector_store_idx %arg7[%parallel_loop3A_18, %mul3A_11, %parallel_loop3A_190], %parallel_loop3A_195 : memref<3136x1x16xf32, #tpu.memory_space<vmem>>[vector<16xi32>, vector<16xi32>, vector<16xi32>], vector<16xf32>,
      } {sc.loop_unroll_factor = 8 : i64, sc.parallel_access}
      "tpu.region"() ({
        %run_scoped3A = tpu.sem_alloc : memref<!tpu.dma_semaphore, #tpu.memory_space<semaphore_mem>>
        %dma_start3A = arith.constant 0 : i32
        %dma_start3A_14 = arith.constant 0 : i32
        %dma_start3A_15 = arith.constant 0 : i32
        %dma_start3A_16 = tpu.memref_slice %arg7[%dma_start3A, %dma_start3A_14, %dma_start3A_15] : memref<3136x1x16xf32, #tpu.memory_space<vmem>> -> memref<2784x1x16xf32, #tpu.memory_space<vmem>>
        %dma_start3A_17 = arith.constant 0 : i32
        %dma_start3A_18 = arith.constant 0 : i32
        %dma_start3A_19 = tpu.memref_slice %arg4[%mul3A_2, %dma_start3A_17, %dma_start3A_18] : memref<100000x1x16xf32, #tpu.memory_space<hbm>> -> memref<2784x1x16xf32, #tpu.memory_space<hbm>>
        %dma_start3A_20 = arith.constant 0 : i32
        %dma_start3A_21 = arith.constant 0 : i32
        %dma_start3A_22 = tpu.memref_slice %arg4[%mul3A_2, %dma_start3A_20, %dma_start3A_21] : memref<100000x1x16xf32, #tpu.memory_space<hbm>> -> memref<2784x1x16xf32, #tpu.memory_space<hbm>>
        %dma_start3A_23 = arith.constant 0 : i32
        %dma_start3A_24 = arith.constant 0 : i32
        %dma_start3A_25 = arith.constant 0 : i32
        %dma_start3A_26 = tpu.memref_slice %arg7[%dma_start3A_23, %dma_start3A_24, %dma_start3A_25] : memref<3136x1x16xf32, #tpu.memory_space<vmem>> -> memref<2784x1x16xf32, #tpu.memory_space<vmem>>
        tpu.enqueue_dma source(%dma_start3A_26 : memref<2784x1x16xf32, #tpu.memory_space<vmem>>) target(%dma_start3A_22 : memref<2784x1x16xf32, #tpu.memory_space<hbm>>) target_semaphore(%run_scoped3A : memref<!tpu.dma_semaphore, #tpu.memory_space<semaphore_mem>>)
        %dma_wait3A = arith.constant 0 : i32
        %dma_wait3A_27 = arith.constant 0 : i32
        %dma_wait3A_28 = arith.constant 0 : i32
        %dma_wait3A_29 = tpu.memref_slice %arg7[%dma_wait3A, %dma_wait3A_27, %dma_wait3A_28] : memref<3136x1x16xf32, #tpu.memory_space<vmem>> -> memref<2784x1x16xf32, #tpu.memory_space<vmem>>
        %dma_wait3A_30 = arith.constant 0 : i32
        %dma_wait3A_31 = arith.constant 0 : i32
        %dma_wait3A_32 = tpu.memref_slice %arg4[%mul3A_2, %dma_wait3A_30, %dma_wait3A_31] : memref<100000x1x16xf32, #tpu.memory_space<hbm>> -> memref<2784x1x16xf32, #tpu.memory_space<hbm>>
        %dma_wait3A_33 = arith.constant 0 : i32
        %dma_wait3A_34 = arith.constant 0 : i32
        %dma_wait3A_35 = tpu.memref_slice %arg4[%mul3A_2, %dma_wait3A_33, %dma_wait3A_34] : memref<100000x1x16xf32, #tpu.memory_space<hbm>> -> memref<2784x1x16xf32, #tpu.memory_space<hbm>>
        %dma_wait3A_36 = arith.constant 0 : i32
        %dma_wait3A_37 = arith.constant 0 : i32
        %dma_wait3A_38 = arith.constant 0 : i32
        %dma_wait3A_39 = tpu.memref_slice %arg7[%dma_wait3A_36, %dma_wait3A_37, %dma_wait3A_38] : memref<3136x1x16xf32, #tpu.memory_space<vmem>> -> memref<2784x1x16xf32, #tpu.memory_space<vmem>>
        tpu.wait_dma2 semaphore(%run_scoped3A : memref<!tpu.dma_semaphore, #tpu.memory_space<semaphore_mem>>) src(%dma_wait3A_39 : memref<2784x1x16xf32, #tpu.memory_space<vmem>>) dst(%dma_wait3A_35 : memref<2784x1x16xf32, #tpu.memory_space<hbm>>)
        tpu.yield
      }) : () -> ()
    } else {
    }
    return
  }
}

module attributes {stable_mosaic.version = 14 : i64} {
  func.func @_table_body(%arg0: memref<20x16x128xf32, #tpu.memory_space<vmem>>, %arg1: memref<20x16xf32, #tpu.memory_space<vmem>>, %arg2: memref<16x128xf32, #tpu.memory_space<vmem>>) attributes {dimension_semantics = [], scalar_prefetch = 0 : i64, scratch_operands = 0 : i64, tpu.core_type = #tpu.core_type<tc>} {
    %get3A = arith.constant 0 : index
    %get3A_0 = arith.constant 0 : index
    %get3A_1 = arith.constant 0 : index
    %get3A_2 = vector.load %arg0[%get3A, %get3A_0, %get3A_1] : memref<20x16x128xf32, #tpu.memory_space<vmem>>, vector<20x16x128xf32>
    %get3A_3 = arith.constant 0 : index
    %get3A_4 = arith.constant 0 : index
    %get3A_5 = vector.load %arg1[%get3A_3, %get3A_4] : memref<20x16xf32, #tpu.memory_space<vmem>>, vector<20x16xf32>
    %reduce_max3A = arith.constant dense<0xFF800000> : vector<20x16xf32>
    %reduce_max3A_6 = vector.multi_reduction <maximumf>, %get3A_2, %reduce_max3A [2] : vector<20x16x128xf32> to vector<20x16xf32>
    %max3A = arith.constant 0xFF800000 : f32
    %max3A_7 = vector.broadcast %max3A : f32 to vector<20x16xf32>
    %max3A_8 = arith.maximumf %max3A_7, %reduce_max3A_6 : vector<20x16xf32>
    %broadcast_in_dim3A = vector.shape_cast %max3A_8 : vector<20x16xf32> to vector<20x16x1xf32>
    %sub3A = vector.broadcast %broadcast_in_dim3A : vector<20x16x1xf32> to vector<20x16x128xf32>
    %sub3A_9 = arith.subf %get3A_2, %sub3A : vector<20x16x128xf32>
    %exp3A = math.exp %sub3A_9 : vector<20x16x128xf32>
    %reduce_sum3A = arith.constant dense<0.000000e+00> : vector<20x16xf32>
    %reduce_sum3A_10 = vector.multi_reduction <add>, %exp3A, %reduce_sum3A [2] : vector<20x16x128xf32> to vector<20x16xf32>
    %broadcast_in_dim3A_11 = vector.shape_cast %reduce_sum3A_10 : vector<20x16xf32> to vector<20x16x1xf32>
    %div3A = vector.broadcast %broadcast_in_dim3A_11 : vector<20x16x1xf32> to vector<20x16x128xf32>
    %div3A_12 = arith.divf %exp3A, %div3A : vector<20x16x128xf32>
    %reduce_max3A_13 = arith.constant dense<0xFF800000> : vector<16xf32>
    %reduce_max3A_14 = vector.multi_reduction <maximumf>, %get3A_5, %reduce_max3A_13 [0] : vector<20x16xf32> to vector<16xf32>
    %max3A_15 = arith.constant 0xFF800000 : f32
    %max3A_16 = vector.broadcast %max3A_15 : f32 to vector<16xf32>
    %max3A_17 = arith.maximumf %max3A_16, %reduce_max3A_14 : vector<16xf32>
    %broadcast_in_dim3A_18 = vector.shape_cast %max3A_17 : vector<16xf32> to vector<1x16xf32>
    %sub3A_19 = vector.broadcast %broadcast_in_dim3A_18 : vector<1x16xf32> to vector<20x16xf32>
    %sub3A_20 = arith.subf %get3A_5, %sub3A_19 : vector<20x16xf32>
    %exp3A_21 = math.exp %sub3A_20 : vector<20x16xf32>
    %reduce_sum3A_22 = arith.constant dense<0.000000e+00> : vector<16xf32>
    %reduce_sum3A_23 = vector.multi_reduction <add>, %exp3A_21, %reduce_sum3A_22 [0] : vector<20x16xf32> to vector<16xf32>
    %broadcast_in_dim3A_24 = vector.shape_cast %reduce_sum3A_23 : vector<16xf32> to vector<1x16xf32>
    %div3A_25 = vector.broadcast %broadcast_in_dim3A_24 : vector<1x16xf32> to vector<20x16xf32>
    %div3A_26 = arith.divf %exp3A_21, %div3A_25 : vector<20x16xf32>
    %broadcast_in_dim3A_27 = vector.shape_cast %div3A_26 : vector<20x16xf32> to vector<20x16x1xf32>
    %mul3A = vector.broadcast %broadcast_in_dim3A_27 : vector<20x16x1xf32> to vector<20x16x128xf32>
    %mul3A_28 = arith.mulf %mul3A, %div3A_12 : vector<20x16x128xf32>
    %reduce_sum3A_29 = arith.constant dense<0.000000e+00> : vector<16x128xf32>
    %reduce_sum3A_30 = vector.multi_reduction <add>, %mul3A_28, %reduce_sum3A_29 [0] : vector<20x16x128xf32> to vector<16x128xf32>
    %add3A = arith.constant 2.000000e-11 : f32
    %add3A_31 = vector.broadcast %add3A : f32 to vector<16x128xf32>
    %add3A_32 = arith.addf %reduce_sum3A_30, %add3A_31 : vector<16x128xf32>
    %log3A = math.log %add3A_32 : vector<16x128xf32>
    %swap3A = arith.constant 0 : index
    %swap3A_33 = arith.constant 0 : index
    %swap3A_34 = vector.load %arg2[%swap3A, %swap3A_33] : memref<16x128xf32, #tpu.memory_space<vmem>>, vector<16x128xf32>
    tpu.vector_store %arg2[%swap3A, %swap3A_33], %log3A {strides = array<i32>} : memref<16x128xf32, #tpu.memory_space<vmem>>, vector<16x128xf32>,
    return
  }
}

</mosaic_0001>

<sc_bundles>
// kernel: kernel.4.cloned.1.call-start
scs
__scs_entry_jumppad:
0x0: {  	(pc) =	sbr.rel $0x88, $3  }
0x1: {  	(tag) =	ssettag $0x0;
	lr =	simm.s32 $0x1  }
0x2: {  	[smem:$0x3F9E] =	sst lr;
	_ =	strace $0xD0000000  }
0x3: {  	_ = 	snop  }
0x4: {  	_ = 	snop  }
0x5: {  	_ = 	snop  }
0x6: {  	_ = 	snop  }
0x7: {  	_ = 	snop  }
__scs_overlays_trampoline_lowered:
0x8: {  	[smem:$0x3FAD] =	sst s0  }
0x9: {  	[smem:$0x3FAE] =	sst s1  }
0xa: {  	[smem:$0x3FAF] =	sst s2  }
0xb: {  	[smem:$0x3FB0] =	sst s3  }
0xc: {  	[smem:$0x3FB1] =	sst s4  }
0xd: {  	[smem:$0x3FB2] =	sst s5  }
0xe: {  	[smem:$0x3FB3] =	sst s6  }
0xf: {  	[smem:$0x3FB4] =	sst s7  }
0x10: {  	[smem:$0x3FB5] =	sst s8  }
0x11: {  	[smem:$0x3FB6] =	sst s9;
	s0 =	simm.s32 @!p0 $0x0  }
0x12: {  	s1 =	sld [smem:$0x3F9C];
	s0 =	simm.s32 @p0 $0x1  }
0x13: {  	[smem:$0x3FB7] =	sst s0;
	s0 =	simm.s32 @!p1 $0x0  }
0x14: {  	s2 =	sld [smem:$0x3F9B];
	s0 =	simm.s32 @p1 $0x1  }
0x15: {  	[smem:$0x3FB8] =	sst s0;
	s0 =	simm.s32 @!p2 $0x0  }
0x16: {  	s3 =	sld [smem:$0x3FDB];
	s0 =	simm.s32 @p2 $0x1  }
0x17: {  	s4 =	simm.s32 $0x1BF5;
	[smem:$0x3FBA] =	sst s0  }
0x18: {  	s0 =	sld [smem:$0x3F9D];
	_ =	swait.ge [sflag:s4], $0x0  }
0x19: {  	s7 =	sld [smem:$0x3F9E]  }
0x1a: {  	s8 =	sadd.s32 $0xFFFFE003, lr  }
0x1b: {  	s9 =	sadd.s32 $0xFFFFFEF7, lr;
	s5 =	simm.s32 $0xFFFFFFFF;
	p2 =	slt.u32 s8, $0xFFFFF086  }
0x1c: {  	p1 =	slt.u32 s9, $0xF7A;
	s5 =	simm.s32 @!p2 $0x0  }
0x1d: {  	s5 =	simm.s32 @p1 $0x1;
	p0 =	seq.s32 s7, s2  }
0x1e: {  	s7 =	smul.u32 @!p0 $0xF7A, s2;
	p2 =	seq.s32 @!p0 s5, $0x0  }
0x1f: {  	s9 =	smul.u32 $0xF7A, s1;
	s8 =	simm.s32 @!p0 $0x1BF5;
	p2 =	por !p2, p0  }
0x20: {  	[sflag:s8] =	ssyncset.s32 @!p0 $0xFFFFF086;
	s6 =	sadd.s32 @!p0 s3, s7;
	s7 =	simm.s32 @!p0 $0x108  }
0x21: {  	s3 =	sadd.s32 s3, s9;
	s6 =	sadd.s32 @!p0 $0x88, s6;
	s7 =	simm.s32 @p2 $0x1082  }
0x22: {  	[simem:s7], [sflag:s8] =	dma.local @!p0 [hbm:s6], $0xF7A  }
0x23: {  	s9 =	sor.u32 $0xD0000000, s2;
	s6 =	simm.s32 $0x108;
	_ =	swait.ge @!p0 [sflag:s8], $0x0  }
0x24: {  	s3 =	sadd.s32 $0x88, s3;
	s6 =	simm.s32 @!p1 $0x1082;
	[sflag:s4] =	ssyncset.s32 $0xFFFFF086  }
0x25: {  	[simem:s6], [sflag:s4] =	dma.local [hbm:s3], $0xF7A  }
0x26: {  	[smem:$0x3F9E] =	sst s1;
	(tag) =	ssettag s2;
	_ =	strace s9  }
0x27: {  	s1 =	sld [smem:$0x3FAE]  }
0x28: {  	s2 =	sld [smem:$0x3FAF]  }
0x29: {  	s4 =	sld [smem:$0x3FB1]  }
0x2a: {  	p0 =	seq.s32 s5, $0x0;
	s5 =	sld [smem:$0x3FB2]  }
0x2b: {  	s6 =	sld [smem:$0x3FB3]  }
0x2c: {  	s7 =	sld [smem:$0x3FB4]  }
0x2d: {  	s3 =	simm.s32 $0x108;
	s8 =	sld [smem:$0x3FB5]  }
0x2e: {  	s3 =	simm.s32 @!p0 $0x1082;
	s9 =	sld [smem:$0x3FB6]  }
0x2f: {  	lr =	sadd.s32 s0, s3;
	s0 =	sld [smem:$0x3FAD]  }
0x30: {  	s3 =	sld [smem:$0x3FB0]  }
0x31: {  	[smem:$0x3FB9] =	sst s10  }
0x32: {  	s10 =	sld [smem:$0x3FB7];
	_ =	sdelay $0x3  }
0x33: {  	p0 =	seq.s32 s10, $0x1;
	s10 =	sld [smem:$0x3FB9];
	_ =	sdelay $0x3  }
0x34: {  	[smem:$0x3FB9] =	sst s10  }
0x35: {  	s10 =	sld [smem:$0x3FB8];
	_ =	sdelay $0x3  }
0x36: {  	p1 =	seq.s32 s10, $0x1;
	s10 =	sld [smem:$0x3FB9];
	_ =	sdelay $0x3  }
0x37: {  	[smem:$0x3FB9] =	sst s10  }
0x38: {  	s10 =	sld [smem:$0x3FBA]  }
0x39: {  	_ = 	snop;
	(pc) =	sbr.ind lr, $3  }
0x3a: {  	_ = 	snop  }
0x3b: {  	_ = 	snop  }
0x3c: {  	p2 =	seq.s32 s10, $0x1;
	s10 =	sld [smem:$0x3FB9]  }
0x3d: {  	_ =	shalt  }
0x3e: {  	_ =	shalt  }
0x3f: {  	_ =	shalt  }
0x40: {  	_ =	shalt  }
0x41: {  	_ =	shalt  }
0x42: {  	_ =	shalt  }
0x43: {  	_ =	shalt  }
0x44: {  	_ =	shalt  }
0x45: {  	_ =	shalt  }
0x46: {  	_ =	shalt  }
0x47: {  	_ =	shalt  }
0x48: {  	_ =	shalt  }
0x49: {  	_ =	shalt  }
0x4a: {  	_ =	shalt  }
0x4b: {  	_ =	shalt  }
0x4c: {  	_ =	shalt  }
0x4d: {  	_ =	shalt  }
0x4e: {  	_ =	shalt  }
0x4f: {  	_ =	shalt  }
0x50: {  	_ =	shalt  }
0x51: {  	_ =	shalt  }
0x52: {  	_ =	shalt  }
0x53: {  	_ =	shalt  }
0x54: {  	_ =	shalt  }
0x55: {  	_ =	shalt  }
0x56: {  	_ =	shalt  }
0x57: {  	_ =	shalt  }
0x58: {  	_ =	shalt  }
0x59: {  	_ =	shalt  }
0x5a: {  	_ =	shalt  }
0x5b: {  	_ =	shalt  }
0x5c: {  	_ =	shalt  }
0x5d: {  	_ =	shalt  }
0x5e: {  	_ =	shalt  }
0x5f: {  	_ =	shalt  }
0x60: {  	_ =	shalt  }
0x61: {  	_ =	shalt  }
0x62: {  	_ =	shalt  }
0x63: {  	_ =	shalt  }
0x64: {  	_ =	shalt  }
0x65: {  	_ =	shalt  }
0x66: {  	_ =	shalt  }
0x67: {  	_ =	shalt  }
0x68: {  	_ =	shalt  }
0x69: {  	_ =	shalt  }
0x6a: {  	_ =	shalt  }
0x6b: {  	_ =	shalt  }
0x6c: {  	_ =	shalt  }
0x6d: {  	_ =	shalt  }
0x6e: {  	_ =	shalt  }
0x6f: {  	_ =	shalt  }
0x70: {  	_ =	shalt  }
0x71: {  	_ =	shalt  }
0x72: {  	_ =	shalt  }
0x73: {  	_ =	shalt  }
0x74: {  	_ =	shalt  }
0x75: {  	_ =	shalt  }
0x76: {  	_ =	shalt  }
0x77: {  	_ =	shalt  }
0x78: {  	_ =	shalt  }
0x79: {  	_ =	shalt  }
0x7a: {  	_ =	shalt  }
0x7b: {  	_ =	shalt  }
0x7c: {  	_ =	shalt  }
0x7d: {  	_ =	shalt  }
0x7e: {  	_ =	shalt  }
0x7f: {  	_ =	shalt  }
0x80: {  	_ =	shalt  }
0x81: {  	_ =	shalt  }
0x82: {  	_ =	shalt  }
0x83: {  	_ =	shalt  }
0x84: {  	_ =	shalt  }
0x85: {  	_ =	shalt  }
0x86: {  	_ =	shalt  }
0x87: {  	_ =	shalt  }
.Lfunc_end0:
.L_simem_size_0:
called_computation_lowered:
.L_overlay_start_0:
0x88: {  	s2 =	sld [smem:$0x3FD9]  }
0x89: {  	s3 =	sld [smem:$0x3FFE];
	_ =	sdelay $0x1  }
0x8a: {  	s1 =	srdreg.scid  }
0x8b: {  	s0 =	sand.u32 $0x1, s1  }
0x8c: {  	s17 =	sshll.u32 s0, $0xA;
	s2 =	sadd.s32 s3, s2  }
0x8d: {  	s2 =	sadd.s32 s2, s17  }
0x8e: {  	[smem:$0x3FC5] =	sst s2  }
0x8f: {  	_ = 	snop  }
0x90: {  	s2 =	sld [smem:$0x3FC9]  }
0x91: {  	s18 =	sld [smem:$0x3FD0];
	(tm) =	ssettm $0x1  }
0x92: {  	s4 =	sld [smem:$0x3FFB];
	_ =	sdelay $0x3  }
0x93: {  	_ =	strace s4  }
0x94: {  	s4 =	sld [smem:$0x3FFC];
	_ =	sdelay $0x3  }
0x95: {  	_ =	strace s4  }
0x96: {  	s4 =	sld [smem:$0x3FFD];
	_ =	sdelay $0x3  }
0x97: {  	_ =	strace s4  }
0x98: {  	_ =	strace $0x8FFFFFFF  }
0x99: {  	s19 =	sld [smem:$0x3FDB];
	_ =	sdelay $0x1  }
0x9a: {  	s5 =	simm.s32 $_scs_section_size  }
0x9b: {  	s6 =	simm.s32 $_size__tile_overlayer_lowered;
	s7 =	simm.s32 $_tile_overlayer_lowered  }
0x9c: {  	s22 =	simm.s32 $0x1BFF;
	s21 =	sshll.u32 s7, $0x1;
	s4 =	sadd.s32 s5, s19  }
0x9d: {  	s8 =	simm.s32 $0x0;
	s20 =	sshll.u32 s6, $0x1;
	s6 =	sadd.s32 s21, s4  }
0x9e: {  	[timem:s8], [sflag:s22] =	dma.local [hbm:s6], s20  }
0x9f: {  	_ =	swait.ge [sflag:s22], s20  }
0xa0: {  	s5 =	ssub.s32 $0x0, s20;
	[sflag:s22] =	ssyncset.done $0x0  }
0xa1: {  	[sflag:s22] =	ssyncadd.s32 s5;
	_ =	sdelay $0x1  }
0xa2: {  	s23 =	simm.s32 $0x1B8B  }
0xa3: {  	_ =	swait.ge [sflag:s23], $0x1  }
0xa4: {  	[sflag:s23] =	ssyncset.done $0x0  }
0xa5: {  	s25 =	simm.s32 $0x1B8E;
	s24 =	sld [smem:$0x3FFE];
	[sflag:s23] =	ssyncadd.s32 $0xFFFFFFFF  }
0xa6: {  	s26 =	simm.s32 $execute0_lowered;
	[smem:$0x3FD2] =	sst s25  }
0xa7: {  	s6 =	sshll.u32 s26, $0x1;
	_ =	strace $0x80000046;
	[dreg:$0x1] =	wrdreg $0xFFFFFFFF  }
0xa8: {  	s28 =	simm.s32 $_size_execute0_lowered;
	s4 =	sadd.s32 s4, s6;
	[dreg:$0x0] =	wrdreg $0x0  }
0xa9: {  	s6 =	sshll.u32 s28, $0x1;
	[dreg:$0x2] =	wrdreg s4  }
0xaa: {  	[dreg:$0x3] =	wrdreg s6  }
0xab: {  	[dreg:$0x4] =	wrdreg $0xC0  }
0xac: {  	_ =	task [dreg:s8], $0x5FFFF  }
0xad: {  	[dreg:$0x1] =	wrdreg $0xFFFFFFFF  }
0xae: {  	[dreg:$0x0] =	wrdreg $0x60  }
0xaf: {  	[dreg:$0x2] =	wrdreg s2  }
0xb0: {  	[dreg:$0x3] =	wrdreg s24  }
0xb1: {  	[dreg:$0x4] =	wrdreg s18  }
0xb2: {  	[dreg:$0x5] =	wrdreg $0x9  }
0xb3: {  	_ =	task.clear_ibuf [dreg:s8], $0x6FFFF;
	_ =	strace $0x90000046  }
0xb4: {  	s29 =	simm.s32 $0x9;
	_ =	strace $0x80000048  }
0xb5: {  	_ =	swait.ge [sflag:s29], $0x1  }
0xb6: {  	[sflag:s29] =	ssyncadd.s32 $0xFFFFFFFF  }
0xb7: {  	_ =	strace $0x90000048  }
0xb8: {  	_ =	sfence  }
0xb9: {  	s30 =	sld [smem:$0x0];
	_ =	sdelay $0x2  }
0xba: {  	s31 =	sshll.u32 s1, $0xD;
	s1 =	sshrl.u32 s1, $0x2  }
0xbb: {  	s3 =	sand.u32 $0x4000, s31;
	s1 =	sadd.s32 s1, s30  }
0xbc: {  	s0 =	sor.u32 s3, s0;
	s1 =	sshll.u32 s1, $0x11  }
0xbd: {  	s0 =	sor.u32 s1, s0  }
0xbe: {  	s0 =	sadd.s32 $0x8F2B, s0  }
0xbf: {  	[sflag:s0] =	ssyncadd.remote.s32 $0x1  }
0xc0: {  	_ =	sfence.sel $0xFFFF  }
0xc1: {  	[dreg:$0x0] =	wrdreg $0xFFFFFFFF;
	(pc) =	sbr.abs _section_cstart, $3  }
0xc2: {  	[dreg:$0x1] =	wrdreg $0xFFFFFFFF  }
0xc3: {  	_ =	task.clear_ibuf [dreg:s8], $0x2FFFF;
	_ =	strace $0x9FFFFFFF  }
0xc4: {  	(tm) =	ssettm $0x7FFFFFFF  }
0xc5: {  	_ =	shalt  }
tec
execute0_lowered:
.L_overlay_start_1:
0x0: {  	(tag) =	ssettag $0x1  }
0x1: {  	vm14 =	vcmask $0x300;
	v0 =	vimm.s32 $0x0  }
0x2: {  	vm13 =	vcmask $0x704;
	vm12 =	vcmask $0xB08;
	vm11 =	vcmask $0xF0C  }
0x3: {  	vm9 =	vcmask $0x1310;
	v47 =	vlaneseq.u32;
	vm10 =	vcmask $0x1714  }
0x4: {  	vm8 =	vcmask $0x1B18;
	vm7 =	vcmask $0x1F1C;
	vm6 =	vcmask $0x2320  }
0x5: {  	v4 =	vimm.s32 $0x80;
	vm5 =	vcmask $0x2724;
	vm4 =	vcmask $0x2B28  }
0x6: {  	vm3 =	vcmask $0x2F2C;
	vm2 =	vcmask $0x3330;
	vm1 =	vcmask $0x3734  }
0x7: {  	vm0 =	vcmask $0x3B38;
	v5 =	vimm.s32 $0xFEDCBA9;
	v6 =	vimm.s32 $0x87654321  }
0x8: {  	v7 =	vimm.s32 $0x100;
	v10 =	vimm.s32 $0xA9876543;
	v12 =	vimm.s32 $0xBA987654  }
0x9: {  	v14 =	vimm.s32 $0x43210FED;
	v24 =	vimm.s32 $0xDCBA9876;
	v26 =	vimm.s32 $0x76543210  }
0xa: {  	v31 =	vimm.s32 $0x380;
	v32 =	vimm.s32 $0x400;
	v50 =	vimm.s32 $0x480  }
0xb: {  	v0 =	vsel vm14, $0x80, v0;
	v48 =	vor.u32 $0xFFFFFF88, v47;
	v4 =	vsel vm14, $0x100, v4  }
0xc: {  	v5 =	vunpack.c.l.s4.s8 v5;
	v6 =	vunpack.c.l.s4.s8 v6;
	v10 =	vunpack.c.l.s4.s8 v10  }
0xd: {  	v12 =	vunpack.c.l.s4.s8 v12;
	v14 =	vunpack.c.l.s4.s8 v14;
	v24 =	vunpack.c.l.s4.s8 v24  }
0xe: {  	v26 =	vunpack.c.l.s4.s8 v26;
	v31 =	vsel vm14, $0x400, v31;
	v32 =	vsel vm14, $0x480, v32  }
0xf: {  	v0 =	vsel vm13, $0x100, v0;
	v4 =	vsel vm13, $0x180, v4;
	v31 =	vsel vm13, $0x480, v31  }
0x10: {  	v32 =	vsel vm13, $0x500, v32;
	v0 =	vsel vm12, $0x180, v0;
	v4 =	vsel vm12, $0x200, v4  }
0x11: {  	v16 =	vunpack.c.0.s8.s32 v5;
	v5 =	vsel vm14, $0x180, v7;
	v17 =	vunpack.c.0.s8.s32 v6  }
0x12: {  	v6 =	vimm.s32 $0x10FEDCBA;
	v7 =	vimm.s32 $0x98765432;
	v21 =	vunpack.c.0.s8.s32 v10  }
0x13: {  	v23 =	vunpack.c.0.s8.s32 v12;
	v27 =	vunpack.c.0.s8.s32 v14;
	v14 =	vimm.s32 $0xCBA98765  }
0x14: {  	v30 =	vunpack.c.0.s8.s32 v24;
	v26 =	vunpack.c.0.s8.s32 v26;
	v31 =	vsel vm12, $0x500, v31  }
0x15: {  	v1 =	vsel vm11, $0x200, v0;
	v0 =	vmul.u32 $0x80, v47;
	v4 =	vsel vm11, $0x280, v4  }
0x16: {  	v5 =	vsel vm13, $0x200, v5;
	v6 =	vunpack.c.l.s4.s8 v6;
	v7 =	vunpack.c.l.s4.s8 v7  }
0x17: {  	v14 =	vunpack.c.l.s4.s8 v14;
	v2 =	vsel vm9, $0x280, v1;
	v4 =	vsel vm9, $0x300, v4  }
0x18: {  	v5 =	vsel vm12, $0x280, v5;
	v8 =	vcombine.low v17, v16;
	v33 =	vcombine.low v16, v17  }
0x19: {  	v16 =	vsel vm14, $0x500, v50;
	v17 =	vimm.s32 $0x500;
	v3 =	vsel vm10, $0x300, v2  }
0x1a: {  	v4 =	vsel vm10, $0x380, v4;
	v5 =	vsel vm11, $0x300, v5;
	v18 =	vunpack.c.0.s8.s32 v6  }
0x1b: {  	v19 =	vunpack.c.0.s8.s32 v7;
	v28 =	vunpack.c.0.s8.s32 v14;
	v17 =	vsel vm14, $0x580, v17  }
0x1c: {  	v3 =	vsel vm8, $0x380, v3;
	v4 =	vsel vm8, $0x400, v4;
	v62 =	vand.u32 $0xF, v8  }
0x1d: {  	v3 =	vsel vm7, $0x400, v3;
	v4 =	vsel vm7, $0x480, v4;
	v7 =	vcombine.low v19, v18  }
0x1e: {  	v14 =	vcombine.low v28, v27;
	v51 =	vcombine.low v18, v19;
	v18 =	vimm.s32 $0x580  }
0x1f: {  	v19 =	vimm.s32 $0x600;
	v28 =	vcombine.low v27, v28;
	v4 =	vsel vm6, $0x500, v4  }
0x20: {  	v3 =	vsel vm6, $0x480, v3;
	v18 =	vsel vm14, $0x600, v18;
	v4 =	vsel vm5, $0x580, v4  }
0x21: {  	v19 =	vsel vm14, $0x680, v19;
	v3 =	vsel vm5, $0x500, v3;
	v4 =	vsel vm4, $0x600, v4  }
0x22: {  	v3 =	vsel vm4, $0x580, v3;
	v9 =	vsel vm3, $0x680, v4;
	v4 =	vsel vm9, $0x380, v5  }
0x23: {  	v37 =	vsel vm13, $0x680, v18;
	v3 =	vsel vm3, $0x600, v3;
	v5 =	vsel vm10, $0x400, v4  }
0x24: {  	v38 =	vsel vm13, $0x700, v19;
	v3 =	vsel vm2, $0x680, v3;
	v5 =	vsel vm8, $0x480, v5  }
0x25: {  	v6 =	vsel vm2, $0x700, v9;
	v9 =	vimm.s32 $0x180;
	v8 =	vsel vm7, $0x500, v5  }
0x26: {  	v3 =	vsel vm1, $0x700, v3;
	v6 =	vsel vm1, $0x780, v6;
	v8 =	vsel vm6, $0x580, v8  }
0x27: {  	v5 =	vand.u32 $0xF, v7;
	v7 =	vsel vm5, $0x600, v8;
	v8 =	vsel vm14, $0x200, v9  }
0x28: {  	v49 =	vsel vm0, $0x780, v3;
	v9 =	vimm.s32 $0x210FEDCB;
	v8 =	vsel vm13, $0x280, v8  }
0x29: {  	v7 =	vsel vm4, $0x680, v7;
	v9 =	vunpack.c.l.s4.s8 v9;
	v8 =	vsel vm12, $0x300, v8  }
0x2a: {  	v63 =	vsel vm0, $0x0, v6;
	v7 =	vsel vm3, $0x700, v7;
	v8 =	vsel vm11, $0x380, v8  }
0x2b: {  	v7 =	vsel vm2, $0x780, v7;
	v20 =	vunpack.c.0.s8.s32 v9;
	v9 =	vimm.s32 $0x200  }
0x2c: {  	v8 =	vsel vm9, $0x400, v8;
	v7 =	vsel vm1, $0x0, v7;
	v9 =	vsel vm14, $0x280, v9  }
0x2d: {  	v8 =	vsel vm10, $0x480, v8;
	v10 =	vcombine.low v21, v20;
	v9 =	vsel vm13, $0x300, v9  }
0x2e: {  	v3 =	vsel vm0, $0x80, v7;
	v34 =	vcombine.low v20, v21;
	v20 =	vimm.s32 $0x680  }
0x2f: {  	v21 =	vimm.s32 $0x700;
	v8 =	vsel vm8, $0x500, v8;
	v9 =	vsel vm12, $0x380, v9  }
0x30: {  	v20 =	vsel vm14, $0x700, v20;
	v21 =	vsel vm14, $0x780, v21;
	v8 =	vsel vm7, $0x580, v8  }
0x31: {  	v4 =	vand.u32 $0xF, v10;
	v9 =	vsel vm11, $0x400, v9;
	v11 =	vsel vm6, $0x600, v8  }
0x32: {  	v9 =	vsel vm9, $0x480, v9;
	v10 =	vsel vm5, $0x680, v11;
	v11 =	vimm.s32 $0x3210FEDC  }
0x33: {  	v9 =	vsel vm10, $0x500, v9;
	v10 =	vsel vm4, $0x700, v10;
	v11 =	vunpack.c.l.s4.s8 v11  }
0x34: {  	v39 =	vsel vm13, $0x780, v20;
	v9 =	vsel vm8, $0x580, v9;
	v10 =	vsel vm3, $0x780, v10  }
0x35: {  	v9 =	vsel vm7, $0x600, v9;
	v10 =	vsel vm2, $0x0, v10;
	v22 =	vunpack.c.0.s8.s32 v11  }
0x36: {  	v9 =	vsel vm6, $0x680, v9;
	v11 =	vimm.s32 $0x280;
	v10 =	vsel vm1, $0x80, v10  }
0x37: {  	v9 =	vsel vm5, $0x700, v9;
	v11 =	vsel vm14, $0x300, v11;
	v12 =	vcombine.low v23, v22  }
0x38: {  	v13 =	vsel vm4, $0x780, v9;
	v11 =	vsel vm13, $0x380, v11;
	v6 =	vsel vm0, $0x100, v10  }
0x39: {  	v35 =	vcombine.low v22, v23;
	v22 =	vimm.s32 $0xEDCBA987;
	v13 =	vsel vm3, $0x0, v13  }
0x3a: {  	v7 =	vand.u32 $0xF, v12;
	v12 =	vsel vm2, $0x80, v13;
	v13 =	vimm.s32 $0x300  }
0x3b: {  	v23 =	vsel vm11, $0x580, v31;
	v11 =	vsel vm12, $0x400, v11;
	v13 =	vsel vm14, $0x380, v13  }
0x3c: {  	v22 =	vunpack.c.l.s4.s8 v22;
	v11 =	vsel vm11, $0x480, v11;
	v13 =	vsel vm13, $0x400, v13  }
0x3d: {  	v23 =	vsel vm9, $0x600, v23;
	v11 =	vsel vm9, $0x500, v11;
	v13 =	vsel vm12, $0x480, v13  }
0x3e: {  	v23 =	vsel vm10, $0x680, v23;
	v11 =	vsel vm10, $0x580, v11;
	v13 =	vsel vm11, $0x500, v13  }
0x3f: {  	v12 =	vsel vm1, $0x100, v12;
	v15 =	vsel vm8, $0x600, v11;
	v13 =	vsel vm9, $0x580, v13  }
0x40: {  	v8 =	vsel vm0, $0x180, v12;
	v12 =	vsel vm7, $0x680, v15;
	v13 =	vsel vm10, $0x600, v13  }
0x41: {  	v15 =	vimm.s32 $0x543210FE;
	v12 =	vsel vm6, $0x700, v12;
	v13 =	vsel vm8, $0x680, v13  }
0x42: {  	v15 =	vunpack.c.l.s4.s8 v15;
	v12 =	vsel vm5, $0x780, v12;
	v13 =	vsel vm7, $0x700, v13  }
0x43: {  	v36 =	vunpack.c.0.s8.s32 v22;
	v12 =	vsel vm4, $0x0, v12;
	v13 =	vsel vm6, $0x780, v13  }
0x44: {  	v29 =	vunpack.c.0.s8.s32 v15;
	v12 =	vsel vm3, $0x80, v12;
	v13 =	vsel vm5, $0x0, v13  }
0x45: {  	v22 =	vsel vm8, $0x700, v23;
	v12 =	vsel vm2, $0x100, v12;
	v13 =	vsel vm4, $0x80, v13  }
0x46: {  	v24 =	vcombine.low v30, v29;
	v15 =	vsel vm1, $0x180, v12;
	v25 =	vsel vm3, $0x100, v13  }
0x47: {  	v18 =	vsel vm7, $0x780, v22;
	v10 =	vsel vm0, $0x200, v15;
	v15 =	vsel vm2, $0x180, v25  }
0x48: {  	v11 =	vand.u32 $0xF, v24;
	v24 =	vsel vm1, $0x200, v15;
	v15 =	vimm.s32 $0xFEDCBA98  }
0x49: {  	v40 =	vsel vm13, $0x0, v21;
	v18 =	vsel vm6, $0x0, v18;
	v15 =	vunpack.c.l.s4.s8 v15  }
0x4a: {  	v55 =	vsel vm12, $0x0, v39;
	v56 =	vsel vm12, $0x80, v40;
	v18 =	vsel vm5, $0x80, v18  }
0x4b: {  	v18 =	vsel vm4, $0x100, v18;
	v25 =	vimm.s32 $0x6543210F;
	v15 =	vunpack.c.0.s8.s32 v15  }
0x4c: {  	v9 =	vand.u32 $0xF, v14;
	v18 =	vsel vm3, $0x180, v18;
	v25 =	vunpack.c.l.s4.s8 v25  }
0x4d: {  	v54 =	vand.u32 $0xF, v35;
	v18 =	vsel vm2, $0x200, v18;
	v15 =	vand.u32 $0xF, v15  }
0x4e: {  	v31 =	vunpack.c.0.s8.s32 v25;
	v12 =	vcombine.low v15, v26;
	v26 =	vsel vm12, $0x580, v32  }
0x4f: {  	v18 =	vsel vm1, $0x280, v18;
	v30 =	vcombine.low v29, v30;
	v26 =	vsel vm11, $0x600, v26  }
0x50: {  	v52 =	vsel vm0, $0x280, v24;
	v59 =	vcombine.low v31, v36;
	v26 =	vsel vm9, $0x680, v26  }
0x51: {  	s6 =	rddreg [dreg:$0x0];
	v25 =	vsel vm10, $0x700, v26;
	v26 =	vsel vm13, $0x600, v17;
	v17 =	vcombine.low v36, v31  }
0x52: {  	s3 =	rddreg [dreg:$0x1];
	v59 =	vand.u32 $0xF, v59;
	v23 =	vsel vm8, $0x780, v25;
	v25 =	vsel vm13, $0x580, v16  }
0x53: {  	s7 =	rddreg [dreg:$0x2];
	s2 =	simm.s32 $0x0;
	v16 =	vmovc v3;
	v22 =	vsel vm12, $0x680, v26;
	v19 =	vsel vm7, $0x0, v23;
	v3 =	vand.u32 $0xF, v17  }
0x54: {  	s1 =	srdreg.scid;
	[smem:$0x7FF] =	sst s2;
	v20 =	vsel vm12, $0x600, v25;
	v22 =	vsel vm11, $0x700, v22;
	v23 =	vsel vm12, $0x700, v37  }
0x55: {  	s4 =	sand.u32 $0x1, s1;
	s1 =	rddreg [dreg:$0x3];
	_ =	strace $0x80000047;
	[tilespmem:$0x1FDA0] =	vst v0;
	v25 =	vsel vm12, $0x780, v38;
	v19 =	vsel vm6, $0x80, v19;
	v20 =	vsel vm11, $0x680, v20  }
0x56: {  	[tilespmem:$0x1FE20] =	vst v62;
	v22 =	vsel vm9, $0x780, v22;
	v23 =	vsel vm11, $0x780, v23;
	v25 =	vsel vm11, $0x0, v25  }
0x57: {  	[tilespmem:$0x1FDB0] =	vst v49;
	v17 =	vmovc v4;
	v19 =	vsel vm5, $0x100, v19;
	v20 =	vsel vm9, $0x700, v20;
	v4 =	vsel vm0, $0x300, v18  }
0x58: {  	[tilespmem:$0x1FE30] =	vst v63;
	v22 =	vsel vm10, $0x0, v22;
	v23 =	vsel vm9, $0x0, v23;
	v25 =	vsel vm9, $0x80, v25  }
0x59: {  	[tilespmem:$0x1FE80] =	vst v5;
	v19 =	vsel vm4, $0x180, v19;
	v20 =	vsel vm10, $0x780, v20;
	v22 =	vsel vm8, $0x80, v22  }
0x5a: {  	[tilespmem:$0x1FFE0] =	vst v54;
	v23 =	vsel vm10, $0x80, v23;
	v53 =	vsel vm10, $0x100, v25;
	v19 =	vsel vm3, $0x200, v19  }
0x5b: {  	[tilespmem:$0x1FE50] =	vst v59;
	v15 =	vmovc v48;
	v21 =	vsel vm8, $0x0, v20;
	v22 =	vsel vm7, $0x100, v22;
	v23 =	vsel vm8, $0x100, v23  }
0x5c: {  	[tilespmem:$0x1FD90] =	vst v15;
	v32 =	vsel vm8, $0x180, v53;
	v19 =	vsel vm2, $0x280, v19;
	v21 =	vsel vm7, $0x80, v21  }
0x5d: {  	[tilespmem:$0x1FEB0] =	vst v16;
	v22 =	vsel vm6, $0x180, v22;
	v23 =	vsel vm7, $0x180, v23;
	v32 =	vsel vm7, $0x200, v32  }
0x5e: {  	[tilespmem:$0x1FF50] =	vst v3;
	v19 =	vsel vm1, $0x300, v19;
	v20 =	vmovc v7;
	v7 =	vand.u32 $0xF, v33;
	v21 =	vsel vm6, $0x100, v21  }
0x5f: {  	v18 =	vmovc v6;
	[tilespmem:$0x1FEC0] =	vst v17;
	v24 =	vsel vm5, $0x200, v22;
	v23 =	vsel vm6, $0x200, v23;
	v32 =	vsel vm6, $0x280, v32  }
0x60: {  	[tilespmem:$0x1FED0] =	vst v18;
	v33 =	vsel vm11, $0x80, v55;
	v6 =	vsel vm0, $0x380, v19;
	v21 =	vsel vm5, $0x180, v21  }
0x61: {  	[tilespmem:$0x1FF60] =	vst v4;
	v25 =	vmovc v12;
	v24 =	vsel vm4, $0x280, v24;
	v23 =	vsel vm5, $0x280, v23;
	v32 =	vsel vm5, $0x300, v32  }
0x62: {  	[tilespmem:$0x1FF30] =	vst v25;
	v33 =	vsel vm9, $0x100, v33;
	v19 =	vlaneseq.u32;
	v21 =	vsel vm4, $0x200, v21  }
0x63: {  	[tilespmem:$0x1FEE0] =	vst v20;
	v24 =	vsel vm3, $0x300, v24;
	v23 =	vsel vm4, $0x300, v23;
	v12 =	vor.u32 $0xFFFFFFA8, v19  }
0x64: {  	v22 =	vmovc v9;
	v9 =	vand.u32 $0xF, v34;
	v34 =	vsel vm11, $0x100, v56;
	v13 =	vor.u32 $0xFFFFFFB8, v19;
	[tilespmem:$0x1FDD0] =	vst v12  }
0x65: {  	v32 =	vsel vm4, $0x380, v32;
	v33 =	vsel vm10, $0x180, v33;
	v14 =	vor.u32 $0xFFFFFFC8, v19;
	[tilespmem:$0x1FDE0] =	vst v13  }
0x66: {  	v61 =	vor.u32 $0xFFFFFFD8, v19;
	v24 =	vsel vm2, $0x380, v24;
	v23 =	vsel vm3, $0x380, v23;
	[tilespmem:$0x1FDF0] =	vst v14  }
0x67: {  	v21 =	vsel vm3, $0x280, v21;
	v34 =	vsel vm9, $0x180, v34;
	[tilespmem:$0x1FE00] =	vst v61;
	v24 =	vsel vm1, $0x400, v24  }
0x68: {  	v32 =	vsel vm3, $0x400, v32;
	[tilespmem:$0x1FF00] =	vst v22;
	v21 =	vsel vm2, $0x300, v21;
	v38 =	vsel vm0, $0x480, v24  }
0x69: {  	v26 =	vsel vm2, $0x400, v23;
	v32 =	vsel vm2, $0x480, v32;
	v21 =	vsel vm1, $0x380, v21;
	v23 =	vmovc v10;
	[tilespmem:$0x1FFB0] =	vst v38  }
0x6a: {  	v26 =	vsel vm1, $0x480, v26;
	v32 =	vsel vm1, $0x500, v32;
	v37 =	vsel vm0, $0x400, v21;
	[tilespmem:$0x1FF10] =	vst v23  }
0x6b: {  	v34 =	vsel vm10, $0x200, v34;
	v10 =	vsel vm0, $0x500, v26;
	v39 =	vsel vm0, $0x580, v32;
	[tilespmem:$0x1FF90] =	vst v37  }
0x6c: {  	v33 =	vsel vm8, $0x200, v33;
	v34 =	vsel vm8, $0x280, v34;
	v35 =	vmovc v10;
	v10 =	vand.u32 $0xF, v28;
	[tilespmem:$0x1FFF0] =	vst v39  }
0x6d: {  	v33 =	vsel vm7, $0x280, v33;
	v34 =	vsel vm7, $0x300, v34;
	v24 =	vmovc v11;
	v11 =	vand.u32 $0xF, v30;
	[tilespmem:$0x1FE90] =	vst v10  }
0x6e: {  	v33 =	vsel vm6, $0x300, v33;
	v34 =	vsel vm6, $0x380, v34;
	[tilespmem:$0x1FEA0] =	vst v11  }
0x6f: {  	v33 =	vsel vm5, $0x380, v33;
	v58 =	vsel vm5, $0x400, v34;
	[tilespmem:$0x1FF20] =	vst v24  }
0x70: {  	v57 =	vsel vm4, $0x400, v33;
	v21 =	vmov v8;
	[tilespmem:$0x1FFD0] =	vst v35;
	v33 =	vsel vm4, $0x480, v58  }
0x71: {  	v26 =	vmov v52;
	[tilespmem:$0x1FEF0] =	vst v21;
	v29 =	vsel vm3, $0x500, v33  }
0x72: {  	v32 =	vsel vm3, $0x480, v57;
	[tilespmem:$0x1FF40] =	vst v26;
	v34 =	vmovc v9;
	v9 =	vor.u32 $0xFFFFFFF8, v19;
	v33 =	vsel vm2, $0x580, v29  }
0x73: {  	s0 =	stileid.u32;
	v32 =	vsel vm2, $0x500, v32;
	[tilespmem:$0x1FE60] =	vst v9;
	v31 =	vsel vm1, $0x600, v33  }
0x74: {  	s5 =	sshll.u32 s0, $0x1;
	v32 =	vsel vm1, $0x580, v32;
	[tilespmem:$0x1FFC0] =	vst v34;
	v60 =	vsel vm0, $0x680, v31  }
0x75: {  	s9 =	sor.u32 s4, s5;
	v29 =	vmov v6;
	v6 =	vsel vm0, $0x600, v32;
	[tilespmem:$0x1FE40] =	vst v60  }
0x76: {  	s11 =	simm.s32 $0x1440;
	s5 =	smul.u32 $0x188, s9;
	v8 =	vand.u32 $0xF, v51;
	[tilespmem:$0x1FE70] =	vst v6  }
.Ltmp0:
0x77: {  	s12 =	simm.s32 $0x0;
	s4 =	ssub.s32 $0x2, s4;
	v33 =	vmov v8;
	v8 =	vor.u32 $0xFFFFFF98, v19;
	[tilespmem:$0x1FF70] =	vst v29;
	(pc) =	sbr.rel .LBB2_1-.Ltmp0, $4  }
0x78: {  	s3 =	sadd.s32 $0x800, s3;
	s8 =	sshrl.u32 s4, $0x1;
	s10 =	smul.u32 $0x1880, s9;
	[tilespmem:$0x1FDC0] =	vst v8  }
0x79: {  	p0 =	seq.s32 s9, $0x1F;
	s9 =	simm.s32 $0x1;
	s8 =	ssub.s32 s4, s8;
	v31 =	vmov v7;
	v7 =	vor.u32 $0xFFFFFFE8, v19;
	[tilespmem:$0x1FFA0] =	vst v33  }
0x7a: {  	s4 =	sadd.s32 s6, s5;
	s5 =	sadd.s32 s7, s10;
	s6 =	sadd.s32 $0x2F78, s6;
	[tilespmem:$0x1FE10] =	vst v7  }
0x7b: {  	s7 =	sadd.s32 $0x2F780, s7;
	s8 =	smax.u32 s8, $0x1;
	s10 =	simm.s32 $0x800;
	v36 =	vmovc v54;
	v27 =	vmovc v3;
	v28 =	vmov v4;
	v30 =	vmov v0;
	v32 =	vmov v49;
	[tilespmem:$0x1FF80] =	vst v31  }
.LBB2_12:
0x7c: {  	s12 =	sadd.s32 $0x1, s12  }
0x7d: {  	p1 =	sne.s32 s12, s8  }
.Ltmp1:
0x7e: {  	_ = 	snop;
	(pc) =	sbr.rel @!p1 .LBB2_13-.Ltmp1, $1  }
0x7f: {  	_ =	sdelay $0x3  }
.LBB2_1:
.Ltmp2:
0x80: {  	(pc) =	sbr.rel @!p0 .LBB2_2-.Ltmp2, $4  }
0x81: {  	[tilespmem:s2], [sflag:$0x1] =	stream.linear.gather [hbm4b:s3+s2], $0x800, $0x38;
	[tilespmem:$0xD840] =	vst v63  }
0x82: {  	_ =	swait.ge [sflag:s9], $0x800  }
0x83: {  	[sflag:s9] =	ssyncset.done $0x0  }
0x84: {  	[sflag:s9] =	ssyncadd.s32 $0xFFFFF800  }
0x85: {  	[tilespmem:s10], [sflag:$0x1] =	stream.linear.gather [hbm4b:s6+s2], $0xAE0, $0x38;
	[tilespmem:$0xD840] =	vst v63  }
0x86: {  	s13 =	simm.s32 $0x70  }
0x87: {  	s14 =	simm.s32 $0x60;
	v0 =	vor.u32 s13, v19  }
0x88: {  	s25 =	simm.s32 $0x0;
	v1 =	vor.u32 s14, v19;
	v2 =	vand.u32 v9, v0  }
0x89: {  	s26 =	simm.s32 $0x10;
	v4 =	vor.u32 s25, v19;
	v3 =	vand.u32 v7, v1  }
0x8a: {  	v57 =	vmov v5;
	s28 =	simm.s32 $0x20;
	_ =	swait.ge [sflag:s9], $0xAE0;
	v5 =	vor.u32 s26, v19;
	v51 =	vand.u32 v15, v4  }
0x8b: {  	s29 =	simm.s32 $0x30;
	[sflag:s9] =	ssyncset.done $0x0;
	v7 =	vor.u32 s28, v19;
	v8 =	vand.u32 v8, v5  }
0x8c: {  	s30 =	simm.s32 $0x40;
	v9 =	vor.u32 s29, v19;
	[sflag:s9] =	ssyncadd.s32 $0xFFFFF520;
	v59 =	vand.u32 v12, v7  }
0x8d: {  	v11 =	vor.u32 s30, v19;
	v12 =	vand.u32 v13, v9;
	v40 =	vld.idx.msk [tilespmem:v2+s10+$0x0], $0xffff  }
0x8e: {  	s31 =	simm.s32 $0x50;
	v43 =	vand.u32 v14, v11;
	v54 =	vld.idx.msk [tilespmem:v3+s10+$0x0], $0xffff  }
0x8f: {  	v3 =	vor.u32 s31, v19;
	v53 =	vld.idx.msk [tilespmem:v51+s10+$0x0], $0xffff  }
0x90: {  	v56 =	vmov v6;
	v52 =	vld.idx.msk [tilespmem:v8+s10+$0x0], $0xffff;
	v6 =	vand.u32 v61, v3  }
0x91: {  	v50 =	vld.idx.msk [tilespmem:v59+s10+$0x0], $0xffff  }
0x92: {  	v46 =	vld.idx.msk [tilespmem:v12+s10+$0x0], $0xffff;
	v49 =	vadd.s32 v30, v40  }
0x93: {  	v45 =	vld.idx.msk [tilespmem:v43+s10+$0x0], $0xffff;
	v51 =	vadd.s32 v30, v54  }
0x94: {  	v59 =	vadd.s32 v30, v53  }
0x95: {  	v42 =	vshll.u32 v4, $0x4;
	v4 =	vadd.s32 v30, v52;
	v47 =	vld.idx.msk [tilespmem:v6+s10+$0x0], $0xffff  }
0x96: {  	v41 =	vshll.u32 v0, $0x4;
	v55 =	vshll.u32 v1, $0x4;
	v0 =	vadd.s32 v30, v50  }
0x97: {  	v43 =	vshll.u32 v5, $0x4;
	v5 =	vor.u32 v19, v41;
	v8 =	vadd.s32 v30, v46;
	v6 =	vld.idx.msk [tilespmem:v49+s2+$0x0], $0xffff  }
0x98: {  	v44 =	vshll.u32 v7, $0x4;
	v7 =	vor.u32 v19, v55;
	v2 =	vadd.s32 v30, v45;
	v1 =	vld.idx.msk [tilespmem:v51+s2+$0x0], $0xffff  }
0x99: {  	v58 =	vmovc v10;
	v48 =	vshll.u32 v9, $0x4;
	v9 =	vor.u32 v19, v42;
	v12 =	vadd.s32 v32, v54;
	v10 =	vld.idx.msk [tilespmem:v59+s2+$0x0], $0xffff  }
0x9a: {  	v14 =	vadd.s32 v32, v53;
	v59 =	vor.u32 v19, v43;
	v4 =	vld.idx.msk [tilespmem:v4+s2+$0x0], $0xffff;
	v13 =	vadd.s32 v30, v47  }
0x9b: {  	v49 =	vshll.u32 v11, $0x4;
	v51 =	vshll.u32 v3, $0x4;
	v3 =	vor.u32 v19, v44;
	v0 =	vld.idx.msk [tilespmem:v0+s2+$0x0], $0xffff  }
0x9c: {  	v8 =	vld.idx.msk [tilespmem:v8+s2+$0x0], $0xffff;
	[tilespmem:v5+s11+$0x0] =	vst.idx.msk $0xffff, v6;
	v5 =	vor.u32 v19, v48;
	v6 =	vadd.s32 v32, v52  }
0x9d: {  	v2 =	vld.idx.msk [tilespmem:v2+s2+$0x0], $0xffff;
	[tilespmem:v7+s11+$0x0] =	vst.idx.msk $0xffff, v1;
	v1 =	vor.u32 v19, v49;
	v7 =	vadd.s32 v32, v50  }
0x9e: {  	[tilespmem:v9+s11+$0x0] =	vst.idx.msk $0xffff, v10;
	v9 =	vadd.s32 v32, v46;
	v10 =	vld.idx.msk [tilespmem:v12+s2+$0x0], $0xffff;
	v12 =	vor.u32 v62, v55  }
0x9f: {  	v11 =	vadd.s32 v32, v45;
	[tilespmem:v59+s11+$0x0] =	vst.idx.msk $0xffff, v4;
	v59 =	vor.u32 v19, v51;
	v13 =	vld.idx.msk [tilespmem:v13+s2+$0x0], $0xffff  }
0xa0: {  	[tilespmem:v3+s11+$0x0] =	vst.idx.msk $0xffff, v0;
	v0 =	vor.u32 v62, v42;
	v3 =	vld.idx.msk [tilespmem:v14+s2+$0x0], $0xffff;
	v14 =	vadd.s32 v63, v54  }
0xa1: {  	[tilespmem:v5+s11+$0x0] =	vst.idx.msk $0xffff, v8;
	v5 =	vor.u32 v62, v43;
	v8 =	vadd.s32 v32, v47;
	v6 =	vld.idx.msk [tilespmem:v6+s2+$0x0], $0xffff  }
0xa2: {  	[tilespmem:v1+s11+$0x0] =	vst.idx.msk $0xffff, v2;
	v1 =	vor.u32 v62, v44;
	v2 =	vadd.s32 v32, v40;
	v7 =	vld.idx.msk [tilespmem:v7+s2+$0x0], $0xffff  }
0xa3: {  	[tilespmem:v12+s11+$0x0] =	vst.idx.msk $0xffff, v10;
	v10 =	vor.u32 v62, v48;
	v12 =	vadd.s32 v63, v53;
	v9 =	vld.idx.msk [tilespmem:v9+s2+$0x0], $0xffff  }
0xa4: {  	[tilespmem:v59+s11+$0x0] =	vst.idx.msk $0xffff, v13;
	v59 =	vor.u32 v62, v49;
	v13 =	vadd.s32 v63, v52;
	v11 =	vld.idx.msk [tilespmem:v11+s2+$0x0], $0xffff  }
0xa5: {  	[tilespmem:v0+s11+$0x0] =	vst.idx.msk $0xffff, v3;
	v0 =	vadd.s32 v63, v50;
	v3 =	vld.idx.msk [tilespmem:v14+s2+$0x0], $0xffff;
	v14 =	vor.u32 v57, v55  }
0xa6: {  	[tilespmem:v5+s11+$0x0] =	vst.idx.msk $0xffff, v6;
	v5 =	vor.u32 v62, v51;
	v6 =	vadd.s32 v63, v46;
	v8 =	vld.idx.msk [tilespmem:v8+s2+$0x0], $0xffff  }
0xa7: {  	[tilespmem:v1+s11+$0x0] =	vst.idx.msk $0xffff, v7;
	v1 =	vor.u32 v62, v41;
	v7 =	vadd.s32 v16, v54;
	v2 =	vld.idx.msk [tilespmem:v2+s2+$0x0], $0xffff  }
0xa8: {  	[tilespmem:v10+s11+$0x0] =	vst.idx.msk $0xffff, v9;
	v9 =	vor.u32 v57, v42;
	v10 =	vadd.s32 v63, v45;
	v12 =	vld.idx.msk [tilespmem:v12+s2+$0x0], $0xffff  }
0xa9: {  	[tilespmem:v59+s11+$0x0] =	vst.idx.msk $0xffff, v11;
	v59 =	vor.u32 v57, v43;
	v11 =	vadd.s32 v63, v47;
	v13 =	vld.idx.msk [tilespmem:v13+s2+$0x0], $0xffff  }
0xaa: {  	v0 =	vld.idx.msk [tilespmem:v0+s2+$0x0], $0xffff;
	[tilespmem:v14+s11+$0x0] =	vst.idx.msk $0xffff, v3;
	v3 =	vadd.s32 v63, v40;
	v14 =	vor.u32 v57, v44  }
0xab: {  	[tilespmem:v5+s11+$0x0] =	vst.idx.msk $0xffff, v8;
	v5 =	vor.u32 v57, v48;
	v8 =	vadd.s32 v16, v53;
	v6 =	vld.idx.msk [tilespmem:v6+s2+$0x0], $0xffff  }
0xac: {  	[tilespmem:v1+s11+$0x0] =	vst.idx.msk $0xffff, v2;
	v1 =	vadd.s32 v16, v52;
	v2 =	vld.idx.msk [tilespmem:v7+s2+$0x0], $0xffff;
	v7 =	vor.u32 v17, v55  }
0xad: {  	[tilespmem:v9+s11+$0x0] =	vst.idx.msk $0xffff, v12;
	v9 =	vor.u32 v57, v49;
	v12 =	vadd.s32 v16, v50;
	v10 =	vld.idx.msk [tilespmem:v10+s2+$0x0], $0xffff  }
0xae: {  	[tilespmem:v59+s11+$0x0] =	vst.idx.msk $0xffff, v13;
	v59 =	vor.u32 v57, v51;
	v11 =	vld.idx.msk [tilespmem:v11+s2+$0x0], $0xffff;
	v13 =	vadd.s32 v18, v54  }
0xaf: {  	[tilespmem:v14+s11+$0x0] =	vst.idx.msk $0xffff, v0;
	v0 =	vor.u32 v57, v41;
	v14 =	vadd.s32 v16, v46;
	v3 =	vld.idx.msk [tilespmem:v3+s2+$0x0], $0xffff  }
0xb0: {  	[tilespmem:v5+s11+$0x0] =	vst.idx.msk $0xffff, v6;
	v5 =	vadd.s32 v16, v45;
	v6 =	vor.u32 v17, v42;
	v8 =	vld.idx.msk [tilespmem:v8+s2+$0x0], $0xffff  }
0xb1: {  	[tilespmem:v7+s11+$0x0] =	vst.idx.msk $0xffff, v2;
	v2 =	vadd.s32 v16, v47;
	v7 =	vor.u32 v17, v43;
	v1 =	vld.idx.msk [tilespmem:v1+s2+$0x0], $0xffff  }
0xb2: {  	v57 =	vor.u32 v17, v44;
	[tilespmem:v9+s11+$0x0] =	vst.idx.msk $0xffff, v10;
	v9 =	vadd.s32 v16, v40;
	v12 =	vld.idx.msk [tilespmem:v12+s2+$0x0], $0xffff  }
0xb3: {  	v4 =	vadd.s32 v18, v53;
	[tilespmem:v59+s11+$0x0] =	vst.idx.msk $0xffff, v11;
	v59 =	vld.idx.msk [tilespmem:v13+s2+$0x0], $0xffff;
	v13 =	vor.u32 v20, v55  }
0xb4: {  	[tilespmem:v0+s11+$0x0] =	vst.idx.msk $0xffff, v3;
	v0 =	vor.u32 v17, v48;
	v3 =	vadd.s32 v18, v52;
	v14 =	vld.idx.msk [tilespmem:v14+s2+$0x0], $0xffff  }
0xb5: {  	[tilespmem:v6+s11+$0x0] =	vst.idx.msk $0xffff, v8;
	v6 =	vor.u32 v17, v49;
	v5 =	vld.idx.msk [tilespmem:v5+s2+$0x0], $0xffff;
	v8 =	vadd.s32 v21, v54  }
0xb6: {  	[tilespmem:v7+s11+$0x0] =	vst.idx.msk $0xffff, v1;
	v1 =	vor.u32 v17, v51;
	v7 =	vadd.s32 v18, v50;
	v2 =	vld.idx.msk [tilespmem:v2+s2+$0x0], $0xffff  }
0xb7: {  	[tilespmem:v57+s11+$0x0] =	vst.idx.msk $0xffff, v12;
	v57 =	vor.u32 v17, v41;
	v12 =	vadd.s32 v18, v46;
	v9 =	vld.idx.msk [tilespmem:v9+s2+$0x0], $0xffff  }
0xb8: {  	[tilespmem:v13+s11+$0x0] =	vst.idx.msk $0xffff, v59;
	v59 =	vadd.s32 v18, v45;
	v13 =	vor.u32 v20, v42;
	v4 =	vld.idx.msk [tilespmem:v4+s2+$0x0], $0xffff  }
0xb9: {  	[tilespmem:v0+s11+$0x0] =	vst.idx.msk $0xffff, v14;
	v0 =	vadd.s32 v18, v47;
	v14 =	vor.u32 v20, v43;
	v3 =	vld.idx.msk [tilespmem:v3+s2+$0x0], $0xffff  }
0xba: {  	[tilespmem:v6+s11+$0x0] =	vst.idx.msk $0xffff, v5;
	v5 =	vadd.s32 v18, v40;
	v6 =	vld.idx.msk [tilespmem:v8+s2+$0x0], $0xffff;
	v8 =	vor.u32 v22, v55  }
0xbb: {  	[tilespmem:v1+s11+$0x0] =	vst.idx.msk $0xffff, v2;
	v1 =	vor.u32 v20, v44;
	v2 =	vadd.s32 v21, v53;
	v7 =	vld.idx.msk [tilespmem:v7+s2+$0x0], $0xffff  }
0xbc: {  	[tilespmem:v57+s11+$0x0] =	vst.idx.msk $0xffff, v9;
	v9 =	vor.u32 v20, v48;
	v10 =	vld.idx.msk [tilespmem:v12+s2+$0x0], $0xffff;
	v12 =	vadd.s32 v23, v54  }
0xbd: {  	[tilespmem:v13+s11+$0x0] =	vst.idx.msk $0xffff, v4;
	v57 =	vor.u32 v20, v49;
	v13 =	vadd.s32 v21, v52;
	v11 =	vld.idx.msk [tilespmem:v59+s2+$0x0], $0xffff  }
0xbe: {  	v59 =	vor.u32 v20, v51;
	[tilespmem:v14+s11+$0x0] =	vst.idx.msk $0xffff, v3;
	v14 =	vadd.s32 v21, v50;
	v0 =	vld.idx.msk [tilespmem:v0+s2+$0x0], $0xffff  }
0xbf: {  	[tilespmem:v8+s11+$0x0] =	vst.idx.msk $0xffff, v6;
	v6 =	vor.u32 v20, v41;
	v8 =	vadd.s32 v21, v46;
	v5 =	vld.idx.msk [tilespmem:v5+s2+$0x0], $0xffff  }
0xc0: {  	[tilespmem:v1+s11+$0x0] =	vst.idx.msk $0xffff, v7;
	v1 =	vadd.s32 v21, v45;
	v7 =	vor.u32 v22, v42;
	v2 =	vld.idx.msk [tilespmem:v2+s2+$0x0], $0xffff  }
0xc1: {  	[tilespmem:v9+s11+$0x0] =	vst.idx.msk $0xffff, v10;
	v9 =	vadd.s32 v21, v47;
	v10 =	vld.idx.msk [tilespmem:v12+s2+$0x0], $0xffff;
	v12 =	vor.u32 v24, v55  }
0xc2: {  	v4 =	vadd.s32 v21, v40;
	[tilespmem:v57+s11+$0x0] =	vst.idx.msk $0xffff, v11;
	v57 =	vor.u32 v22, v43;
	v13 =	vld.idx.msk [tilespmem:v13+s2+$0x0], $0xffff  }
0xc3: {  	[tilespmem:v59+s11+$0x0] =	vst.idx.msk $0xffff, v0;
	v0 =	vor.u32 v22, v44;
	v59 =	vld.idx.msk [tilespmem:v14+s2+$0x0], $0xffff;
	v14 =	vadd.s32 v26, v54  }
0xc4: {  	v21 =	vor.u32 v22, v48;
	[tilespmem:v6+s11+$0x0] =	vst.idx.msk $0xffff, v5;
	v6 =	vadd.s32 v23, v53;
	v8 =	vld.idx.msk [tilespmem:v8+s2+$0x0], $0xffff  }
0xc5: {  	[tilespmem:v7+s11+$0x0] =	vst.idx.msk $0xffff, v2;
	v2 =	vor.u32 v22, v49;
	v7 =	vadd.s32 v23, v52;
	v1 =	vld.idx.msk [tilespmem:v1+s2+$0x0], $0xffff  }
0xc6: {  	[tilespmem:v12+s11+$0x0] =	vst.idx.msk $0xffff, v10;
	v10 =	vor.u32 v22, v51;
	v12 =	vadd.s32 v23, v50;
	v9 =	vld.idx.msk [tilespmem:v9+s2+$0x0], $0xffff  }
0xc7: {  	[tilespmem:v57+s11+$0x0] =	vst.idx.msk $0xffff, v13;
	v57 =	vor.u32 v22, v41;
	v13 =	vadd.s32 v23, v46;
	v4 =	vld.idx.msk [tilespmem:v4+s2+$0x0], $0xffff  }
0xc8: {  	[tilespmem:v0+s11+$0x0] =	vst.idx.msk $0xffff, v59;
	v0 =	vadd.s32 v23, v45;
	v59 =	vld.idx.msk [tilespmem:v14+s2+$0x0], $0xffff;
	v14 =	vor.u32 v27, v55  }
0xc9: {  	v5 =	vadd.s32 v23, v47;
	[tilespmem:v21+s11+$0x0] =	vst.idx.msk $0xffff, v8;
	v21 =	vor.u32 v24, v42;
	v6 =	vld.idx.msk [tilespmem:v6+s2+$0x0], $0xffff  }
0xca: {  	v22 =	vadd.s32 v28, v54;
	[tilespmem:v2+s11+$0x0] =	vst.idx.msk $0xffff, v1;
	v1 =	vor.u32 v24, v43;
	v2 =	vld.idx.msk [tilespmem:v7+s2+$0x0], $0xffff  }
0xcb: {  	[tilespmem:v10+s11+$0x0] =	vst.idx.msk $0xffff, v9;
	v9 =	vadd.s32 v23, v40;
	v10 =	vor.u32 v24, v44;
	v12 =	vld.idx.msk [tilespmem:v12+s2+$0x0], $0xffff  }
0xcc: {  	v11 =	vadd.s32 v26, v53;
	[tilespmem:v57+s11+$0x0] =	vst.idx.msk $0xffff, v4;
	v57 =	vor.u32 v24, v48;
	v13 =	vld.idx.msk [tilespmem:v13+s2+$0x0], $0xffff  }
0xcd: {  	[tilespmem:v14+s11+$0x0] =	vst.idx.msk $0xffff, v59;
	v59 =	vor.u32 v24, v49;
	v14 =	vadd.s32 v26, v52;
	v0 =	vld.idx.msk [tilespmem:v0+s2+$0x0], $0xffff  }
0xce: {  	v8 =	vadd.s32 v26, v50;
	v5 =	vld.idx.msk [tilespmem:v5+s2+$0x0], $0xffff;
	[tilespmem:v21+s11+$0x0] =	vst.idx.msk $0xffff, v6;
	v21 =	vor.u32 v24, v51  }
0xcf: {  	v23 =	vor.u32 v25, v55;
	v22 =	vld.idx.msk [tilespmem:v22+s2+$0x0], $0xffff;
	[tilespmem:v1+s11+$0x0] =	vst.idx.msk $0xffff, v2;
	v1 =	vadd.s32 v26, v46  }
0xd0: {  	v24 =	vor.u32 v24, v41;
	[tilespmem:v10+s11+$0x0] =	vst.idx.msk $0xffff, v12;
	v12 =	vadd.s32 v26, v45;
	v9 =	vld.idx.msk [tilespmem:v9+s2+$0x0], $0xffff  }
0xd1: {  	[tilespmem:v57+s11+$0x0] =	vst.idx.msk $0xffff, v13;
	v57 =	vor.u32 v27, v42;
	v11 =	vld.idx.msk [tilespmem:v11+s2+$0x0], $0xffff;
	v13 =	vadd.s32 v29, v54  }
0xd2: {  	[tilespmem:v59+s11+$0x0] =	vst.idx.msk $0xffff, v0;
	v0 =	vadd.s32 v26, v47;
	v59 =	vor.u32 v27, v43;
	v14 =	vld.idx.msk [tilespmem:v14+s2+$0x0], $0xffff  }
0xd3: {  	v8 =	vld.idx.msk [tilespmem:v8+s2+$0x0], $0xffff;
	[tilespmem:v21+s11+$0x0] =	vst.idx.msk $0xffff, v5;
	v5 =	vadd.s32 v26, v40;
	v21 =	vor.u32 v27, v44  }
0xd4: {  	v7 =	vadd.s32 v28, v53;
	[tilespmem:v23+s11+$0x0] =	vst.idx.msk $0xffff, v22;
	v22 =	vor.u32 v27, v48;
	v1 =	vld.idx.msk [tilespmem:v1+s2+$0x0], $0xffff  }
0xd5: {  	v10 =	vadd.s32 v28, v52;
	v23 =	vor.u32 v27, v49;
	[tilespmem:v24+s11+$0x0] =	vst.idx.msk $0xffff, v9;
	v12 =	vld.idx.msk [tilespmem:v12+s2+$0x0], $0xffff  }
0xd6: {  	[tilespmem:v57+s11+$0x0] =	vst.idx.msk $0xffff, v11;
	v24 =	vadd.s32 v28, v50;
	v26 =	vld.idx.msk [tilespmem:v13+s2+$0x0], $0xffff;
	v13 =	vor.u32 v31, v55  }
0xd7: {  	v57 =	vor.u32 v27, v51;
	[tilespmem:v59+s11+$0x0] =	vst.idx.msk $0xffff, v14;
	v14 =	vadd.s32 v28, v46;
	v0 =	vld.idx.msk [tilespmem:v0+s2+$0x0], $0xffff  }
0xd8: {  	v59 =	vor.u32 v27, v41;
	[tilespmem:v21+s11+$0x0] =	vst.idx.msk $0xffff, v8;
	v21 =	vadd.s32 v37, v54;
	v5 =	vld.idx.msk [tilespmem:v5+s2+$0x0], $0xffff  }
0xd9: {  	v7 =	vld.idx.msk [tilespmem:v7+s2+$0x0], $0xffff;
	[tilespmem:v22+s11+$0x0] =	vst.idx.msk $0xffff, v1;
	v1 =	vadd.s32 v28, v45;
	v22 =	vor.u32 v25, v42  }
0xda: {  	v10 =	vld.idx.msk [tilespmem:v10+s2+$0x0], $0xffff;
	[tilespmem:v23+s11+$0x0] =	vst.idx.msk $0xffff, v12;
	v23 =	vadd.s32 v28, v47;
	v12 =	vor.u32 v25, v43  }
0xdb: {  	v11 =	vadd.s32 v28, v40;
	[tilespmem:v13+s11+$0x0] =	vst.idx.msk $0xffff, v26;
	v13 =	vor.u32 v25, v44;
	v4 =	vld.idx.msk [tilespmem:v24+s2+$0x0], $0xffff  }
0xdc: {  	v3 =	vadd.s32 v29, v53;
	v24 =	vor.u32 v25, v48;
	[tilespmem:v57+s11+$0x0] =	vst.idx.msk $0xffff, v0;
	v14 =	vld.idx.msk [tilespmem:v14+s2+$0x0], $0xffff  }
0xdd: {  	v26 =	vadd.s32 v29, v52;
	v57 =	vor.u32 v33, v55;
	[tilespmem:v59+s11+$0x0] =	vst.idx.msk $0xffff, v5;
	v27 =	vld.idx.msk [tilespmem:v21+s2+$0x0], $0xffff  }
0xde: {  	[tilespmem:v22+s11+$0x0] =	vst.idx.msk $0xffff, v7;
	v59 =	vor.u32 v25, v49;
	v21 =	vadd.s32 v29, v50;
	v1 =	vld.idx.msk [tilespmem:v1+s2+$0x0], $0xffff  }
0xdf: {  	v22 =	vor.u32 v25, v51;
	[tilespmem:v12+s11+$0x0] =	vst.idx.msk $0xffff, v10;
	v9 =	vld.idx.msk [tilespmem:v23+s2+$0x0], $0xffff;
	v12 =	vadd.s32 v38, v54  }
0xe0: {  	[tilespmem:v13+s11+$0x0] =	vst.idx.msk $0xffff, v4;
	v23 =	vor.u32 v25, v41;
	v13 =	vadd.s32 v29, v46;
	v11 =	vld.idx.msk [tilespmem:v11+s2+$0x0], $0xffff  }
0xe1: {  	v3 =	vld.idx.msk [tilespmem:v3+s2+$0x0], $0xffff;
	[tilespmem:v24+s11+$0x0] =	vst.idx.msk $0xffff, v14;
	v24 =	vadd.s32 v29, v45;
	v14 =	vor.u32 v31, v42  }
0xe2: {  	v6 =	vadd.s32 v29, v47;
	v25 =	vor.u32 v31, v43;
	v5 =	vld.idx.msk [tilespmem:v26+s2+$0x0], $0xffff;
	[tilespmem:v57+s11+$0x0] =	vst.idx.msk $0xffff, v27  }
0xe3: {  	v26 =	vor.u32 v31, v44;
	[tilespmem:v59+s11+$0x0] =	vst.idx.msk $0xffff, v1;
	v1 =	vadd.s32 v29, v40;
	v7 =	vld.idx.msk [tilespmem:v21+s2+$0x0], $0xffff  }
0xe4: {  	v21 =	vadd.s32 v37, v53;
	[tilespmem:v22+s11+$0x0] =	vst.idx.msk $0xffff, v9;
	v27 =	vld.idx.msk [tilespmem:v12+s2+$0x0], $0xffff;
	v12 =	vor.u32 v34, v55  }
0xe5: {  	v57 =	vor.u32 v31, v48;
	v59 =	vadd.s32 v37, v52;
	[tilespmem:v23+s11+$0x0] =	vst.idx.msk $0xffff, v11;
	v13 =	vld.idx.msk [tilespmem:v13+s2+$0x0], $0xffff  }
0xe6: {  	v22 =	vor.u32 v31, v49;
	[tilespmem:v14+s11+$0x0] =	vst.idx.msk $0xffff, v3;
	v0 =	vld.idx.msk [tilespmem:v24+s2+$0x0], $0xffff;
	v14 =	vadd.s32 v35, v54  }
0xe7: {  	v23 =	vor.u32 v31, v51;
	[tilespmem:v25+s11+$0x0] =	vst.idx.msk $0xffff, v5;
	v24 =	vadd.s32 v37, v50;
	v6 =	vld.idx.msk [tilespmem:v6+s2+$0x0], $0xffff  }
0xe8: {  	v25 =	vor.u32 v31, v41;
	[tilespmem:v26+s11+$0x0] =	vst.idx.msk $0xffff, v7;
	v26 =	vadd.s32 v37, v46;
	v1 =	vld.idx.msk [tilespmem:v1+s2+$0x0], $0xffff  }
0xe9: {  	v9 =	vld.idx.msk [tilespmem:v21+s2+$0x0], $0xffff;
	[tilespmem:v12+s11+$0x0] =	vst.idx.msk $0xffff, v27;
	v27 =	vadd.s32 v37, v45;
	v12 =	vor.u32 v33, v42  }
0xea: {  	v21 =	vadd.s32 v37, v47;
	v11 =	vld.idx.msk [tilespmem:v59+s2+$0x0], $0xffff;
	[tilespmem:v57+s11+$0x0] =	vst.idx.msk $0xffff, v13;
	v13 =	vor.u32 v33, v43  }
0xeb: {  	[tilespmem:v22+s11+$0x0] =	vst.idx.msk $0xffff, v0;
	v22 =	vadd.s32 v37, v40;
	v37 =	vld.idx.msk [tilespmem:v14+s2+$0x0], $0xffff;
	v14 =	vor.u32 v36, v55  }
0xec: {  	v59 =	vadd.s32 v38, v53;
	v57 =	vor.u32 v33, v44;
	[tilespmem:v23+s11+$0x0] =	vst.idx.msk $0xffff, v6;
	v8 =	vld.idx.msk [tilespmem:v24+s2+$0x0], $0xffff  }
0xed: {  	v23 =	vor.u32 v33, v48;
	[tilespmem:v25+s11+$0x0] =	vst.idx.msk $0xffff, v1;
	v24 =	vld.idx.msk [tilespmem:v26+s2+$0x0], $0xffff;
	v25 =	vadd.s32 v39, v54  }
0xee: {  	v26 =	vor.u32 v33, v49;
	[tilespmem:v12+s11+$0x0] =	vst.idx.msk $0xffff, v9;
	v12 =	vadd.s32 v38, v52;
	v10 =	vld.idx.msk [tilespmem:v27+s2+$0x0], $0xffff  }
0xef: {  	v4 =	vld.idx.msk [tilespmem:v21+s2+$0x0], $0xffff;
	[tilespmem:v13+s11+$0x0] =	vst.idx.msk $0xffff, v11;
	v27 =	vor.u32 v33, v51;
	v13 =	vadd.s32 v38, v50  }
0xf0: {  	[tilespmem:v14+s11+$0x0] =	vst.idx.msk $0xffff, v37;
	v37 =	vor.u32 v33, v41;
	v0 =	vld.idx.msk [tilespmem:v22+s2+$0x0], $0xffff  }
0xf1: {  	[tilespmem:v57+s11+$0x0] =	vst.idx.msk $0xffff, v8;
	v22 =	vor.u32 v34, v42;
	v6 =	vld.idx.msk [tilespmem:v59+s2+$0x0], $0xffff  }
0xf2: {  	v14 =	vadd.s32 v38, v46;
	v57 =	vor.u32 v58, v55;
	[tilespmem:v23+s11+$0x0] =	vst.idx.msk $0xffff, v24;
	v23 =	vld.idx.msk [tilespmem:v25+s2+$0x0], $0xffff  }
0xf3: {  	v21 =	vadd.s32 v38, v45;
	v24 =	vor.u32 v34, v43;
	[tilespmem:v26+s11+$0x0] =	vst.idx.msk $0xffff, v10;
	v12 =	vld.idx.msk [tilespmem:v12+s2+$0x0], $0xffff  }
0xf4: {  	v59 =	vadd.s32 v38, v40;
	v25 =	vor.u32 v34, v44;
	[tilespmem:v27+s11+$0x0] =	vst.idx.msk $0xffff, v4;
	v26 =	vld.idx.msk [tilespmem:v13+s2+$0x0], $0xffff  }
0xf5: {  	[tilespmem:v37+s11+$0x0] =	vst.idx.msk $0xffff, v0  }
0xf6: {  	v1 =	vadd.s32 v38, v47;
	[tilespmem:v22+s11+$0x0] =	vst.idx.msk $0xffff, v6  }
0xf7: {  	v33 =	vadd.s32 v35, v53;
	v14 =	vld.idx.msk [tilespmem:v14+s2+$0x0], $0xffff;
	[tilespmem:v57+s11+$0x0] =	vst.idx.msk $0xffff, v23  }
0xf8: {  	v13 =	vadd.s32 v56, v54;
	v27 =	vor.u32 v34, v48;
	v5 =	vld.idx.msk [tilespmem:v21+s2+$0x0], $0xffff;
	[tilespmem:v24+s11+$0x0] =	vst.idx.msk $0xffff, v12  }
0xf9: {  	v38 =	vadd.s32 v35, v52;
	v9 =	vld.idx.msk [tilespmem:v59+s2+$0x0], $0xffff;
	[tilespmem:v25+s11+$0x0] =	vst.idx.msk $0xffff, v26  }
0xfa: {  	v37 =	vor.u32 v34, v49;
	v22 =	vadd.s32 v35, v50;
	v59 =	vld [tilespmem:$0x1FEA0]  }
0xfb: {  	v21 =	vor.u32 v34, v51;
	v1 =	vld.idx.msk [tilespmem:v1+s2+$0x0], $0xffff;
	v12 =	vadd.s32 v35, v46  }
0xfc: {  	v3 =	vld.idx.msk [tilespmem:v33+s2+$0x0], $0xffff;
	v23 =	vor.u32 v34, v41;
	v24 =	vadd.s32 v35, v45  }
0xfd: {  	v25 =	vld.idx.msk [tilespmem:v13+s2+$0x0], $0xffff;
	v26 =	vadd.s32 v35, v47;
	[tilespmem:v27+s11+$0x0] =	vst.idx.msk $0xffff, v14;
	v14 =	vor.u32 v36, v42  }
0xfe: {  	v34 =	vadd.s32 v60, v54;
	v35 =	vadd.s32 v35, v40;
	v27 =	vor.u32 v36, v43;
	v33 =	vld.idx.msk [tilespmem:v38+s2+$0x0], $0xffff  }
0xff: {  	v54 =	vadd.s32 v39, v53;
	[tilespmem:v37+s11+$0x0] =	vst.idx.msk $0xffff, v5;
	v7 =	vld.idx.msk [tilespmem:v22+s2+$0x0], $0xffff;
	v13 =	vor.u32 v59, v55  }
0x100: {  	[tilespmem:v21+s11+$0x0] =	vst.idx.msk $0xffff, v1;
	v37 =	vor.u32 v36, v44;
	v12 =	vld.idx.msk [tilespmem:v12+s2+$0x0], $0xffff  }
0x101: {  	v38 =	vor.u32 v36, v48;
	[tilespmem:v23+s11+$0x0] =	vst.idx.msk $0xffff, v9;
	v4 =	vld.idx.msk [tilespmem:v24+s2+$0x0], $0xffff  }
0x102: {  	v0 =	vld.idx.msk [tilespmem:v26+s2+$0x0], $0xffff;
	[tilespmem:v14+s11+$0x0] =	vst.idx.msk $0xffff, v3;
	v14 =	vadd.s32 v39, v50  }
0x103: {  	v22 =	vor.u32 v36, v51;
	v23 =	vadd.s32 v39, v46;
	v1 =	vld.idx.msk [tilespmem:v35+s2+$0x0], $0xffff;
	[tilespmem:v27+s11+$0x0] =	vst.idx.msk $0xffff, v33  }
0x104: {  	v21 =	vor.u32 v36, v49;
	v33 =	vadd.s32 v39, v47;
	v10 =	vld.idx.msk [tilespmem:v54+s2+$0x0], $0xffff;
	[tilespmem:v13+s11+$0x0] =	vst.idx.msk $0xffff, v25  }
0x105: {  	v26 =	vor.u32 v36, v41;
	v13 =	vadd.s32 v39, v52;
	v57 =	vld [tilespmem:$0x1FE50];
	[tilespmem:v37+s11+$0x0] =	vst.idx.msk $0xffff, v7  }
0x106: {  	v35 =	vor.u32 v58, v43;
	v24 =	vld.idx.msk [tilespmem:v34+s2+$0x0], $0xffff;
	[tilespmem:v38+s11+$0x0] =	vst.idx.msk $0xffff, v12;
	v12 =	vor.u32 v58, v42  }
0x107: {  	v36 =	vor.u32 v58, v44;
	v27 =	vadd.s32 v39, v45;
	v54 =	vor.u32 v58, v49;
	v14 =	vld.idx.msk [tilespmem:v14+s2+$0x0], $0xffff  }
0x108: {  	[tilespmem:v22+s11+$0x0] =	vst.idx.msk $0xffff, v0;
	v37 =	vadd.s32 v56, v53;
	v38 =	vor.u32 v58, v48;
	v5 =	vld.idx.msk [tilespmem:v23+s2+$0x0], $0xffff  }
0x109: {  	[tilespmem:v21+s11+$0x0] =	vst.idx.msk $0xffff, v4;
	v34 =	vadd.s32 v39, v40;
	v21 =	vor.u32 v58, v51;
	v9 =	vld.idx.msk [tilespmem:v33+s2+$0x0], $0xffff  }
0x10a: {  	v39 =	vadd.s32 v56, v52;
	[tilespmem:v26+s11+$0x0] =	vst.idx.msk $0xffff, v1;
	v23 =	vadd.s32 v56, v47;
	v13 =	vld.idx.msk [tilespmem:v13+s2+$0x0], $0xffff  }
0x10b: {  	v22 =	vor.u32 v58, v41;
	v25 =	vor.u32 v57, v55;
	[tilespmem:v12+s11+$0x0] =	vst.idx.msk $0xffff, v10  }
0x10c: {  	v26 =	vor.u32 v59, v44;
	v7 =	vld.idx.msk [tilespmem:v27+s2+$0x0], $0xffff;
	v55 =	vadd.s32 v56, v50;
	[tilespmem:v36+s11+$0x0] =	vst.idx.msk $0xffff, v14  }
0x10d: {  	v12 =	vadd.s32 v56, v46;
	v14 =	vor.u32 v59, v42;
	v3 =	vld.idx.msk [tilespmem:v37+s2+$0x0], $0xffff;
	[tilespmem:v38+s11+$0x0] =	vst.idx.msk $0xffff, v5  }
0x10e: {  	v27 =	vor.u32 v59, v48;
	v33 =	vadd.s32 v60, v53;
	v4 =	vld.idx.msk [tilespmem:v34+s2+$0x0], $0xffff;
	[tilespmem:v21+s11+$0x0] =	vst.idx.msk $0xffff, v9  }
0x10f: {  	v37 =	vor.u32 v59, v51;
	v0 =	vld.idx.msk [tilespmem:v23+s2+$0x0], $0xffff;
	[tilespmem:v35+s11+$0x0] =	vst.idx.msk $0xffff, v13;
	v13 =	vadd.s32 v56, v45  }
0x110: {  	v38 =	vor.u32 v59, v41;
	[tilespmem:v25+s11+$0x0] =	vst.idx.msk $0xffff, v24;
	v24 =	vadd.s32 v56, v40;
	v8 =	vld.idx.msk [tilespmem:v39+s2+$0x0], $0xffff  }
0x111: {  	v35 =	vor.u32 v59, v49;
	v25 =	vor.u32 v59, v43;
	v2 =	vld.idx.msk [tilespmem:v55+s2+$0x0], $0xffff;
	v59 =	vadd.s32 v60, v47  }
0x112: {  	v36 =	vadd.s32 v60, v52;
	v34 =	vld.idx.msk [tilespmem:v12+s2+$0x0], $0xffff;
	[tilespmem:v14+s11+$0x0] =	vst.idx.msk $0xffff, v3  }
0x113: {  	[tilespmem:v54+s11+$0x0] =	vst.idx.msk $0xffff, v7;
	v39 =	vadd.s32 v60, v46;
	v55 =	vld.idx.msk [tilespmem:v33+s2+$0x0], $0xffff  }
0x114: {  	[tilespmem:v22+s11+$0x0] =	vst.idx.msk $0xffff, v4;
	v12 =	vld.idx.msk [tilespmem:v13+s2+$0x0], $0xffff;
	v13 =	vadd.s32 v60, v50  }
0x115: {  	v58 =	vadd.s32 v60, v45;
	[tilespmem:v37+s11+$0x0] =	vst.idx.msk $0xffff, v0;
	v5 =	vld.idx.msk [tilespmem:v24+s2+$0x0], $0xffff  }
0x116: {  	[tilespmem:v25+s11+$0x0] =	vst.idx.msk $0xffff, v8;
	v45 =	vld.idx.msk [tilespmem:v59+s2+$0x0], $0xffff  }
0x117: {  	v47 =	vadd.s32 v60, v40;
	v46 =	vor.u32 v57, v43;
	[tilespmem:v27+s11+$0x0] =	vst.idx.msk $0xffff, v34;
	v54 =	vld.idx.msk [tilespmem:v36+s2+$0x0], $0xffff  }
0x118: {  	v43 =	vor.u32 v57, v44;
	v44 =	vor.u32 v57, v49;
	[tilespmem:v26+s11+$0x0] =	vst.idx.msk $0xffff, v2;
	v53 =	vld.idx.msk [tilespmem:v39+s2+$0x0], $0xffff  }
0x119: {  	v49 =	vor.u32 v57, v51;
	v50 =	vor.u32 v57, v42;
	[tilespmem:v35+s11+$0x0] =	vst.idx.msk $0xffff, v12;
	v52 =	vld.idx.msk [tilespmem:v13+s2+$0x0], $0xffff  }
0x11a: {  	s15 =	simm.s32 $0xF0;
	s14 =	simm.s32 $0x0;
	s13 =	simm.s32 $0xA80;
	v42 =	vor.u32 v57, v48;
	v48 =	vor.u32 v57, v41;
	[tilespmem:v38+s11+$0x0] =	vst.idx.msk $0xffff, v5;
	v40 =	vld.idx.msk [tilespmem:v58+s2+$0x0], $0xffff  }
.LBB2_8:
0x11b: {  	v4 =	vld [tilespmem:$0x1FE60]  }
0x11c: {  	v7 =	vld [tilespmem:$0x1FE10];
	_ =	sdelay $0x1  }
0x11d: {  	v12 =	vld [tilespmem:$0x1FDC0]  }
0x11e: {  	s17 =	sadd.s32 $0xFFFFFFF0, s15;
	v0 =	vor.u32 s15, v19;
	s29 =	sadd.s32 $0xFFFFFF90, s15;
	v13 =	vld [tilespmem:$0x1FDD0]  }
0x11f: {  	v14 =	vld [tilespmem:$0x1FDE0];
	v3 =	vor.u32 s17, v19;
	v8 =	vor.u32 s29, v19;
	v4 =	vand.u32 v4, v0  }
0x120: {  	s16 =	sadd.s32 $0xFFFFFFA0, s15;
	v11 =	vand.u32 v15, v8;
	v15 =	vld [tilespmem:$0x1FDF0];
	v7 =	vand.u32 v7, v3  }
0x121: {  	v1 =	vld.idx.msk [tilespmem:v47+s2+$0x0], $0xffff;
	s28 =	sadd.s32 $0xFFFFFFB0, s15;
	v2 =	vor.u32 s16, v19  }
0x122: {  	s18 =	sadd.s32 $0xFFFFFFC0, s15;
	v5 =	vor.u32 s28, v19;
	[tilespmem:v50+s11+$0x0] =	vst.idx.msk $0xffff, v55;
	v12 =	vand.u32 v12, v2  }
0x123: {  	s30 =	sadd.s32 $0xFFFFFFD0, s15;
	v6 =	vor.u32 s18, v19;
	[tilespmem:v42+s11+$0x0] =	vst.idx.msk $0xffff, v53;
	v42 =	vshll.u32 v2, $0x4;
	v13 =	vand.u32 v13, v5;
	v2 =	vld [tilespmem:$0x1FE80]  }
0x124: {  	v9 =	vor.u32 s30, v19;
	[tilespmem:v46+s11+$0x0] =	vst.idx.msk $0xffff, v54;
	v14 =	vand.u32 v14, v6;
	v47 =	vld.idx.msk [tilespmem:v4+s10+$0x0], $0xffff  }
0x125: {  	[tilespmem:v43+s11+$0x0] =	vst.idx.msk $0xffff, v52;
	v15 =	vand.u32 v15, v9;
	v51 =	vld.idx.msk [tilespmem:v7+s10+$0x0], $0xffff  }
0x126: {  	s31 =	sadd.s32 $0xFFFFFFE0, s15;
	[tilespmem:v48+s11+$0x0] =	vst.idx.msk $0xffff, v1;
	v48 =	vld.idx.msk [tilespmem:v11+s10+$0x0], $0xffff  }
0x127: {  	v10 =	vor.u32 s31, v19;
	[tilespmem:v49+s11+$0x0] =	vst.idx.msk $0xffff, v45;
	v49 =	vld.idx.msk [tilespmem:v12+s10+$0x0], $0xffff  }
0x128: {  	v16 =	vand.u32 v61, v10;
	v52 =	vld.idx.msk [tilespmem:v13+s10+$0x0], $0xffff  }
0x129: {  	[tilespmem:v44+s11+$0x0] =	vst.idx.msk $0xffff, v40;
	v50 =	vld.idx.msk [tilespmem:v14+s10+$0x0], $0xffff  }
0x12a: {  	v53 =	vld.idx.msk [tilespmem:v15+s10+$0x0], $0xffff  }
0x12b: {  	v29 =	vlaneseq.u32;
	v60 =	vld [tilespmem:$0x1FDB0];
	v46 =	vshll.u32 v8, $0x4;
	v13 =	vadd.s32 v30, v47  }
0x12c: {  	v45 =	vshll.u32 v0, $0x4;
	v0 =	vld [tilespmem:$0x1FEB0];
	v54 =	vor.u32 v2, v42;
	v17 =	vadd.s32 v30, v51  }
0x12d: {  	v44 =	vshll.u32 v6, $0x4;
	v6 =	vor.u32 v19, v46;
	[tilespmem:$0x1FA00] =	vst v54;
	v54 =	vld.idx.msk [tilespmem:v16+s10+$0x0], $0xffff;
	v16 =	vadd.s32 v30, v48  }
0x12e: {  	v1 =	vld [tilespmem:$0x1FEC0];
	v55 =	vadd.s32 v63, v47;
	v20 =	vadd.s32 v30, v49;
	v23 =	vadd.s32 v30, v52  }
0x12f: {  	v26 =	vadd.s32 v30, v50;
	[tilespmem:$0x1FA10] =	vst v55;
	v55 =	vshll.u32 v3, $0x4;
	v3 =	vadd.s32 v30, v53;
	v30 =	vld [tilespmem:$0x1FDA0]  }
0x130: {  	v14 =	vadd.s32 v32, v47;
	v18 =	vadd.s32 v32, v48;
	v21 =	vadd.s32 v32, v49;
	v13 =	vld.idx.msk [tilespmem:v13+s2+$0x0], $0xffff  }
0x131: {  	v24 =	vadd.s32 v32, v52;
	v27 =	vadd.s32 v32, v50;
	v29 =	vor.u32 v29, v55;
	v17 =	vld.idx.msk [tilespmem:v17+s2+$0x0], $0xffff  }
0x132: {  	v31 =	vadd.s32 v32, v54;
	v28 =	vadd.s32 v32, v53;
	v32 =	vadd.s32 v60, v51;
	v16 =	vld.idx.msk [tilespmem:v16+s2+$0x0], $0xffff  }
0x133: {  	v43 =	vshll.u32 v5, $0x4;
	v40 =	vshll.u32 v10, $0x4;
	v4 =	vor.u32 v19, v42;
	v20 =	vld.idx.msk [tilespmem:v20+s2+$0x0], $0xffff  }
0x134: {  	v5 =	vor.u32 v19, v43;
	v61 =	vor.u32 v2, v40;
	v23 =	vld.idx.msk [tilespmem:v23+s2+$0x0], $0xffff  }
0x135: {  	v7 =	vor.u32 v19, v44;
	[tilespmem:$0x1FA20] =	vst v61;
	v26 =	vld.idx.msk [tilespmem:v26+s2+$0x0], $0xffff  }
0x136: {  	v8 =	vor.u32 v19, v45;
	v3 =	vld.idx.msk [tilespmem:v3+s2+$0x0], $0xffff;
	[tilespmem:v29+s11+$0x0] =	vst.idx.msk $0xffff, v17  }
0x137: {  	v41 =	vshll.u32 v9, $0x4;
	[tilespmem:v6+s11+$0x0] =	vst.idx.msk $0xffff, v16;
	v32 =	vld.idx.msk [tilespmem:v32+s2+$0x0], $0xffff  }
0x138: {  	v38 =	vor.u32 v62, v46;
	v10 =	vor.u32 v19, v40;
	[tilespmem:v4+s11+$0x0] =	vst.idx.msk $0xffff, v20;
	v18 =	vld.idx.msk [tilespmem:v18+s2+$0x0], $0xffff  }
0x139: {  	v9 =	vor.u32 v19, v41;
	v30 =	vadd.s32 v30, v54;
	[tilespmem:v5+s11+$0x0] =	vst.idx.msk $0xffff, v23;
	v21 =	vld.idx.msk [tilespmem:v21+s2+$0x0], $0xffff  }
0x13a: {  	v56 =	vor.u32 v62, v44;
	v59 =	vor.u32 v62, v45;
	[tilespmem:v7+s11+$0x0] =	vst.idx.msk $0xffff, v26;
	v5 =	vld.idx.msk [tilespmem:v24+s2+$0x0], $0xffff  }
0x13b: {  	v12 =	vor.u32 v62, v43;
	[tilespmem:v8+s11+$0x0] =	vst.idx.msk $0xffff, v13;
	v7 =	vor.u32 v1, v41;
	v24 =	vld.idx.msk [tilespmem:v27+s2+$0x0], $0xffff  }
0x13c: {  	v11 =	vor.u32 v62, v42;
	v19 =	vadd.s32 v63, v48;
	v22 =	vadd.s32 v63, v49;
	[tilespmem:$0x1FA40] =	vst v7;
	v7 =	vld [tilespmem:$0x1FED0]  }
0x13d: {  	v25 =	vadd.s32 v63, v52;
	v33 =	vadd.s32 v63, v50;
	v60 =	vadd.s32 v0, v49;
	v14 =	vld.idx.msk [tilespmem:v14+s2+$0x0], $0xffff  }
0x13e: {  	v61 =	vadd.s32 v0, v53;
	v26 =	vor.u32 v1, v44;
	v6 =	vld.idx.msk [tilespmem:v30+s2+$0x0], $0xffff;
	[tilespmem:v9+s11+$0x0] =	vst.idx.msk $0xffff, v3  }
0x13f: {  	v13 =	vadd.s32 v0, v48;
	v17 =	vadd.s32 v0, v52;
	[tilespmem:$0x1FA30] =	vst v26;
	v27 =	vld.idx.msk [tilespmem:v28+s2+$0x0], $0xffff  }
0x140: {  	v29 =	vadd.s32 v0, v50;
	v16 =	vadd.s32 v0, v54;
	[tilespmem:v12+s11+$0x0] =	vst.idx.msk $0xffff, v5;
	v5 =	vld [tilespmem:$0x1FEE0]  }
0x141: {  	v20 =	vadd.s32 v0, v47;
	[tilespmem:v38+s11+$0x0] =	vst.idx.msk $0xffff, v18;
	v18 =	vadd.s32 v0, v51;
	v0 =	vld [tilespmem:$0x1FEF0]  }
0x142: {  	v30 =	vor.u32 v62, v55;
	v9 =	vor.u32 v1, v40;
	[tilespmem:v59+s11+$0x0] =	vst.idx.msk $0xffff, v14;
	v59 =	vld [tilespmem:$0x1FA10]  }
0x143: {  	v58 =	vor.u32 v2, v46;
	v4 =	vadd.s32 v63, v51;
	[tilespmem:$0x1FA50] =	vst v9;
	v19 =	vld.idx.msk [tilespmem:v19+s2+$0x0], $0xffff  }
0x144: {  	v36 =	vor.u32 v2, v43;
	[tilespmem:v56+s11+$0x0] =	vst.idx.msk $0xffff, v24;
	v38 =	vld.idx.msk [tilespmem:v25+s2+$0x0], $0xffff  }
0x145: {  	v37 =	vor.u32 v2, v44;
	v12 =	vld.idx.msk [tilespmem:v33+s2+$0x0], $0xffff;
	[tilespmem:v10+s11+$0x0] =	vst.idx.msk $0xffff, v6  }
0x146: {  	v15 =	vor.u32 v62, v40;
	[tilespmem:v11+s11+$0x0] =	vst.idx.msk $0xffff, v21;
	v6 =	vld.idx.msk [tilespmem:v31+s2+$0x0], $0xffff  }
0x147: {  	v39 =	vor.u32 v2, v41;
	v35 =	vadd.s32 v63, v54;
	v22 =	vld.idx.msk [tilespmem:v22+s2+$0x0], $0xffff;
	[tilespmem:v30+s11+$0x0] =	vst.idx.msk $0xffff, v32  }
0x148: {  	v8 =	vor.u32 v2, v45;
	v2 =	vor.u32 v2, v55;
	v3 =	vld.idx.msk [tilespmem:v4+s2+$0x0], $0xffff;
	[tilespmem:v58+s11+$0x0] =	vst.idx.msk $0xffff, v19  }
0x149: {  	v57 =	vor.u32 v62, v41;
	v58 =	vld [tilespmem:$0x1FA00];
	[tilespmem:v36+s11+$0x0] =	vst.idx.msk $0xffff, v38  }
0x14a: {  	v34 =	vadd.s32 v63, v53;
	v26 =	vadd.s32 v7, v48;
	[tilespmem:v37+s11+$0x0] =	vst.idx.msk $0xffff, v12;
	v13 =	vld.idx.msk [tilespmem:v13+s2+$0x0], $0xffff  }
0x14b: {  	v9 =	vadd.s32 v7, v53;
	v21 =	vadd.s32 v7, v47;
	v12 =	vld.idx.msk [tilespmem:v17+s2+$0x0], $0xffff;
	[tilespmem:v15+s11+$0x0] =	vst.idx.msk $0xffff, v6  }
0x14c: {  	v30 =	vadd.s32 v7, v49;
	v32 =	vadd.s32 v7, v52;
	v10 =	vadd.s32 v7, v54;
	v19 =	vld.idx.msk [tilespmem:v35+s2+$0x0], $0xffff  }
0x14d: {  	v4 =	vadd.s32 v7, v50;
	[tilespmem:v2+s11+$0x0] =	vst.idx.msk $0xffff, v3;
	v35 =	vadd.s32 v7, v51;
	v7 =	vld [tilespmem:$0x1FA20]  }
0x14e: {  	v23 =	vor.u32 v1, v43;
	[tilespmem:v57+s11+$0x0] =	vst.idx.msk $0xffff, v27;
	v6 =	vld.idx.msk [tilespmem:v18+s2+$0x0], $0xffff  }
0x14f: {  	v56 =	vor.u32 v5, v44;
	v18 =	vld.idx.msk [tilespmem:v34+s2+$0x0], $0xffff;
	v34 =	vor.u32 v1, v55  }
0x150: {  	[tilespmem:$0x1FA70] =	vst v56;
	v29 =	vld.idx.msk [tilespmem:v29+s2+$0x0], $0xffff  }
0x151: {  	v62 =	vor.u32 v1, v46;
	v17 =	vld [tilespmem:$0x1FA70]  }
0x152: {  	[tilespmem:$0x1FA60] =	vst v21;
	v56 =	vld.idx.msk [tilespmem:v59+s2+$0x0], $0xffff  }
0x153: {  	v3 =	vld [tilespmem:$0x1FF10];
	[tilespmem:v23+s11+$0x0] =	vst.idx.msk $0xffff, v12  }
0x154: {  	v63 =	vor.u32 v1, v42;
	v28 =	vor.u32 v1, v45;
	v1 =	vld [tilespmem:$0x1FF00];
	[tilespmem:v34+s11+$0x0] =	vst.idx.msk $0xffff, v6  }
0x155: {  	v34 =	vld.idx.msk [tilespmem:v35+s2+$0x0], $0xffff;
	[tilespmem:v7+s11+$0x0] =	vst.idx.msk $0xffff, v19;
	v19 =	vor.u32 v5, v55  }
0x156: {  	v24 =	vor.u32 v5, v43;
	[tilespmem:v62+s11+$0x0] =	vst.idx.msk $0xffff, v13;
	v32 =	vld.idx.msk [tilespmem:v32+s2+$0x0], $0xffff  }
0x157: {  	v14 =	vadd.s32 v0, v52;
	v26 =	vld.idx.msk [tilespmem:v26+s2+$0x0], $0xffff;
	[tilespmem:v58+s11+$0x0] =	vst.idx.msk $0xffff, v22  }
0x158: {  	v57 =	vor.u32 v5, v45;
	v59 =	vld.idx.msk [tilespmem:v60+s2+$0x0], $0xffff;
	[tilespmem:v39+s11+$0x0] =	vst.idx.msk $0xffff, v18  }
0x159: {  	[tilespmem:$0x1FA80] =	vst v57;
	v39 =	vld.idx.msk [tilespmem:v61+s2+$0x0], $0xffff  }
0x15a: {  	v21 =	vor.u32 v5, v46;
	v11 =	vadd.s32 v0, v54;
	[tilespmem:v19+s11+$0x0] =	vst.idx.msk $0xffff, v34;
	v34 =	vld [tilespmem:$0x1FA30]  }
0x15b: {  	v57 =	vadd.s32 v0, v53;
	v2 =	vadd.s32 v0, v48;
	v7 =	vld [tilespmem:$0x1FA50];
	[tilespmem:v24+s11+$0x0] =	vst.idx.msk $0xffff, v32  }
0x15c: {  	v36 =	vadd.s32 v0, v47;
	v15 =	vadd.s32 v0, v49;
	v25 =	vor.u32 v1, v43;
	v14 =	vld.idx.msk [tilespmem:v14+s2+$0x0], $0xffff  }
0x15d: {  	[tilespmem:v8+s11+$0x0] =	vst.idx.msk $0xffff, v56;
	v22 =	vadd.s32 v0, v50;
	v61 =	vadd.s32 v0, v51;
	v0 =	vld [tilespmem:$0x1FF20]  }
0x15e: {  	v20 =	vld.idx.msk [tilespmem:v20+s2+$0x0], $0xffff  }
0x15f: {  	v31 =	vor.u32 v5, v42;
	[tilespmem:v21+s11+$0x0] =	vst.idx.msk $0xffff, v26;
	v16 =	vld.idx.msk [tilespmem:v16+s2+$0x0], $0xffff  }
0x160: {  	v27 =	vor.u32 v5, v41;
	v33 =	vor.u32 v5, v40;
	v5 =	vld.idx.msk [tilespmem:v2+s2+$0x0], $0xffff;
	[tilespmem:v63+s11+$0x0] =	vst.idx.msk $0xffff, v59  }
0x161: {  	v13 =	vadd.s32 v3, v52;
	v30 =	vld.idx.msk [tilespmem:v30+s2+$0x0], $0xffff;
	[tilespmem:v25+s11+$0x0] =	vst.idx.msk $0xffff, v14  }
0x162: {  	v2 =	vld [tilespmem:$0x1FF50];
	[tilespmem:v34+s11+$0x0] =	vst.idx.msk $0xffff, v29;
	v34 =	vor.u32 v0, v44  }
0x163: {  	v38 =	vadd.s32 v3, v48;
	v8 =	vadd.s32 v3, v49;
	v56 =	vadd.s32 v3, v50;
	[tilespmem:$0x1FA90] =	vst v34;
	v34 =	vld [tilespmem:$0x1FA40]  }
0x164: {  	v12 =	vadd.s32 v3, v54;
	v58 =	vor.u32 v1, v46;
	v25 =	vld [tilespmem:$0x1FF70];
	[tilespmem:v7+s11+$0x0] =	vst.idx.msk $0xffff, v16  }
0x165: {  	v23 =	vadd.s32 v3, v47;
	v59 =	vadd.s32 v3, v53;
	v16 =	vadd.s32 v3, v51;
	v3 =	vld.idx.msk [tilespmem:v10+s2+$0x0], $0xffff  }
0x166: {  	v13 =	vld.idx.msk [tilespmem:v13+s2+$0x0], $0xffff;
	[tilespmem:v31+s11+$0x0] =	vst.idx.msk $0xffff, v30  }
0x167: {  	v60 =	vor.u32 v1, v42;
	v37 =	vor.u32 v1, v44;
	v15 =	vld.idx.msk [tilespmem:v15+s2+$0x0], $0xffff  }
0x168: {  	v6 =	vor.u32 v1, v41;
	v18 =	vor.u32 v1, v40;
	[tilespmem:v28+s11+$0x0] =	vst.idx.msk $0xffff, v20;
	v29 =	vld.idx.msk [tilespmem:v61+s2+$0x0], $0xffff  }
0x169: {  	v35 =	vor.u32 v1, v45;
	[tilespmem:v58+s11+$0x0] =	vst.idx.msk $0xffff, v5;
	v61 =	vor.u32 v1, v55;
	v1 =	vld [tilespmem:$0x1FF40]  }
0x16a: {  	v4 =	vld.idx.msk [tilespmem:v4+s2+$0x0], $0xffff;
	[tilespmem:v33+s11+$0x0] =	vst.idx.msk $0xffff, v3  }
0x16b: {  	v11 =	vld.idx.msk [tilespmem:v11+s2+$0x0], $0xffff;
	[tilespmem:v34+s11+$0x0] =	vst.idx.msk $0xffff, v39  }
0x16c: {  	v33 =	vor.u32 v2, v40;
	[tilespmem:v60+s11+$0x0] =	vst.idx.msk $0xffff, v15;
	v9 =	vld.idx.msk [tilespmem:v9+s2+$0x0], $0xffff  }
0x16d: {  	v10 =	vld [tilespmem:$0x1FA60];
	[tilespmem:$0x1FAC0] =	vst v33  }
0x16e: {  	v8 =	vld.idx.msk [tilespmem:v8+s2+$0x0], $0xffff;
	[tilespmem:v61+s11+$0x0] =	vst.idx.msk $0xffff, v29  }
0x16f: {  	v63 =	vor.u32 v0, v42;
	v16 =	vld.idx.msk [tilespmem:v16+s2+$0x0], $0xffff;
	[tilespmem:v17+s11+$0x0] =	vst.idx.msk $0xffff, v4  }
0x170: {  	v19 =	vor.u32 v0, v43;
	v32 =	vor.u32 v2, v44;
	v22 =	vld.idx.msk [tilespmem:v22+s2+$0x0], $0xffff;
	[tilespmem:v18+s11+$0x0] =	vst.idx.msk $0xffff, v11  }
0x171: {  	v7 =	vor.u32 v0, v40;
	v21 =	vadd.s32 v1, v49;
	v12 =	vld.idx.msk [tilespmem:v12+s2+$0x0], $0xffff;
	[tilespmem:v27+s11+$0x0] =	vst.idx.msk $0xffff, v9  }
0x172: {  	v26 =	vadd.s32 v1, v52;
	v28 =	vadd.s32 v1, v50;
	v4 =	vor.u32 v0, v55;
	v33 =	vld.idx.msk [tilespmem:v57+s2+$0x0], $0xffff  }
0x173: {  	[tilespmem:$0x1FAB0] =	vst v32;
	v30 =	vadd.s32 v1, v53;
	v31 =	vadd.s32 v1, v54;
	v39 =	vor.u32 v0, v41;
	v57 =	vld [tilespmem:$0x1FA80]  }
0x174: {  	v29 =	vadd.s32 v1, v47;
	[tilespmem:$0x1FAA0] =	vst v39;
	v39 =	vadd.s32 v1, v48;
	v9 =	vadd.s32 v1, v51;
	v1 =	vld [tilespmem:$0x1FF60]  }
0x175: {  	[tilespmem:v19+s11+$0x0] =	vst.idx.msk $0xffff, v13;
	v10 =	vld.idx.msk [tilespmem:v10+s2+$0x0], $0xffff  }
0x176: {  	v62 =	vor.u32 v0, v46;
	v20 =	vor.u32 v0, v45;
	[tilespmem:v63+s11+$0x0] =	vst.idx.msk $0xffff, v8;
	v0 =	vld [tilespmem:$0x1FF30]  }
0x177: {  	v24 =	vor.u32 v2, v43;
	[tilespmem:v4+s11+$0x0] =	vst.idx.msk $0xffff, v16  }
0x178: {  	v14 =	vor.u32 v2, v55;
	v61 =	vor.u32 v2, v42;
	v21 =	vld.idx.msk [tilespmem:v21+s2+$0x0], $0xffff;
	[tilespmem:v37+s11+$0x0] =	vst.idx.msk $0xffff, v22  }
0x179: {  	v13 =	vadd.s32 v25, v51;
	[tilespmem:v7+s11+$0x0] =	vst.idx.msk $0xffff, v12;
	v7 =	vld [tilespmem:$0x1FF90];
	v5 =	vadd.s32 v1, v47  }
0x17a: {  	v19 =	vadd.s32 v25, v47;
	v34 =	vor.u32 v2, v46;
	v9 =	vld.idx.msk [tilespmem:v9+s2+$0x0], $0xffff;
	[tilespmem:$0x1FAE0] =	vst v5  }
0x17b: {  	v16 =	vor.u32 v0, v42;
	v37 =	vor.u32 v0, v43;
	v5 =	vld [tilespmem:$0x1FA90];
	[tilespmem:v57+s11+$0x0] =	vst.idx.msk $0xffff, v10  }
0x17c: {  	v60 =	vor.u32 v0, v44;
	v11 =	vor.u32 v0, v40;
	v10 =	vadd.s32 v1, v49;
	v4 =	vld.idx.msk [tilespmem:v36+s2+$0x0], $0xffff  }
0x17d: {  	v27 =	vor.u32 v2, v41;
	[tilespmem:v61+s11+$0x0] =	vst.idx.msk $0xffff, v21;
	v32 =	vadd.s32 v1, v48;
	v36 =	vld.idx.msk [tilespmem:v38+s2+$0x0], $0xffff  }
0x17e: {  	v22 =	vadd.s32 v1, v51;
	[tilespmem:v6+s11+$0x0] =	vst.idx.msk $0xffff, v33;
	v6 =	vld.idx.msk [tilespmem:v56+s2+$0x0], $0xffff;
	v57 =	vor.u32 v2, v45  }
0x17f: {  	v17 =	vadd.s32 v1, v52;
	v58 =	vadd.s32 v1, v53;
	v56 =	vld.idx.msk [tilespmem:v59+s2+$0x0], $0xffff;
	[tilespmem:$0x1FAD0] =	vst v57  }
0x180: {  	v15 =	vadd.s32 v1, v54;
	v57 =	vadd.s32 v1, v50;
	[tilespmem:v14+s11+$0x0] =	vst.idx.msk $0xffff, v9;
	v1 =	vld.idx.msk [tilespmem:v26+s2+$0x0], $0xffff  }
0x181: {  	v33 =	vor.u32 v0, v41;
	v38 =	vor.u32 v0, v46;
	v2 =	vld.idx.msk [tilespmem:v10+s2+$0x0], $0xffff;
	[tilespmem:v35+s11+$0x0] =	vst.idx.msk $0xffff, v4  }
0x182: {  	v4 =	vor.u32 v0, v45;
	[tilespmem:v62+s11+$0x0] =	vst.idx.msk $0xffff, v36;
	v36 =	vor.u32 v0, v55;
	v0 =	vld [tilespmem:$0x1FF80]  }
0x183: {  	v18 =	vadd.s32 v25, v48;
	v8 =	vadd.s32 v25, v54;
	v59 =	vadd.s32 v25, v52;
	v22 =	vld.idx.msk [tilespmem:v22+s2+$0x0], $0xffff  }
0x184: {  	v9 =	vadd.s32 v25, v50;
	v14 =	vadd.s32 v25, v53;
	v35 =	vadd.s32 v25, v49;
	v25 =	vld [tilespmem:$0x1FAA0]  }
0x185: {  	[tilespmem:v5+s11+$0x0] =	vst.idx.msk $0xffff, v6;
	v23 =	vld.idx.msk [tilespmem:v23+s2+$0x0], $0xffff  }
0x186: {  	[tilespmem:v24+s11+$0x0] =	vst.idx.msk $0xffff, v1;
	v39 =	vld.idx.msk [tilespmem:v39+s2+$0x0], $0xffff  }
0x187: {  	v10 =	vld [tilespmem:$0x1FAB0];
	[tilespmem:v16+s11+$0x0] =	vst.idx.msk $0xffff, v2;
	v5 =	vor.u32 v0, v40  }
0x188: {  	[tilespmem:$0x1FAF0] =	vst v5;
	v5 =	vld [tilespmem:$0x1FFA0]  }
0x189: {  	v12 =	vadd.s32 v7, v48;
	v3 =	vld.idx.msk [tilespmem:v28+s2+$0x0], $0xffff;
	[tilespmem:v36+s11+$0x0] =	vst.idx.msk $0xffff, v22  }
0x18a: {  	v21 =	vadd.s32 v7, v53;
	v24 =	vadd.s32 v7, v54;
	v35 =	vld.idx.msk [tilespmem:v35+s2+$0x0], $0xffff;
	[tilespmem:v20+s11+$0x0] =	vst.idx.msk $0xffff, v23  }
0x18b: {  	v36 =	vadd.s32 v7, v49;
	v13 =	vld.idx.msk [tilespmem:v13+s2+$0x0], $0xffff;
	[tilespmem:v34+s11+$0x0] =	vst.idx.msk $0xffff, v39;
	v20 =	vadd.s32 v7, v50  }
0x18c: {  	v23 =	vld.idx.msk [tilespmem:v31+s2+$0x0], $0xffff;
	v31 =	vor.u32 v0, v55;
	v34 =	vadd.s32 v7, v51;
	[tilespmem:v25+s11+$0x0] =	vst.idx.msk $0xffff, v56  }
0x18d: {  	v32 =	vld.idx.msk [tilespmem:v32+s2+$0x0], $0xffff;
	v56 =	vadd.s32 v7, v52;
	v25 =	vadd.s32 v7, v47;
	v7 =	vor.u32 v5, v44  }
0x18e: {  	v62 =	vor.u32 v0, v46;
	[tilespmem:$0x1FB00] =	vst v7;
	v7 =	vld [tilespmem:$0x1FAC0]  }
0x18f: {  	v63 =	vor.u32 v0, v42;
	v6 =	vor.u32 v0, v43;
	v26 =	vor.u32 v0, v44;
	v30 =	vld.idx.msk [tilespmem:v30+s2+$0x0], $0xffff  }
0x190: {  	v28 =	vor.u32 v0, v41;
	v22 =	vor.u32 v0, v45;
	v0 =	vld [tilespmem:$0x1FFB0];
	[tilespmem:v10+s11+$0x0] =	vst.idx.msk $0xffff, v3  }
0x191: {  	v3 =	vld.idx.msk [tilespmem:v17+s2+$0x0], $0xffff;
	[tilespmem:v31+s11+$0x0] =	vst.idx.msk $0xffff, v13  }
0x192: {  	v1 =	vld.idx.msk [tilespmem:v34+s2+$0x0], $0xffff;
	[tilespmem:v38+s11+$0x0] =	vst.idx.msk $0xffff, v32  }
0x193: {  	v18 =	vld.idx.msk [tilespmem:v18+s2+$0x0], $0xffff  }
0x194: {  	v39 =	vor.u32 v5, v46;
	v61 =	vor.u32 v5, v42;
	[tilespmem:v27+s11+$0x0] =	vst.idx.msk $0xffff, v30;
	v27 =	vld.idx.msk [tilespmem:v57+s2+$0x0], $0xffff  }
0x195: {  	v10 =	vor.u32 v5, v43;
	v30 =	vor.u32 v5, v41;
	v57 =	vor.u32 v5, v40;
	v34 =	vld.idx.msk [tilespmem:v58+s2+$0x0], $0xffff  }
0x196: {  	v58 =	vor.u32 v5, v55;
	[tilespmem:v7+s11+$0x0] =	vst.idx.msk $0xffff, v23;
	v23 =	vor.u32 v5, v45;
	v5 =	vld [tilespmem:$0x1FAD0]  }
0x197: {  	v2 =	vld [tilespmem:$0x1FFC0]  }
0x198: {  	[tilespmem:v63+s11+$0x0] =	vst.idx.msk $0xffff, v35;
	v38 =	vld [tilespmem:$0x1FAE0]  }
0x199: {  	v29 =	vld.idx.msk [tilespmem:v29+s2+$0x0], $0xffff;
	[tilespmem:v37+s11+$0x0] =	vst.idx.msk $0xffff, v3  }
0x19a: {  	v13 =	vadd.s32 v0, v48;
	[tilespmem:v62+s11+$0x0] =	vst.idx.msk $0xffff, v18  }
0x19b: {  	v31 =	vadd.s32 v0, v49;
	v17 =	vadd.s32 v0, v53;
	[tilespmem:v60+s11+$0x0] =	vst.idx.msk $0xffff, v27;
	v27 =	vld.idx.msk [tilespmem:v59+s2+$0x0], $0xffff  }
0x19c: {  	v3 =	vadd.s32 v0, v54;
	v32 =	vadd.s32 v0, v47;
	[tilespmem:v33+s11+$0x0] =	vst.idx.msk $0xffff, v34;
	v15 =	vld.idx.msk [tilespmem:v15+s2+$0x0], $0xffff  }
0x19d: {  	v7 =	vadd.s32 v0, v52;
	[tilespmem:v58+s11+$0x0] =	vst.idx.msk $0xffff, v1;
	v58 =	vor.u32 v2, v40;
	v14 =	vld.idx.msk [tilespmem:v14+s2+$0x0], $0xffff  }
0x19e: {  	[tilespmem:v5+s11+$0x0] =	vst.idx.msk $0xffff, v29;
	v29 =	vadd.s32 v0, v51;
	v5 =	vadd.s32 v0, v50;
	v0 =	vld [tilespmem:$0x1FFD0]  }
0x19f: {  	v36 =	vld.idx.msk [tilespmem:v36+s2+$0x0], $0xffff;
	[tilespmem:$0x1FB10] =	vst v58  }
0x1a0: {  	[tilespmem:v6+s11+$0x0] =	vst.idx.msk $0xffff, v27;
	v16 =	vld.idx.msk [tilespmem:v38+s2+$0x0], $0xffff  }
0x1a1: {  	v12 =	vld.idx.msk [tilespmem:v12+s2+$0x0], $0xffff;
	[tilespmem:v11+s11+$0x0] =	vst.idx.msk $0xffff, v15  }
0x1a2: {  	v9 =	vld.idx.msk [tilespmem:v9+s2+$0x0], $0xffff;
	v11 =	vor.u32 v2, v55;
	[tilespmem:v28+s11+$0x0] =	vst.idx.msk $0xffff, v14  }
0x1a3: {  	v21 =	vld.idx.msk [tilespmem:v21+s2+$0x0], $0xffff;
	v34 =	vadd.s32 v0, v48;
	v58 =	vadd.s32 v0, v51;
	v18 =	vadd.s32 v0, v50  }
0x1a4: {  	v29 =	vld.idx.msk [tilespmem:v29+s2+$0x0], $0xffff;
	v35 =	vadd.s32 v0, v53;
	v6 =	vadd.s32 v0, v54;
	v27 =	vadd.s32 v0, v47  }
0x1a5: {  	[tilespmem:v4+s11+$0x0] =	vst.idx.msk $0xffff, v16;
	v4 =	vadd.s32 v0, v49;
	v16 =	vadd.s32 v0, v52;
	v0 =	vld [tilespmem:$0x1FFE0]  }
0x1a6: {  	v1 =	vld [tilespmem:$0x1FFF0];
	[tilespmem:v39+s11+$0x0] =	vst.idx.msk $0xffff, v12  }
0x1a7: {  	[tilespmem:v26+s11+$0x0] =	vst.idx.msk $0xffff, v9;
	v13 =	vld.idx.msk [tilespmem:v13+s2+$0x0], $0xffff  }
0x1a8: {  	v20 =	vld.idx.msk [tilespmem:v20+s2+$0x0], $0xffff;
	[tilespmem:v30+s11+$0x0] =	vst.idx.msk $0xffff, v21  }
0x1a9: {  	v17 =	vld.idx.msk [tilespmem:v17+s2+$0x0], $0xffff  }
0x1aa: {  	v33 =	vor.u32 v2, v41;
	[tilespmem:v11+s11+$0x0] =	vst.idx.msk $0xffff, v29;
	v29 =	vld.idx.msk [tilespmem:v56+s2+$0x0], $0xffff;
	v26 =	vor.u32 v0, v44  }
0x1ab: {  	[tilespmem:$0x1FB20] =	vst v26;
	v26 =	vld.idx.msk [tilespmem:v58+s2+$0x0], $0xffff  }
0x1ac: {  	v28 =	vor.u32 v0, v55;
	v58 =	vld [tilespmem:$0x1FAF0]  }
0x1ad: {  	v37 =	vor.u32 v2, v46;
	[tilespmem:v61+s11+$0x0] =	vst.idx.msk $0xffff, v36;
	v19 =	vld.idx.msk [tilespmem:v19+s2+$0x0], $0xffff  }
0x1ae: {  	v59 =	vor.u32 v2, v43;
	v12 =	vadd.s32 v1, v49;
	v36 =	vadd.s32 v1, v50;
	v8 =	vld.idx.msk [tilespmem:v8+s2+$0x0], $0xffff  }
0x1af: {  	v39 =	vadd.s32 v1, v53;
	v38 =	vor.u32 v2, v42;
	[tilespmem:v33+s11+$0x0] =	vst.idx.msk $0xffff, v17;
	v33 =	vld [tilespmem:$0x1FB10]  }
0x1b0: {  	v62 =	vor.u32 v0, v46;
	v63 =	vor.u32 v0, v42;
	[tilespmem:v10+s11+$0x0] =	vst.idx.msk $0xffff, v29;
	v10 =	vld.idx.msk [tilespmem:v31+s2+$0x0], $0xffff  }
0x1b1: {  	v11 =	vor.u32 v0, v43;
	v9 =	vor.u32 v0, v41;
	[tilespmem:v28+s11+$0x0] =	vst.idx.msk $0xffff, v26;
	v26 =	vld [tilespmem:$0x1FB00]  }
0x1b2: {  	v14 =	vor.u32 v0, v40;
	v0 =	vor.u32 v0, v45;
	[tilespmem:v22+s11+$0x0] =	vst.idx.msk $0xffff, v19;
	v7 =	vld.idx.msk [tilespmem:v7+s2+$0x0], $0xffff  }
0x1b3: {  	v56 =	vadd.s32 v1, v48;
	[tilespmem:$0x1FB30] =	vst v0;
	v22 =	vadd.s32 v1, v52;
	v19 =	vadd.s32 v1, v47;
	v0 =	vld [tilespmem:$0x1FE90]  }
0x1b4: {  	[tilespmem:v58+s11+$0x0] =	vst.idx.msk $0xffff, v8;
	v8 =	vadd.s32 v1, v51;
	v58 =	vadd.s32 v1, v54;
	v1 =	vld [tilespmem:$0x1FE70]  }
0x1b5: {  	v60 =	vor.u32 v2, v44;
	v15 =	vor.u32 v2, v45;
	[tilespmem:v38+s11+$0x0] =	vst.idx.msk $0xffff, v10;
	v2 =	vld.idx.msk [tilespmem:v24+s2+$0x0], $0xffff  }
0x1b6: {  	v4 =	vld.idx.msk [tilespmem:v4+s2+$0x0], $0xffff  }
0x1b7: {  	v24 =	vld.idx.msk [tilespmem:v25+s2+$0x0], $0xffff;
	[tilespmem:v59+s11+$0x0] =	vst.idx.msk $0xffff, v7  }
0x1b8: {  	v16 =	vld.idx.msk [tilespmem:v16+s2+$0x0], $0xffff  }
0x1b9: {  	v8 =	vld.idx.msk [tilespmem:v8+s2+$0x0], $0xffff;
	[tilespmem:v26+s11+$0x0] =	vst.idx.msk $0xffff, v20  }
0x1ba: {  	v20 =	vor.u32 v0, v55;
	v5 =	vld.idx.msk [tilespmem:v5+s2+$0x0], $0xffff;
	[tilespmem:v57+s11+$0x0] =	vst.idx.msk $0xffff, v2  }
0x1bb: {  	[tilespmem:v63+s11+$0x0] =	vst.idx.msk $0xffff, v4;
	v63 =	vld [tilespmem:$0x1FE30]  }
0x1bc: {  	[tilespmem:v37+s11+$0x0] =	vst.idx.msk $0xffff, v13;
	v21 =	vadd.s32 v1, v51;
	v3 =	vld.idx.msk [tilespmem:v3+s2+$0x0], $0xffff  }
0x1bd: {  	[tilespmem:v11+s11+$0x0] =	vst.idx.msk $0xffff, v16;
	v11 =	vld.idx.msk [tilespmem:v12+s2+$0x0], $0xffff  }
0x1be: {  	[tilespmem:v23+s11+$0x0] =	vst.idx.msk $0xffff, v24;
	v22 =	vld.idx.msk [tilespmem:v22+s2+$0x0], $0xffff  }
0x1bf: {  	v28 =	vor.u32 v0, v46;
	v61 =	vor.u32 v0, v42;
	[tilespmem:v20+s11+$0x0] =	vst.idx.msk $0xffff, v8;
	v8 =	vld.idx.msk [tilespmem:v32+s2+$0x0], $0xffff  }
0x1c0: {  	v29 =	vor.u32 v0, v43;
	v31 =	vadd.s32 v1, v48;
	v13 =	vadd.s32 v1, v49;
	v32 =	vld.idx.msk [tilespmem:v34+s2+$0x0], $0xffff  }
0x1c1: {  	v37 =	vadd.s32 v1, v50;
	v10 =	vadd.s32 v1, v54;
	v24 =	vadd.s32 v1, v52;
	v20 =	vld.idx.msk [tilespmem:v21+s2+$0x0], $0xffff  }
0x1c2: {  	v57 =	vadd.s32 v1, v53;
	v21 =	vadd.s32 v1, v47;
	v1 =	vld [tilespmem:$0x1FEA0];
	[tilespmem:v60+s11+$0x0] =	vst.idx.msk $0xffff, v5  }
0x1c3: {  	v30 =	vor.u32 v0, v41;
	v25 =	vor.u32 v0, v40;
	v60 =	vld [tilespmem:$0x1FE40];
	[tilespmem:v33+s11+$0x0] =	vst.idx.msk $0xffff, v3  }
0x1c4: {  	v26 =	vor.u32 v0, v44;
	v23 =	vor.u32 v0, v45;
	v0 =	vld.idx.msk [tilespmem:v18+s2+$0x0], $0xffff;
	[tilespmem:v61+s11+$0x0] =	vst.idx.msk $0xffff, v11  }
0x1c5: {  	v33 =	vld.idx.msk [tilespmem:v35+s2+$0x0], $0xffff;
	[tilespmem:v15+s11+$0x0] =	vst.idx.msk $0xffff, v8  }
0x1c6: {  	v61 =	vld [tilespmem:$0x1FE00];
	[tilespmem:v62+s11+$0x0] =	vst.idx.msk $0xffff, v32  }
0x1c7: {  	v6 =	vld.idx.msk [tilespmem:v6+s2+$0x0], $0xffff;
	v34 =	vor.u32 v1, v46;
	v7 =	vor.u32 v1, v55;
	v38 =	vor.u32 v1, v42  }
0x1c8: {  	v11 =	vld.idx.msk [tilespmem:v13+s2+$0x0], $0xffff;
	v2 =	vadd.s32 v60, v51;
	v51 =	vor.u32 v1, v43;
	v59 =	vor.u32 v1, v44  }
0x1c9: {  	v17 =	vor.u32 v1, v41;
	v3 =	vor.u32 v1, v40;
	v8 =	vor.u32 v1, v45;
	v1 =	vld [tilespmem:$0x1FE50]  }
0x1ca: {  	v35 =	vadd.s32 v60, v52;
	v52 =	vld.idx.msk [tilespmem:v56+s2+$0x0], $0xffff  }
0x1cb: {  	v56 =	vld [tilespmem:$0x1FB20]  }
0x1cc: {  	v62 =	vld [tilespmem:$0x1FE20]  }
0x1cd: {  	[tilespmem:v29+s11+$0x0] =	vst.idx.msk $0xffff, v22;
	v27 =	vld.idx.msk [tilespmem:v27+s2+$0x0], $0xffff  }
0x1ce: {  	[tilespmem:v14+s11+$0x0] =	vst.idx.msk $0xffff, v6;
	v32 =	vor.u32 v1, v55;
	v55 =	vld [tilespmem:$0x1FB30]  }
0x1cf: {  	v15 =	vadd.s32 v60, v49;
	v4 =	vadd.s32 v60, v54;
	[tilespmem:v9+s11+$0x0] =	vst.idx.msk $0xffff, v33;
	v54 =	vld.idx.msk [tilespmem:v58+s2+$0x0], $0xffff  }
0x1d0: {  	[tilespmem:v7+s11+$0x0] =	vst.idx.msk $0xffff, v20;
	v20 =	vadd.s32 v60, v53;
	v53 =	vld.idx.msk [tilespmem:v39+s2+$0x0], $0xffff  }
0x1d1: {  	[tilespmem:v28+s11+$0x0] =	vst.idx.msk $0xffff, v52;
	v2 =	vld.idx.msk [tilespmem:v2+s2+$0x0], $0xffff  }
0x1d2: {  	[tilespmem:v38+s11+$0x0] =	vst.idx.msk $0xffff, v11;
	v12 =	vld.idx.msk [tilespmem:v31+s2+$0x0], $0xffff  }
0x1d3: {  	[tilespmem:v56+s11+$0x0] =	vst.idx.msk $0xffff, v0;
	v0 =	vld.idx.msk [tilespmem:v24+s2+$0x0], $0xffff  }
0x1d4: {  	[tilespmem:v25+s11+$0x0] =	vst.idx.msk $0xffff, v54;
	v54 =	vld.idx.msk [tilespmem:v15+s2+$0x0], $0xffff  }
0x1d5: {  	v7 =	vadd.s32 v60, v50;
	v50 =	vor.u32 v1, v46;
	v46 =	vor.u32 v1, v42;
	v15 =	vld [tilespmem:$0x1FD90]  }
0x1d6: {  	v42 =	vor.u32 v1, v44;
	v44 =	vor.u32 v1, v41;
	v41 =	vld.idx.msk [tilespmem:v36+s2+$0x0], $0xffff;
	[tilespmem:v55+s11+$0x0] =	vst.idx.msk $0xffff, v27  }
0x1d7: {  	v56 =	vld.idx.msk [tilespmem:v19+s2+$0x0], $0xffff  }
0x1d8: {  	[tilespmem:v30+s11+$0x0] =	vst.idx.msk $0xffff, v53;
	v30 =	vld [tilespmem:$0x1FDA0]  }
0x1d9: {  	v18 =	vadd.s32 v60, v48;
	[tilespmem:v32+s11+$0x0] =	vst.idx.msk $0xffff, v2;
	v32 =	vld [tilespmem:$0x1FDB0]  }
0x1da: {  	v5 =	vld.idx.msk [tilespmem:v57+s2+$0x0], $0xffff  }
0x1db: {  	v57 =	vld.idx.msk [tilespmem:v10+s2+$0x0], $0xffff;
	[tilespmem:v26+s11+$0x0] =	vst.idx.msk $0xffff, v41  }
0x1dc: {  	s14 =	sadd.s32 $0x8, s14;
	v9 =	vld.idx.msk [tilespmem:v37+s2+$0x0], $0xffff;
	[tilespmem:v23+s11+$0x0] =	vst.idx.msk $0xffff, v56  }
0x1dd: {  	p1 =	slt.u32 s14, $0xA0;
	[tilespmem:v34+s11+$0x0] =	vst.idx.msk $0xffff, v12;
	v58 =	vld.idx.msk [tilespmem:v21+s2+$0x0], $0xffff  }
.Ltmp3:
0x1de: {  	v55 =	vld.idx.msk [tilespmem:v18+s2+$0x0], $0xffff;
	[tilespmem:v51+s11+$0x0] =	vst.idx.msk $0xffff, v0;
	(pc) =	sbr.rel @p1 .LBB2_8-.Ltmp3, $4  }
0x1df: {  	v52 =	vld.idx.msk [tilespmem:v35+s2+$0x0], $0xffff;
	[tilespmem:v17+s11+$0x0] =	vst.idx.msk $0xffff, v5  }
0x1e0: {  	v49 =	vor.u32 v1, v40;
	[tilespmem:v3+s11+$0x0] =	vst.idx.msk $0xffff, v57;
	v40 =	vld.idx.msk [tilespmem:v20+s2+$0x0], $0xffff  }
0x1e1: {  	v48 =	vor.u32 v1, v45;
	v45 =	vld.idx.msk [tilespmem:v4+s2+$0x0], $0xffff;
	[tilespmem:v59+s11+$0x0] =	vst.idx.msk $0xffff, v9  }
0x1e2: {  	s15 =	sadd.s32 $0x80, s15;
	v47 =	vadd.s32 v60, v47;
	v43 =	vor.u32 v1, v43;
	v19 =	vlaneseq.u32;
	v53 =	vld.idx.msk [tilespmem:v7+s2+$0x0], $0xffff;
	[tilespmem:v8+s11+$0x0] =	vst.idx.msk $0xffff, v58  }
0x1e3: {  	_ =	sdelay $0x3  }
0x1e4: {  	[tilespmem:v50+s11+$0x0] =	vst.idx.msk $0xffff, v55  }
0x1e5: {  	v0 =	vld.idx.msk [tilespmem:v47+s2+$0x0], $0xffff;
	[tilespmem:v46+s11+$0x0] =	vst.idx.msk $0xffff, v54  }
0x1e6: {  	[tilespmem:v43+s11+$0x0] =	vst.idx.msk $0xffff, v52  }
0x1e7: {  	[tilespmem:v44+s11+$0x0] =	vst.idx.msk $0xffff, v40  }
0x1e8: {  	[tilespmem:v49+s11+$0x0] =	vst.idx.msk $0xffff, v45  }
0x1e9: {  	[tilespmem:v42+s11+$0x0] =	vst.idx.msk $0xffff, v53  }
0x1ea: {  	[tilespmem:v48+s11+$0x0] =	vst.idx.msk $0xffff, v0  }
0x1eb: {  	v5 =	vld [tilespmem:$0x1FE80]  }
0x1ec: {  	v16 =	vld [tilespmem:$0x1FEB0]  }
0x1ed: {  	v17 =	vld [tilespmem:$0x1FEC0]  }
0x1ee: {  	v18 =	vld [tilespmem:$0x1FED0]  }
0x1ef: {  	v20 =	vld [tilespmem:$0x1FEE0]  }
0x1f0: {  	v21 =	vld [tilespmem:$0x1FEF0]  }
0x1f1: {  	v22 =	vld [tilespmem:$0x1FF00]  }
0x1f2: {  	v23 =	vld [tilespmem:$0x1FF10]  }
0x1f3: {  	v24 =	vld [tilespmem:$0x1FF20]  }
0x1f4: {  	v25 =	vld [tilespmem:$0x1FF30]  }
0x1f5: {  	v26 =	vld [tilespmem:$0x1FF40]  }
0x1f6: {  	v27 =	vld [tilespmem:$0x1FF50]  }
0x1f7: {  	v28 =	vld [tilespmem:$0x1FF60]  }
0x1f8: {  	v29 =	vld [tilespmem:$0x1FF70]  }
0x1f9: {  	v31 =	vld [tilespmem:$0x1FF80]  }
0x1fa: {  	v37 =	vld [tilespmem:$0x1FF90]  }
0x1fb: {  	v33 =	vld [tilespmem:$0x1FFA0]  }
0x1fc: {  	v38 =	vld [tilespmem:$0x1FFB0]  }
0x1fd: {  	v34 =	vld [tilespmem:$0x1FFC0]  }
0x1fe: {  	v35 =	vld [tilespmem:$0x1FFD0]  }
0x1ff: {  	v36 =	vld [tilespmem:$0x1FFE0]  }
0x200: {  	v39 =	vld [tilespmem:$0x1FFF0]  }
0x201: {  	v10 =	vld [tilespmem:$0x1FE90]  }
0x202: {  	v9 =	vld [tilespmem:$0x1FE60]  }
0x203: {  	v6 =	vld [tilespmem:$0x1FE70]  }
0x204: {  	v11 =	vld [tilespmem:$0x1FEA0]  }
0x205: {  	v59 =	vld [tilespmem:$0x1FE50]  }
.LBB2_10:
0x206: {  	v0 =	vor.u32 s13, v19  }
0x207: {  	v1 =	vand.u32 v9, v0;
	_ =	sdelay $0x4  }
0x208: {  	v1 =	vld.idx.msk [tilespmem:v1+s10+$0x0], $0xffff;
	_ =	sdelay $0x4  }
0x209: {  	v2 =	vadd.s32 v30, v1;
	_ =	sdelay $0x3  }
0x20a: {  	v0 =	vshll.u32 v0, $0x4  }
0x20b: {  	v3 =	vor.u32 v19, v0;
	v2 =	vld.idx.msk [tilespmem:v2+s2+$0x0], $0xffff  }
0x20c: {  	v4 =	vadd.s32 v32, v1;
	_ =	sdelay $0x3  }
0x20d: {  	[tilespmem:v3+s11+$0x0] =	vst.idx.msk $0xffff, v2  }
0x20e: {  	v3 =	vor.u32 v62, v0;
	v2 =	vld.idx.msk [tilespmem:v4+s2+$0x0], $0xffff  }
0x20f: {  	v4 =	vadd.s32 v63, v1;
	_ =	sdelay $0x3  }
0x210: {  	[tilespmem:v3+s11+$0x0] =	vst.idx.msk $0xffff, v2  }
0x211: {  	v3 =	vor.u32 v5, v0;
	v2 =	vld.idx.msk [tilespmem:v4+s2+$0x0], $0xffff  }
0x212: {  	v4 =	vadd.s32 v16, v1;
	_ =	sdelay $0x3  }
0x213: {  	[tilespmem:v3+s11+$0x0] =	vst.idx.msk $0xffff, v2  }
0x214: {  	v3 =	vor.u32 v17, v0;
	v2 =	vld.idx.msk [tilespmem:v4+s2+$0x0], $0xffff  }
0x215: {  	v4 =	vadd.s32 v18, v1;
	_ =	sdelay $0x3  }
0x216: {  	[tilespmem:v3+s11+$0x0] =	vst.idx.msk $0xffff, v2  }
0x217: {  	v3 =	vor.u32 v20, v0;
	v2 =	vld.idx.msk [tilespmem:v4+s2+$0x0], $0xffff  }
0x218: {  	v4 =	vadd.s32 v21, v1;
	_ =	sdelay $0x3  }
0x219: {  	[tilespmem:v3+s11+$0x0] =	vst.idx.msk $0xffff, v2  }
0x21a: {  	v3 =	vor.u32 v22, v0;
	v2 =	vld.idx.msk [tilespmem:v4+s2+$0x0], $0xffff  }
0x21b: {  	v4 =	vadd.s32 v23, v1;
	_ =	sdelay $0x3  }
0x21c: {  	[tilespmem:v3+s11+$0x0] =	vst.idx.msk $0xffff, v2  }
0x21d: {  	v3 =	vor.u32 v24, v0;
	v2 =	vld.idx.msk [tilespmem:v4+s2+$0x0], $0xffff  }
0x21e: {  	v4 =	vadd.s32 v26, v1;
	_ =	sdelay $0x3  }
0x21f: {  	[tilespmem:v3+s11+$0x0] =	vst.idx.msk $0xffff, v2  }
0x220: {  	v3 =	vor.u32 v27, v0;
	v2 =	vld.idx.msk [tilespmem:v4+s2+$0x0], $0xffff  }
0x221: {  	v4 =	vadd.s32 v28, v1;
	_ =	sdelay $0x3  }
0x222: {  	[tilespmem:v3+s11+$0x0] =	vst.idx.msk $0xffff, v2  }
0x223: {  	v3 =	vor.u32 v25, v0;
	v2 =	vld.idx.msk [tilespmem:v4+s2+$0x0], $0xffff  }
0x224: {  	v4 =	vadd.s32 v29, v1;
	_ =	sdelay $0x3  }
0x225: {  	[tilespmem:v3+s11+$0x0] =	vst.idx.msk $0xffff, v2  }
0x226: {  	v3 =	vor.u32 v31, v0;
	v2 =	vld.idx.msk [tilespmem:v4+s2+$0x0], $0xffff  }
0x227: {  	v4 =	vadd.s32 v37, v1;
	_ =	sdelay $0x3  }
0x228: {  	[tilespmem:v3+s11+$0x0] =	vst.idx.msk $0xffff, v2  }
0x229: {  	v3 =	vor.u32 v33, v0;
	v2 =	vld.idx.msk [tilespmem:v4+s2+$0x0], $0xffff  }
0x22a: {  	v4 =	vadd.s32 v38, v1;
	_ =	sdelay $0x3  }
0x22b: {  	[tilespmem:v3+s11+$0x0] =	vst.idx.msk $0xffff, v2  }
0x22c: {  	v3 =	vor.u32 v34, v0;
	v2 =	vld.idx.msk [tilespmem:v4+s2+$0x0], $0xffff  }
0x22d: {  	v4 =	vadd.s32 v35, v1;
	_ =	sdelay $0x3  }
0x22e: {  	[tilespmem:v3+s11+$0x0] =	vst.idx.msk $0xffff, v2  }
0x22f: {  	v3 =	vor.u32 v36, v0;
	v2 =	vld.idx.msk [tilespmem:v4+s2+$0x0], $0xffff  }
0x230: {  	v4 =	vadd.s32 v39, v1;
	_ =	sdelay $0x3  }
0x231: {  	[tilespmem:v3+s11+$0x0] =	vst.idx.msk $0xffff, v2  }
0x232: {  	v3 =	vor.u32 v10, v0;
	v2 =	vld.idx.msk [tilespmem:v4+s2+$0x0], $0xffff  }
0x233: {  	v4 =	vadd.s32 v6, v1;
	_ =	sdelay $0x3  }
0x234: {  	[tilespmem:v3+s11+$0x0] =	vst.idx.msk $0xffff, v2  }
0x235: {  	v3 =	vor.u32 v11, v0;
	v2 =	vld.idx.msk [tilespmem:v4+s2+$0x0], $0xffff  }
0x236: {  	v1 =	vadd.s32 v60, v1;
	_ =	sdelay $0x3  }
0x237: {  	[tilespmem:v3+s11+$0x0] =	vst.idx.msk $0xffff, v2  }
0x238: {  	p1 =	sne.s32 s13, $0xAD0;
	v0 =	vor.u32 v59, v0;
	v1 =	vld.idx.msk [tilespmem:v1+s2+$0x0], $0xffff  }
.Ltmp4:
0x239: {  	_ = 	snop;
	(pc) =	sbr.rel @p1 .LBB2_10-.Ltmp4, $2  }
0x23a: {  	_ =	sdelay $0x2  }
0x23b: {  	s13 =	sadd.s32 $0x10, s13;
	[tilespmem:v0+s11+$0x0] =	vst.idx.msk $0xffff, v1  }
0x23c: {  	[hbm4b:s7+s2] =	stream.linear.scatter [tilespmem:s11], [sflag:$0x1], $0xAE00, $0x38;
	[tilespmem:$0xD840] =	vst v63  }
0x23d: {  	_ =	swait.ge [sflag:s9], $0xAE00  }
.Ltmp5:
0x23e: {  	v8 =	vld [tilespmem:$0x1FDC0];
	(pc) =	sbr.rel .LBB2_12-.Ltmp5, $4  }
0x23f: {  	v12 =	vld [tilespmem:$0x1FDD0]  }
0x240: {  	v13 =	vld [tilespmem:$0x1FDE0]  }
0x241: {  	[sflag:s9] =	ssyncset.done $0x0;
	v14 =	vld [tilespmem:$0x1FDF0]  }
0x242: {  	v7 =	vld [tilespmem:$0x1FE10];
	[sflag:s9] =	ssyncadd.s32 $0xFFFF5200  }
.LBB2_2:
0x243: {  	s13 =	simm.s32 $0x70  }
0x244: {  	v41 =	vor.u32 s13, v19  }
0x245: {  	v40 =	vand.u32 v9, v41  }
0x246: {  	[tilespmem:s10], [sflag:$0x1] =	stream.linear.gather [hbm4b:s4+s2], $0xC40, $0x38;
	[tilespmem:$0xD840] =	vst v63  }
0x247: {  	_ =	swait.ge [sflag:s9], $0xC40  }
0x248: {  	[sflag:s9] =	ssyncset.done $0x0  }
0x249: {  	s26 =	simm.s32 $0x10;
	[sflag:s9] =	ssyncadd.s32 $0xFFFFF3C0  }
0x24a: {  	v48 =	vor.u32 s26, v19;
	v0 =	vld.idx.msk [tilespmem:v40+s10+$0x0], $0xffff  }
0x24b: {  	v46 =	vand.u32 v8, v48;
	_ =	sdelay $0x1  }
0x24c: {  	s14 =	simm.s32 $0x60  }
0x24d: {  	s25 =	simm.s32 $0x0;
	v44 =	vor.u32 s14, v19  }
0x24e: {  	s28 =	simm.s32 $0x20;
	v43 =	vor.u32 s25, v19;
	v42 =	vand.u32 v7, v44;
	[tilespmem:$0x1FD60] =	vst v0  }
0x24f: {  	v49 =	vor.u32 s28, v19;
	v45 =	vand.u32 v15, v43;
	v1 =	vld.idx.msk [tilespmem:v46+s10+$0x0], $0xffff  }
0x250: {  	v47 =	vand.u32 v12, v49;
	_ =	sdelay $0x2  }
0x251: {  	v42 =	vld.idx.msk [tilespmem:v42+s10+$0x0], $0xffff  }
0x252: {  	s29 =	simm.s32 $0x30;
	v53 =	vld.idx.msk [tilespmem:v45+s10+$0x0], $0xffff;
	[tilespmem:$0x1FCA0] =	vst v1  }
0x253: {  	s30 =	simm.s32 $0x40;
	v51 =	vor.u32 s29, v19;
	v2 =	vld.idx.msk [tilespmem:v47+s10+$0x0], $0xffff  }
0x254: {  	v56 =	vor.u32 s30, v19;
	v55 =	vand.u32 v13, v51  }
0x255: {  	s31 =	simm.s32 $0x50;
	v57 =	vand.u32 v14, v56  }
0x256: {  	v58 =	vor.u32 s31, v19  }
0x257: {  	v59 =	vand.u32 v61, v58  }
0x258: {  	[tilespmem:$0x1FCC0] =	vst v2  }
0x259: {  	v4 =	vld.idx.msk [tilespmem:v55+s10+$0x0], $0xffff  }
0x25a: {  	v3 =	vshll.u32 v43, $0x4;
	v50 =	vadd.s32 v30, v0;
	v40 =	vld.idx.msk [tilespmem:v57+s10+$0x0], $0xffff;
	[tilespmem:$0x1FCE0] =	vst v42  }
0x25b: {  	v57 =	vadd.s32 v30, v42;
	[tilespmem:$0x1FD70] =	vst v3  }
0x25c: {  	v60 =	vadd.s32 v30, v53;
	v43 =	vld.idx.msk [tilespmem:v59+s10+$0x0], $0xffff  }
0x25d: {  	v54 =	vshll.u32 v41, $0x4  }
0x25e: {  	v59 =	vadd.s32 v30, v1;
	[tilespmem:$0x1FD50] =	vst v54  }
0x25f: {  	v61 =	vadd.s32 v30, v2;
	v2 =	vmov v63;
	v63 =	vld.idx.msk [tilespmem:v50+s2+$0x0], $0xffff  }
0x260: {  	v41 =	vor.u32 v19, v3;
	v0 =	vmovc v62;
	v47 =	vmov v42;
	v42 =	vshll.u32 v48, $0x4;
	v57 =	vld.idx.msk [tilespmem:v57+s2+$0x0], $0xffff;
	[tilespmem:$0x1FCD0] =	vst v40  }
0x261: {  	v62 =	vor.u32 v19, v54;
	v54 =	vshll.u32 v44, $0x4;
	v60 =	vld.idx.msk [tilespmem:v60+s2+$0x0], $0xffff;
	[tilespmem:$0x1FD80] =	vst v42;
	v3 =	vadd.s32 v30, v43  }
0x262: {  	v45 =	vadd.s32 v30, v4;
	v48 =	vmovc v4;
	v4 =	vshll.u32 v49, $0x4;
	v49 =	vor.u32 v19, v54;
	[tilespmem:$0x1FC20] =	vst v3  }
0x263: {  	v46 =	vadd.s32 v30, v40;
	v44 =	vmov v40;
	v59 =	vld.idx.msk [tilespmem:v59+s2+$0x0], $0xffff;
	[tilespmem:$0x1FD30] =	vst v4  }
0x264: {  	v1 =	vmovc v43;
	v43 =	vor.u32 v19, v4;
	v40 =	vmov v4;
	[tilespmem:$0x1FCF0] =	vst v53;
	v4 =	vadd.s32 v32, v53  }
0x265: {  	[tilespmem:$0x1FC30] =	vst v4  }
0x266: {  	v61 =	vld.idx.msk [tilespmem:v61+s2+$0x0], $0xffff;
	[tilespmem:v62+s11+$0x0] =	vst.idx.msk $0xffff, v63  }
0x267: {  	v56 =	vshll.u32 v56, $0x4;
	v52 =	vadd.s32 v32, v47;
	v55 =	vor.u32 v19, v42;
	v4 =	vld [tilespmem:$0x1FCA0];
	[tilespmem:v49+s11+$0x0] =	vst.idx.msk $0xffff, v57  }
0x268: {  	v45 =	vld.idx.msk [tilespmem:v45+s2+$0x0], $0xffff;
	[tilespmem:$0x1FC90] =	vst v56  }
0x269: {  	v50 =	vld [tilespmem:$0x1FCC0];
	[tilespmem:v41+s11+$0x0] =	vst.idx.msk $0xffff, v60  }
0x26a: {  	v47 =	vadd.s32 v32, v48;
	v46 =	vld.idx.msk [tilespmem:v46+s2+$0x0], $0xffff;
	[tilespmem:$0x1FD00] =	vst v48  }
0x26b: {  	[tilespmem:$0x1FC40] =	vst v47  }
0x26c: {  	v47 =	vld.idx.msk [tilespmem:v52+s2+$0x0], $0xffff;
	[tilespmem:v55+s11+$0x0] =	vst.idx.msk $0xffff, v59;
	v52 =	vadd.s32 v32, v44  }
0x26d: {  	[tilespmem:$0x1FC50] =	vst v52;
	v55 =	vld [tilespmem:$0x1FC20]  }
0x26e: {  	[tilespmem:v43+s11+$0x0] =	vst.idx.msk $0xffff, v61  }
0x26f: {  	v52 =	vld [tilespmem:$0x1FD70]  }
0x270: {  	v51 =	vshll.u32 v51, $0x4  }
0x271: {  	v62 =	vor.u32 v19, v51  }
0x272: {  	v49 =	vor.u32 v19, v56  }
0x273: {  	v60 =	vor.u32 v0, v54  }
0x274: {  	v3 =	vld [tilespmem:$0x1FC30];
	v61 =	vor.u32 v0, v52  }
0x275: {  	v44 =	vld.idx.msk [tilespmem:v55+s2+$0x0], $0xffff;
	[tilespmem:$0x1FC60] =	vst v61  }
0x276: {  	v55 =	vld [tilespmem:$0x1FCE0];
	[tilespmem:v62+s11+$0x0] =	vst.idx.msk $0xffff, v45  }
0x277: {  	[tilespmem:v49+s11+$0x0] =	vst.idx.msk $0xffff, v46  }
0x278: {  	v41 =	vmov v1;
	v62 =	vadd.s32 v32, v1;
	v1 =	vld [tilespmem:$0x1FD60];
	[tilespmem:v60+s11+$0x0] =	vst.idx.msk $0xffff, v47  }
0x279: {  	v63 =	vadd.s32 v32, v4;
	v60 =	vadd.s32 v2, v53;
	v53 =	vld [tilespmem:$0x1FC40]  }
0x27a: {  	v57 =	vadd.s32 v32, v50  }
0x27b: {  	v58 =	vshll.u32 v58, $0x4  }
0x27c: {  	v59 =	vor.u32 v19, v58;
	_ =	sdelay $0x1  }
0x27d: {  	v63 =	vld.idx.msk [tilespmem:v63+s2+$0x0], $0xffff  }
0x27e: {  	v57 =	vld.idx.msk [tilespmem:v57+s2+$0x0], $0xffff  }
0x27f: {  	v46 =	vor.u32 v0, v40;
	v43 =	vld.idx.msk [tilespmem:v3+s2+$0x0], $0xffff;
	[tilespmem:$0x1FD40] =	vst v51  }
0x280: {  	v40 =	vor.u32 v0, v51;
	v3 =	vmov v51;
	[tilespmem:v59+s11+$0x0] =	vst.idx.msk $0xffff, v44;
	v51 =	vld.idx.msk [tilespmem:v53+s2+$0x0], $0xffff  }
0x281: {  	v44 =	vor.u32 v0, v56;
	v56 =	vmov v4;
	v53 =	vadd.s32 v2, v4;
	v4 =	vld [tilespmem:$0x1FC50];
	_ =	sdelay $0x7  }
0x282: {  	v59 =	vld.idx.msk [tilespmem:v4+s2+$0x0], $0xffff  }
0x283: {  	v4 =	vld [tilespmem:$0x1FC60]  }
0x284: {  	v45 =	vor.u32 v0, v42;
	_ =	sdelay $0x4  }
0x285: {  	[tilespmem:v45+s11+$0x0] =	vst.idx.msk $0xffff, v63  }
0x286: {  	[tilespmem:v46+s11+$0x0] =	vst.idx.msk $0xffff, v57  }
0x287: {  	[tilespmem:v4+s11+$0x0] =	vst.idx.msk $0xffff, v43  }
0x288: {  	v61 =	vadd.s32 v2, v55;
	v47 =	vld [tilespmem:$0x1FD50];
	[tilespmem:v40+s11+$0x0] =	vst.idx.msk $0xffff, v51  }
0x289: {  	v4 =	vld [tilespmem:$0x1FCD0]  }
0x28a: {  	v49 =	vadd.s32 v32, v1;
	_ =	sdelay $0x2  }
0x28b: {  	v42 =	vadd.s32 v2, v50;
	v43 =	vmov v50;
	v50 =	vld.idx.msk [tilespmem:v61+s2+$0x0], $0xffff;
	v61 =	vor.u32 v5, v54  }
0x28c: {  	v62 =	vld.idx.msk [tilespmem:v62+s2+$0x0], $0xffff;
	v45 =	vor.u32 v0, v58;
	v40 =	vadd.s32 v2, v4  }
0x28d: {  	v49 =	vld.idx.msk [tilespmem:v49+s2+$0x0], $0xffff;
	v46 =	vor.u32 v0, v47;
	[tilespmem:$0x1FC70] =	vst v40  }
0x28e: {  	v51 =	vor.u32 v5, v52;
	v60 =	vld.idx.msk [tilespmem:v60+s2+$0x0], $0xffff;
	[tilespmem:v44+s11+$0x0] =	vst.idx.msk $0xffff, v59  }
0x28f: {  	[tilespmem:$0x1FD20] =	vst v41  }
0x290: {  	v0 =	vld [tilespmem:$0x1FD80];
	[tilespmem:v61+s11+$0x0] =	vst.idx.msk $0xffff, v50  }
0x291: {  	v50 =	vld [tilespmem:$0x1FD30];
	[tilespmem:v45+s11+$0x0] =	vst.idx.msk $0xffff, v62  }
0x292: {  	v52 =	vld [tilespmem:$0x1FCF0];
	[tilespmem:v46+s11+$0x0] =	vst.idx.msk $0xffff, v49  }
0x293: {  	[tilespmem:v51+s11+$0x0] =	vst.idx.msk $0xffff, v60  }
0x294: {  	v51 =	vld [tilespmem:$0x1FC70]  }
0x295: {  	v63 =	vadd.s32 v2, v48  }
0x296: {  	v57 =	vadd.s32 v16, v55;
	v44 =	vld.idx.msk [tilespmem:v53+s2+$0x0], $0xffff  }
0x297: {  	v59 =	vadd.s32 v2, v41;
	v53 =	vadd.s32 v2, v1;
	v2 =	vmovc v56;
	v46 =	vadd.s32 v16, v56;
	v56 =	vld [tilespmem:$0x1FC90]  }
0x298: {  	v48 =	vor.u32 v5, v0  }
0x299: {  	v42 =	vld.idx.msk [tilespmem:v42+s2+$0x0], $0xffff;
	v61 =	vor.u32 v5, v50  }
0x29a: {  	v43 =	vadd.s32 v16, v43;
	v63 =	vld.idx.msk [tilespmem:v63+s2+$0x0], $0xffff;
	v45 =	vor.u32 v5, v3  }
0x29b: {  	v49 =	vld.idx.msk [tilespmem:v57+s2+$0x0], $0xffff;
	v57 =	vor.u32 v17, v54;
	[tilespmem:$0x1FC80] =	vst v43  }
0x29c: {  	v60 =	vor.u32 v5, v56;
	v51 =	vld.idx.msk [tilespmem:v51+s2+$0x0], $0xffff  }
0x29d: {  	[tilespmem:v48+s11+$0x0] =	vst.idx.msk $0xffff, v44;
	v48 =	vor.u32 v5, v58;
	v44 =	vld.idx.msk [tilespmem:v59+s2+$0x0], $0xffff  }
0x29e: {  	v43 =	vld.idx.msk [tilespmem:v53+s2+$0x0], $0xffff;
	[tilespmem:v61+s11+$0x0] =	vst.idx.msk $0xffff, v42;
	v42 =	vor.u32 v5, v47  }
0x29f: {  	v3 =	vld [tilespmem:$0x1FD00];
	[tilespmem:v45+s11+$0x0] =	vst.idx.msk $0xffff, v63  }
0x2a0: {  	v40 =	vmov v41;
	v41 =	vmov v47;
	v47 =	vld [tilespmem:$0x1FD70];
	[tilespmem:v57+s11+$0x0] =	vst.idx.msk $0xffff, v49  }
0x2a1: {  	[tilespmem:v60+s11+$0x0] =	vst.idx.msk $0xffff, v51  }
0x2a2: {  	v62 =	vadd.s32 v16, v52;
	v60 =	vld [tilespmem:$0x1FC80];
	[tilespmem:v48+s11+$0x0] =	vst.idx.msk $0xffff, v44  }
0x2a3: {  	v59 =	vadd.s32 v18, v55;
	[tilespmem:v42+s11+$0x0] =	vst.idx.msk $0xffff, v43  }
0x2a4: {  	v53 =	vmov v4;
	v45 =	vadd.s32 v16, v4;
	v61 =	vadd.s32 v16, v3;
	v4 =	vld [tilespmem:$0x1FD40];
	_ =	sdelay $0x1  }
0x2a5: {  	v46 =	vld.idx.msk [tilespmem:v46+s2+$0x0], $0xffff;
	v57 =	vor.u32 v17, v0  }
0x2a6: {  	v62 =	vld.idx.msk [tilespmem:v62+s2+$0x0], $0xffff;
	v49 =	vadd.s32 v16, v40;
	v63 =	vor.u32 v17, v47  }
0x2a7: {  	v44 =	vld.idx.msk [tilespmem:v59+s2+$0x0], $0xffff;
	v59 =	vor.u32 v20, v54  }
0x2a8: {  	v0 =	vadd.s32 v16, v1;
	v61 =	vld.idx.msk [tilespmem:v61+s2+$0x0], $0xffff;
	v42 =	vor.u32 v17, v4  }
0x2a9: {  	v1 =	vadd.s32 v18, v52;
	v51 =	vor.u32 v17, v50;
	v60 =	vld.idx.msk [tilespmem:v60+s2+$0x0], $0xffff  }
0x2aa: {  	v45 =	vld.idx.msk [tilespmem:v45+s2+$0x0], $0xffff;
	[tilespmem:v57+s11+$0x0] =	vst.idx.msk $0xffff, v46  }
0x2ab: {  	v49 =	vld.idx.msk [tilespmem:v49+s2+$0x0], $0xffff;
	[tilespmem:v63+s11+$0x0] =	vst.idx.msk $0xffff, v62;
	v62 =	vor.u32 v17, v56  }
0x2ac: {  	v46 =	vor.u32 v17, v58;
	v50 =	vld [tilespmem:$0x1FCC0];
	[tilespmem:v59+s11+$0x0] =	vst.idx.msk $0xffff, v44  }
0x2ad: {  	v40 =	vld.idx.msk [tilespmem:v0+s2+$0x0], $0xffff;
	[tilespmem:v42+s11+$0x0] =	vst.idx.msk $0xffff, v61  }
0x2ae: {  	v63 =	vadd.s32 v21, v55;
	[tilespmem:v51+s11+$0x0] =	vst.idx.msk $0xffff, v60;
	v51 =	vor.u32 v17, v41;
	v41 =	vld.idx.msk [tilespmem:v1+s2+$0x0], $0xffff  }
0x2af: {  	v43 =	vadd.s32 v18, v2;
	v0 =	vld [tilespmem:$0x1FD80]  }
0x2b0: {  	v56 =	vld [tilespmem:$0x1FD20];
	[tilespmem:v62+s11+$0x0] =	vst.idx.msk $0xffff, v45  }
0x2b1: {  	v59 =	vor.u32 v20, v47;
	v57 =	vadd.s32 v18, v50;
	v16 =	vld [tilespmem:$0x1FD60];
	[tilespmem:v46+s11+$0x0] =	vst.idx.msk $0xffff, v49  }
0x2b2: {  	v44 =	vadd.s32 v18, v53;
	v53 =	vld [tilespmem:$0x1FD30]  }
0x2b3: {  	v62 =	vld.idx.msk [tilespmem:v63+s2+$0x0], $0xffff;
	v63 =	vor.u32 v22, v54  }
0x2b4: {  	v43 =	vld.idx.msk [tilespmem:v43+s2+$0x0], $0xffff;
	v61 =	vor.u32 v20, v0  }
0x2b5: {  	[tilespmem:v51+s11+$0x0] =	vst.idx.msk $0xffff, v40  }
0x2b6: {  	v60 =	vadd.s32 v18, v3;
	v57 =	vld.idx.msk [tilespmem:v57+s2+$0x0], $0xffff;
	[tilespmem:v59+s11+$0x0] =	vst.idx.msk $0xffff, v41  }
0x2b7: {  	v1 =	vld [tilespmem:$0x1FC90];
	v46 =	vor.u32 v20, v53  }
0x2b8: {  	v49 =	vadd.s32 v21, v52;
	v52 =	vld [tilespmem:$0x1FCA0];
	[tilespmem:v63+s11+$0x0] =	vst.idx.msk $0xffff, v62  }
0x2b9: {  	v42 =	vadd.s32 v18, v56;
	[tilespmem:v61+s11+$0x0] =	vst.idx.msk $0xffff, v43  }
0x2ba: {  	v2 =	vmov v3;
	v45 =	vadd.s32 v18, v16;
	v3 =	vld [tilespmem:$0x1FD50]  }
0x2bb: {  	v48 =	vmov v54;
	v54 =	vor.u32 v20, v4;
	v51 =	vld.idx.msk [tilespmem:v60+s2+$0x0], $0xffff  }
0x2bc: {  	v44 =	vld.idx.msk [tilespmem:v44+s2+$0x0], $0xffff;
	v60 =	vadd.s32 v23, v55;
	v41 =	vor.u32 v20, v1;
	[tilespmem:v46+s11+$0x0] =	vst.idx.msk $0xffff, v57  }
0x2bd: {  	v59 =	vadd.s32 v21, v52;
	v40 =	vld [tilespmem:$0x1FCD0]  }
0x2be: {  	v43 =	vor.u32 v20, v58;
	v61 =	vadd.s32 v21, v50;
	v42 =	vld.idx.msk [tilespmem:v42+s2+$0x0], $0xffff  }
0x2bf: {  	v63 =	vadd.s32 v21, v2;
	v45 =	vld.idx.msk [tilespmem:v45+s2+$0x0], $0xffff;
	v62 =	vor.u32 v20, v3  }
0x2c0: {  	v49 =	vld.idx.msk [tilespmem:v49+s2+$0x0], $0xffff;
	v57 =	vor.u32 v22, v47;
	[tilespmem:v54+s11+$0x0] =	vst.idx.msk $0xffff, v51  }
0x2c1: {  	v47 =	vadd.s32 v21, v56;
	v51 =	vld.idx.msk [tilespmem:v60+s2+$0x0], $0xffff;
	v60 =	vor.u32 v24, v48;
	[tilespmem:v41+s11+$0x0] =	vst.idx.msk $0xffff, v44  }
0x2c2: {  	v41 =	vadd.s32 v21, v16;
	v59 =	vld.idx.msk [tilespmem:v59+s2+$0x0], $0xffff;
	v46 =	vadd.s32 v21, v40;
	v21 =	vor.u32 v22, v0  }
0x2c3: {  	[tilespmem:v43+s11+$0x0] =	vst.idx.msk $0xffff, v42;
	v42 =	vor.u32 v22, v53;
	v43 =	vld.idx.msk [tilespmem:v61+s2+$0x0], $0xffff  }
0x2c4: {  	v63 =	vld.idx.msk [tilespmem:v63+s2+$0x0], $0xffff;
	[tilespmem:v62+s11+$0x0] =	vst.idx.msk $0xffff, v45;
	v45 =	vor.u32 v22, v4  }
0x2c5: {  	v2 =	vld [tilespmem:$0x1FCF0];
	[tilespmem:v57+s11+$0x0] =	vst.idx.msk $0xffff, v49  }
0x2c6: {  	v54 =	vmov v48;
	[tilespmem:v60+s11+$0x0] =	vst.idx.msk $0xffff, v51  }
0x2c7: {  	v61 =	vadd.s32 v26, v55;
	v48 =	vld.idx.msk [tilespmem:v47+s2+$0x0], $0xffff;
	v51 =	vor.u32 v22, v58;
	[tilespmem:v21+s11+$0x0] =	vst.idx.msk $0xffff, v59  }
0x2c8: {  	v60 =	vadd.s32 v23, v50;
	v21 =	vor.u32 v22, v3;
	v3 =	vld [tilespmem:$0x1FD00];
	[tilespmem:v42+s11+$0x0] =	vst.idx.msk $0xffff, v43  }
0x2c9: {  	v49 =	vor.u32 v22, v1;
	v57 =	vadd.s32 v23, v52;
	v46 =	vld.idx.msk [tilespmem:v46+s2+$0x0], $0xffff;
	[tilespmem:v45+s11+$0x0] =	vst.idx.msk $0xffff, v63  }
0x2ca: {  	v62 =	vadd.s32 v23, v2;
	v47 =	vld [tilespmem:$0x1FD70]  }
0x2cb: {  	v41 =	vld.idx.msk [tilespmem:v41+s2+$0x0], $0xffff  }
0x2cc: {  	v22 =	vor.u32 v27, v54;
	v43 =	vld.idx.msk [tilespmem:v61+s2+$0x0], $0xffff  }
0x2cd: {  	[tilespmem:v51+s11+$0x0] =	vst.idx.msk $0xffff, v48;
	v51 =	vor.u32 v24, v53;
	v60 =	vld.idx.msk [tilespmem:v60+s2+$0x0], $0xffff  }
0x2ce: {  	[tilespmem:v49+s11+$0x0] =	vst.idx.msk $0xffff, v46;
	v46 =	vor.u32 v24, v0;
	v49 =	vld.idx.msk [tilespmem:v57+s2+$0x0], $0xffff  }
0x2cf: {  	v63 =	vor.u32 v24, v47;
	v62 =	vld.idx.msk [tilespmem:v62+s2+$0x0], $0xffff  }
0x2d0: {  	v48 =	vld [tilespmem:$0x1FD60];
	[tilespmem:v21+s11+$0x0] =	vst.idx.msk $0xffff, v41  }
0x2d1: {  	v4 =	vmov v50;
	v42 =	vadd.s32 v23, v40;
	v50 =	vld [tilespmem:$0x1FD40];
	[tilespmem:v22+s11+$0x0] =	vst.idx.msk $0xffff, v43  }
0x2d2: {  	v57 =	vadd.s32 v28, v55;
	[tilespmem:v51+s11+$0x0] =	vst.idx.msk $0xffff, v60  }
0x2d3: {  	v45 =	vadd.s32 v23, v56;
	[tilespmem:v46+s11+$0x0] =	vst.idx.msk $0xffff, v49  }
0x2d4: {  	v59 =	vadd.s32 v23, v3;
	[tilespmem:v63+s11+$0x0] =	vst.idx.msk $0xffff, v62  }
0x2d5: {  	v16 =	vmovc v1;
	v1 =	vmov v40;
	v61 =	vadd.s32 v26, v52;
	v40 =	vadd.s32 v23, v48;
	v52 =	vld [tilespmem:$0x1FD50]  }
0x2d6: {  	v42 =	vld.idx.msk [tilespmem:v42+s2+$0x0], $0xffff;
	v22 =	vor.u32 v24, v16  }
0x2d7: {  	v49 =	vld.idx.msk [tilespmem:v57+s2+$0x0], $0xffff;
	v57 =	vor.u32 v25, v54  }
0x2d8: {  	v45 =	vld.idx.msk [tilespmem:v45+s2+$0x0], $0xffff;
	v23 =	vor.u32 v24, v58  }
0x2d9: {  	v21 =	vadd.s32 v26, v2;
	v59 =	vld.idx.msk [tilespmem:v59+s2+$0x0], $0xffff;
	v41 =	vor.u32 v24, v50  }
0x2da: {  	v40 =	vld.idx.msk [tilespmem:v40+s2+$0x0], $0xffff;
	v24 =	vor.u32 v24, v52  }
0x2db: {  	[tilespmem:v22+s11+$0x0] =	vst.idx.msk $0xffff, v42  }
0x2dc: {  	v63 =	vadd.s32 v26, v4;
	[tilespmem:v57+s11+$0x0] =	vst.idx.msk $0xffff, v49  }
0x2dd: {  	v61 =	vld.idx.msk [tilespmem:v61+s2+$0x0], $0xffff;
	[tilespmem:v23+s11+$0x0] =	vst.idx.msk $0xffff, v45  }
0x2de: {  	v2 =	vmov v4;
	v46 =	vadd.s32 v26, v3;
	v44 =	vld.idx.msk [tilespmem:v21+s2+$0x0], $0xffff;
	[tilespmem:v41+s11+$0x0] =	vst.idx.msk $0xffff, v59  }
0x2df: {  	v4 =	vmov v3;
	v41 =	vor.u32 v27, v47;
	v59 =	vadd.s32 v29, v55;
	v3 =	vld [tilespmem:$0x1FCF0];
	[tilespmem:v24+s11+$0x0] =	vst.idx.msk $0xffff, v40  }
0x2e0: {  	v60 =	vadd.s32 v26, v1;
	v45 =	vadd.s32 v26, v48;
	v48 =	vld [tilespmem:$0x1FC90]  }
0x2e1: {  	v22 =	vor.u32 v27, v0;
	v63 =	vld.idx.msk [tilespmem:v63+s2+$0x0], $0xffff  }
0x2e2: {  	v16 =	vmov v1;
	v1 =	vmov v47;
	v23 =	vor.u32 v27, v53;
	v49 =	vld [tilespmem:$0x1FCA0]  }
0x2e3: {  	v21 =	vadd.s32 v26, v56;
	v47 =	vmovc v56;
	v56 =	vmov v50;
	v50 =	vor.u32 v27, v50;
	v46 =	vld.idx.msk [tilespmem:v46+s2+$0x0], $0xffff  }
0x2e4: {  	v26 =	vld.idx.msk [tilespmem:v59+s2+$0x0], $0xffff;
	[tilespmem:v41+s11+$0x0] =	vst.idx.msk $0xffff, v44;
	v41 =	vadd.s32 v28, v2;
	v2 =	vor.u32 v31, v54  }
0x2e5: {  	v60 =	vld.idx.msk [tilespmem:v60+s2+$0x0], $0xffff;
	v57 =	vadd.s32 v28, v3;
	v24 =	vor.u32 v27, v48  }
0x2e6: {  	[tilespmem:v22+s11+$0x0] =	vst.idx.msk $0xffff, v61  }
0x2e7: {  	[tilespmem:v23+s11+$0x0] =	vst.idx.msk $0xffff, v63;
	v51 =	vadd.s32 v28, v49  }
0x2e8: {  	v43 =	vor.u32 v27, v58;
	v42 =	vld.idx.msk [tilespmem:v21+s2+$0x0], $0xffff;
	[tilespmem:v50+s11+$0x0] =	vst.idx.msk $0xffff, v46  }
0x2e9: {  	v21 =	vor.u32 v27, v52;
	v45 =	vld.idx.msk [tilespmem:v45+s2+$0x0], $0xffff;
	[tilespmem:v2+s11+$0x0] =	vst.idx.msk $0xffff, v26  }
0x2ea: {  	v61 =	vadd.s32 v28, v4;
	v4 =	vor.u32 v25, v1;
	v57 =	vld.idx.msk [tilespmem:v57+s2+$0x0], $0xffff;
	[tilespmem:v24+s11+$0x0] =	vst.idx.msk $0xffff, v60  }
0x2eb: {  	v23 =	vadd.s32 v28, v16;
	v50 =	vmov v16;
	v16 =	vld [tilespmem:$0x1FD60]  }
0x2ec: {  	v22 =	vadd.s32 v37, v55;
	v24 =	vor.u32 v25, v0;
	v51 =	vld.idx.msk [tilespmem:v51+s2+$0x0], $0xffff  }
0x2ed: {  	[tilespmem:v43+s11+$0x0] =	vst.idx.msk $0xffff, v42  }
0x2ee: {  	v40 =	vadd.s32 v28, v47;
	v26 =	vor.u32 v25, v53;
	v41 =	vld.idx.msk [tilespmem:v41+s2+$0x0], $0xffff;
	[tilespmem:v21+s11+$0x0] =	vst.idx.msk $0xffff, v45  }
0x2ef: {  	v61 =	vld.idx.msk [tilespmem:v61+s2+$0x0], $0xffff;
	[tilespmem:v4+s11+$0x0] =	vst.idx.msk $0xffff, v57  }
0x2f0: {  	v27 =	vor.u32 v25, v56;
	v47 =	vld [tilespmem:$0x1FCC0];
	v44 =	vadd.s32 v28, v16  }
0x2f1: {  	v63 =	vor.u32 v33, v54;
	v62 =	vld.idx.msk [tilespmem:v22+s2+$0x0], $0xffff;
	[tilespmem:v24+s11+$0x0] =	vst.idx.msk $0xffff, v51  }
0x2f2: {  	v46 =	vld.idx.msk [tilespmem:v23+s2+$0x0], $0xffff;
	[tilespmem:$0x1FCB0] =	vst v58  }
0x2f3: {  	v21 =	vor.u32 v25, v48;
	v40 =	vld.idx.msk [tilespmem:v40+s2+$0x0], $0xffff;
	[tilespmem:v26+s11+$0x0] =	vst.idx.msk $0xffff, v41  }
0x2f4: {  	v43 =	vadd.s32 v29, v3;
	v23 =	vor.u32 v25, v58;
	v1 =	vld [tilespmem:$0x1FD00]  }
0x2f5: {  	v25 =	vor.u32 v25, v52;
	v22 =	vadd.s32 v29, v47;
	[tilespmem:v27+s11+$0x0] =	vst.idx.msk $0xffff, v61;
	v44 =	vld.idx.msk [tilespmem:v44+s2+$0x0], $0xffff  }
0x2f6: {  	v4 =	vmov v48;
	v48 =	vmov v50;
	v42 =	vadd.s32 v29, v50;
	v50 =	vld [tilespmem:$0x1FD70];
	[tilespmem:v63+s11+$0x0] =	vst.idx.msk $0xffff, v62  }
0x2f7: {  	v45 =	vadd.s32 v29, v49;
	v0 =	vld [tilespmem:$0x1FD20]  }
0x2f8: {  	v2 =	vmov v53;
	v24 =	vadd.s32 v38, v55;
	v53 =	vld [tilespmem:$0x1FD80];
	[tilespmem:v21+s11+$0x0] =	vst.idx.msk $0xffff, v46  }
0x2f9: {  	v43 =	vld.idx.msk [tilespmem:v43+s2+$0x0], $0xffff;
	[tilespmem:v23+s11+$0x0] =	vst.idx.msk $0xffff, v40  }
0x2fa: {  	v57 =	vld.idx.msk [tilespmem:v22+s2+$0x0], $0xffff;
	v26 =	vadd.s32 v29, v1;
	[tilespmem:v25+s11+$0x0] =	vst.idx.msk $0xffff, v44  }
0x2fb: {  	v21 =	vor.u32 v31, v2;
	v2 =	vld [tilespmem:$0x1FD40]  }
0x2fc: {  	v45 =	vld.idx.msk [tilespmem:v45+s2+$0x0], $0xffff;
	v27 =	vor.u32 v31, v50  }
0x2fd: {  	v22 =	vld.idx.msk [tilespmem:v24+s2+$0x0], $0xffff;
	v23 =	vor.u32 v34, v54;
	v62 =	vadd.s32 v29, v0  }
0x2fe: {  	v46 =	vadd.s32 v29, v16;
	v42 =	vld.idx.msk [tilespmem:v42+s2+$0x0], $0xffff;
	v63 =	vor.u32 v31, v53  }
0x2ff: {  	v56 =	vmov v49;
	v40 =	vadd.s32 v37, v3;
	v59 =	vld.idx.msk [tilespmem:v26+s2+$0x0], $0xffff;
	v26 =	vor.u32 v31, v4  }
0x300: {  	v25 =	vadd.s32 v37, v56;
	[tilespmem:v21+s11+$0x0] =	vst.idx.msk $0xffff, v57;
	v24 =	vor.u32 v31, v2  }
0x301: {  	[tilespmem:v27+s11+$0x0] =	vst.idx.msk $0xffff, v43;
	v27 =	vadd.s32 v35, v55  }
0x302: {  	[tilespmem:v23+s11+$0x0] =	vst.idx.msk $0xffff, v22;
	v4 =	vor.u32 v31, v58;
	v62 =	vld.idx.msk [tilespmem:v62+s2+$0x0], $0xffff  }
0x303: {  	v49 =	vor.u32 v31, v52;
	v46 =	vld.idx.msk [tilespmem:v46+s2+$0x0], $0xffff;
	[tilespmem:v63+s11+$0x0] =	vst.idx.msk $0xffff, v45  }
0x304: {  	v22 =	vor.u32 v33, v50;
	v40 =	vld.idx.msk [tilespmem:v40+s2+$0x0], $0xffff;
	[tilespmem:v26+s11+$0x0] =	vst.idx.msk $0xffff, v42  }
0x305: {  	v44 =	vld.idx.msk [tilespmem:v25+s2+$0x0], $0xffff;
	[tilespmem:v24+s11+$0x0] =	vst.idx.msk $0xffff, v59  }
0x306: {  	v63 =	vadd.s32 v37, v47;
	v25 =	vld.idx.msk [tilespmem:v27+s2+$0x0], $0xffff;
	[tilespmem:$0x1FD10] =	vst v54  }
0x307: {  	v41 =	vmov v0;
	v21 =	vadd.s32 v37, v48;
	v23 =	vadd.s32 v37, v0;
	v0 =	vld [tilespmem:$0x1FD60];
	[tilespmem:v4+s11+$0x0] =	vst.idx.msk $0xffff, v62  }
0x308: {  	v56 =	vmov v1;
	v57 =	vadd.s32 v37, v1;
	v1 =	vld [tilespmem:$0x1FD30];
	[tilespmem:v49+s11+$0x0] =	vst.idx.msk $0xffff, v46  }
0x309: {  	v24 =	vor.u32 v33, v53;
	[tilespmem:v22+s11+$0x0] =	vst.idx.msk $0xffff, v40  }
0x30a: {  	v53 =	vld [tilespmem:$0x1FC90]  }
0x30b: {  	v63 =	vld.idx.msk [tilespmem:v63+s2+$0x0], $0xffff  }
0x30c: {  	v26 =	vor.u32 v36, v54;
	v51 =	vld.idx.msk [tilespmem:v21+s2+$0x0], $0xffff  }
0x30d: {  	v16 =	vmov v55;
	v58 =	vor.u32 v33, v2;
	v49 =	vld.idx.msk [tilespmem:v57+s2+$0x0], $0xffff;
	v27 =	vor.u32 v33, v1  }
0x30e: {  	v55 =	vadd.s32 v37, v0;
	v37 =	vadd.s32 v39, v16;
	v16 =	vld [tilespmem:$0x1FCA0];
	[tilespmem:v24+s11+$0x0] =	vst.idx.msk $0xffff, v44  }
0x30f: {  	v62 =	vadd.s32 v38, v3;
	v4 =	vmov v2;
	v2 =	vld [tilespmem:$0x1FCB0];
	v47 =	vor.u32 v33, v53  }
0x310: {  	v3 =	vld [tilespmem:$0x1FCC0]  }
0x311: {  	[tilespmem:v26+s11+$0x0] =	vst.idx.msk $0xffff, v25  }
0x312: {  	v23 =	vld.idx.msk [tilespmem:v23+s2+$0x0], $0xffff;
	[tilespmem:v27+s11+$0x0] =	vst.idx.msk $0xffff, v63  }
0x313: {  	v45 =	vmov v50;
	v25 =	vadd.s32 v38, v56;
	v50 =	vld [tilespmem:$0x1FCD0];
	[tilespmem:v58+s11+$0x0] =	vst.idx.msk $0xffff, v49  }
0x314: {  	v62 =	vld.idx.msk [tilespmem:v62+s2+$0x0], $0xffff;
	v60 =	vadd.s32 v38, v16;
	[tilespmem:v47+s11+$0x0] =	vst.idx.msk $0xffff, v51  }
0x315: {  	v21 =	vor.u32 v33, v2;
	v22 =	vadd.s32 v38, v3;
	v47 =	vadd.s32 v38, v0;
	v58 =	vmovc v0;
	v0 =	vld [tilespmem:$0x1FD80]  }
0x316: {  	v24 =	vor.u32 v33, v52;
	v26 =	vld.idx.msk [tilespmem:v55+s2+$0x0], $0xffff  }
0x317: {  	v33 =	vld.idx.msk [tilespmem:v37+s2+$0x0], $0xffff  }
0x318: {  	v56 =	vadd.s32 v38, v41;
	v37 =	vor.u32 v10, v54;
	v61 =	vld.idx.msk [tilespmem:v25+s2+$0x0], $0xffff  }
0x319: {  	v27 =	vor.u32 v34, v45;
	v60 =	vld.idx.msk [tilespmem:v60+s2+$0x0], $0xffff;
	v55 =	vadd.s32 v38, v50  }
0x31a: {  	[tilespmem:v21+s11+$0x0] =	vst.idx.msk $0xffff, v23;
	v21 =	vld.idx.msk [tilespmem:v22+s2+$0x0], $0xffff;
	v38 =	vor.u32 v34, v0  }
0x31b: {  	v40 =	vmov v52;
	v1 =	vor.u32 v34, v1;
	v52 =	vld [tilespmem:$0x1FCE0];
	[tilespmem:v24+s11+$0x0] =	vst.idx.msk $0xffff, v26  }
0x31c: {  	v23 =	vor.u32 v34, v4;
	v63 =	vld [tilespmem:$0x1FCF0]  }
0x31d: {  	[tilespmem:v37+s11+$0x0] =	vst.idx.msk $0xffff, v33;
	v33 =	vld.idx.msk [tilespmem:v56+s2+$0x0], $0xffff  }
0x31e: {  	[tilespmem:v27+s11+$0x0] =	vst.idx.msk $0xffff, v62;
	v27 =	vld.idx.msk [tilespmem:v55+s2+$0x0], $0xffff  }
0x31f: {  	v25 =	vor.u32 v34, v53;
	v26 =	vadd.s32 v35, v16;
	[tilespmem:v38+s11+$0x0] =	vst.idx.msk $0xffff, v60;
	v38 =	vld.idx.msk [tilespmem:v47+s2+$0x0], $0xffff  }
0x320: {  	v56 =	vld [tilespmem:$0x1FD00];
	[tilespmem:v1+s11+$0x0] =	vst.idx.msk $0xffff, v21  }
0x321: {  	v1 =	vld [tilespmem:$0x1FD10];
	[tilespmem:v23+s11+$0x0] =	vst.idx.msk $0xffff, v61  }
0x322: {  	v49 =	vor.u32 v34, v2;
	v24 =	vadd.s32 v35, v63;
	v4 =	vld [tilespmem:$0x1FD20]  }
0x323: {  	v57 =	vadd.s32 v35, v3;
	v55 =	vmov v3;
	v3 =	vld [tilespmem:$0x1FD70]  }
0x324: {  	v37 =	vor.u32 v34, v40;
	v22 =	vadd.s32 v6, v52;
	[tilespmem:v25+s11+$0x0] =	vst.idx.msk $0xffff, v27;
	v25 =	vld.idx.msk [tilespmem:v26+s2+$0x0], $0xffff  }
0x325: {  	v26 =	vld [tilespmem:$0x1FE40];
	_ =	sdelay $0x1  }
0x326: {  	v43 =	vld.idx.msk [tilespmem:v24+s2+$0x0], $0xffff;
	[tilespmem:v49+s11+$0x0] =	vst.idx.msk $0xffff, v33  }
0x327: {  	v24 =	vor.u32 v36, v0;
	v47 =	vld [tilespmem:$0x1FD30]  }
0x328: {  	v41 =	vadd.s32 v35, v50;
	v21 =	vld.idx.msk [tilespmem:v22+s2+$0x0], $0xffff;
	[tilespmem:v37+s11+$0x0] =	vst.idx.msk $0xffff, v38;
	v22 =	vor.u32 v11, v1  }
0x329: {  	v60 =	vadd.s32 v35, v56;
	v23 =	vor.u32 v36, v3;
	v27 =	vadd.s32 v26, v52;
	v52 =	vld [tilespmem:$0x1FD40];
	_ =	sdelay $0x1  }
0x32a: {  	v33 =	vadd.s32 v35, v58  }
0x32b: {  	v57 =	vld.idx.msk [tilespmem:v57+s2+$0x0], $0xffff;
	v42 =	vadd.s32 v35, v4;
	[tilespmem:v24+s11+$0x0] =	vst.idx.msk $0xffff, v25;
	v34 =	vor.u32 v36, v47  }
0x32c: {  	v41 =	vld.idx.msk [tilespmem:v41+s2+$0x0], $0xffff;
	v38 =	vor.u32 v36, v53;
	[tilespmem:v22+s11+$0x0] =	vst.idx.msk $0xffff, v21  }
0x32d: {  	v60 =	vld.idx.msk [tilespmem:v60+s2+$0x0], $0xffff;
	[tilespmem:v23+s11+$0x0] =	vst.idx.msk $0xffff, v43;
	v35 =	vor.u32 v36, v52  }
0x32e: {  	v24 =	vld [tilespmem:$0x1FE50]  }
0x32f: {  	v46 =	vld.idx.msk [tilespmem:v33+s2+$0x0], $0xffff  }
0x330: {  	v37 =	vadd.s32 v39, v63;
	v42 =	vld.idx.msk [tilespmem:v42+s2+$0x0], $0xffff;
	[tilespmem:v34+s11+$0x0] =	vst.idx.msk $0xffff, v57  }
0x331: {  	v48 =	vmov v2;
	v23 =	vadd.s32 v39, v55;
	v0 =	vld [tilespmem:$0x1FD50];
	[tilespmem:v38+s11+$0x0] =	vst.idx.msk $0xffff, v41  }
0x332: {  	v2 =	vmov v50;
	v58 =	vmov v4;
	v21 =	vadd.s32 v39, v16;
	v54 =	vld.idx.msk [tilespmem:v27+s2+$0x0], $0xffff;
	[tilespmem:v35+s11+$0x0] =	vst.idx.msk $0xffff, v60  }
0x333: {  	v33 =	vadd.s32 v39, v4;
	v4 =	vmovc v3;
	v34 =	vor.u32 v10, v3;
	v25 =	vor.u32 v24, v1;
	v3 =	vld [tilespmem:$0x1FD60]  }
0x334: {  	v22 =	vor.u32 v36, v48;
	v27 =	vadd.s32 v39, v2;
	v1 =	vld [tilespmem:$0x1FD80]  }
0x335: {  	v45 =	vadd.s32 v39, v56;
	v51 =	vld.idx.msk [tilespmem:v37+s2+$0x0], $0xffff  }
0x336: {  	v37 =	vor.u32 v10, v47;
	v61 =	vld.idx.msk [tilespmem:v23+s2+$0x0], $0xffff  }
0x337: {  	v50 =	vmovc v16;
	v16 =	vmov v55;
	v59 =	vld.idx.msk [tilespmem:v21+s2+$0x0], $0xffff;
	v21 =	vadd.s32 v6, v63;
	v26 =	vor.u32 v36, v0  }
0x338: {  	v38 =	vmov v47;
	[tilespmem:v25+s11+$0x0] =	vst.idx.msk $0xffff, v54;
	v25 =	vadd.s32 v6, v16  }
0x339: {  	v57 =	vld.idx.msk [tilespmem:v27+s2+$0x0], $0xffff;
	[tilespmem:v22+s11+$0x0] =	vst.idx.msk $0xffff, v42;
	v35 =	vadd.s32 v39, v3;
	v36 =	vor.u32 v10, v1  }
0x33a: {  	v23 =	vadd.s32 v6, v50;
	v22 =	vor.u32 v10, v52;
	v45 =	vld.idx.msk [tilespmem:v45+s2+$0x0], $0xffff;
	[tilespmem:v34+s11+$0x0] =	vst.idx.msk $0xffff, v51  }
0x33b: {  	v24 =	vor.u32 v10, v53;
	v27 =	vadd.s32 v6, v56;
	v40 =	vld.idx.msk [tilespmem:v33+s2+$0x0], $0xffff;
	[tilespmem:v37+s11+$0x0] =	vst.idx.msk $0xffff, v61  }
0x33c: {  	v34 =	vadd.s32 v6, v2;
	v43 =	vld.idx.msk [tilespmem:v21+s2+$0x0], $0xffff;
	[tilespmem:v26+s11+$0x0] =	vst.idx.msk $0xffff, v46;
	v26 =	vor.u32 v10, v48  }
0x33d: {  	v46 =	vor.u32 v11, v38;
	v37 =	vld.idx.msk [tilespmem:v25+s2+$0x0], $0xffff  }
0x33e: {  	v42 =	vadd.s32 v6, v58;
	v33 =	vor.u32 v10, v0;
	[tilespmem:v36+s11+$0x0] =	vst.idx.msk $0xffff, v59;
	v41 =	vld.idx.msk [tilespmem:v35+s2+$0x0], $0xffff  }
0x33f: {  	[tilespmem:v22+s11+$0x0] =	vst.idx.msk $0xffff, v45;
	v45 =	vadd.s32 v6, v3;
	v35 =	vor.u32 v11, v4;
	v55 =	vld.idx.msk [tilespmem:v23+s2+$0x0], $0xffff  }
0x340: {  	v47 =	vmov v53;
	[tilespmem:v24+s11+$0x0] =	vst.idx.msk $0xffff, v57;
	v36 =	vor.u32 v11, v1;
	v23 =	vld.idx.msk [tilespmem:v27+s2+$0x0], $0xffff  }
0x341: {  	v4 =	vmov v3;
	v3 =	vmov v38;
	v38 =	vor.u32 v11, v52;
	[tilespmem:v26+s11+$0x0] =	vst.idx.msk $0xffff, v40;
	v27 =	vld.idx.msk [tilespmem:v34+s2+$0x0], $0xffff  }
0x342: {  	v24 =	vor.u32 v11, v47;
	v21 =	vld [tilespmem:$0x1FE40];
	[tilespmem:v46+s11+$0x0] =	vst.idx.msk $0xffff, v37  }
0x343: {  	v62 =	vmov v16;
	v16 =	vmov v0;
	v42 =	vld.idx.msk [tilespmem:v42+s2+$0x0], $0xffff;
	[tilespmem:v33+s11+$0x0] =	vst.idx.msk $0xffff, v41;
	v33 =	vor.u32 v11, v48  }
0x344: {  	[tilespmem:v35+s11+$0x0] =	vst.idx.msk $0xffff, v43;
	v35 =	vor.u32 v11, v16;
	v45 =	vld.idx.msk [tilespmem:v45+s2+$0x0], $0xffff  }
0x345: {  	[tilespmem:v36+s11+$0x0] =	vst.idx.msk $0xffff, v55  }
0x346: {  	[tilespmem:v38+s11+$0x0] =	vst.idx.msk $0xffff, v23  }
0x347: {  	[tilespmem:v24+s11+$0x0] =	vst.idx.msk $0xffff, v27  }
0x348: {  	[tilespmem:v33+s11+$0x0] =	vst.idx.msk $0xffff, v42  }
0x349: {  	v22 =	vadd.s32 v21, v63;
	[tilespmem:v35+s11+$0x0] =	vst.idx.msk $0xffff, v45  }
0x34a: {  	v26 =	vadd.s32 v21, v50;
	v38 =	vadd.s32 v21, v58;
	v58 =	vld [tilespmem:$0x1FE50]  }
0x34b: {  	v34 =	vadd.s32 v21, v62;
	v40 =	vld [tilespmem:$0x1FD70]  }
0x34c: {  	v36 =	vadd.s32 v21, v56;
	v61 =	vld [tilespmem:$0x1FE50]  }
0x34d: {  	v62 =	vld [tilespmem:$0x1FD80]  }
0x34e: {  	v37 =	vadd.s32 v21, v2;
	v55 =	vld.idx.msk [tilespmem:v22+s2+$0x0], $0xffff  }
0x34f: {  	v54 =	vld.idx.msk [tilespmem:v26+s2+$0x0], $0xffff  }
0x350: {  	v25 =	vmov v47;
	v1 =	vmov v52;
	v47 =	vmov v21;
	v52 =	vld.idx.msk [tilespmem:v34+s2+$0x0], $0xffff  }
0x351: {  	v47 =	vadd.s32 v47, v4;
	v53 =	vld.idx.msk [tilespmem:v36+s2+$0x0], $0xffff;
	v50 =	vor.u32 v58, v40  }
0x352: {  	v45 =	vld.idx.msk [tilespmem:v38+s2+$0x0], $0xffff;
	v46 =	vor.u32 v61, v62;
	v43 =	vor.u32 v61, v3;
	v42 =	vor.u32 v61, v1  }
0x353: {  	s15 =	simm.s32 $0xF0;
	s14 =	simm.s32 $0x0;
	s13 =	simm.s32 $0xC00;
	v40 =	vld.idx.msk [tilespmem:v37+s2+$0x0], $0xffff;
	v44 =	vor.u32 v61, v25;
	v49 =	vor.u32 v61, v48;
	v48 =	vor.u32 v61, v16  }
.LBB2_3:
0x354: {  	_ =	sdelay $0x1  }
0x355: {  	v56 =	vor.u32 s15, v19;
	s29 =	sadd.s32 $0xFFFFFF90, s15  }
0x356: {  	s16 =	sadd.s32 $0xFFFFFFA0, s15;
	v21 =	vor.u32 s29, v19;
	v38 =	vand.u32 v9, v56  }
0x357: {  	v37 =	vld.idx.msk [tilespmem:v47+s2+$0x0], $0xffff;
	s28 =	sadd.s32 $0xFFFFFFB0, s15;
	v41 =	vor.u32 s16, v19;
	v23 =	vand.u32 v15, v21  }
0x358: {  	s30 =	sadd.s32 $0xFFFFFFD0, s15;
	v0 =	vld [tilespmem:$0x1FE00];
	v51 =	vor.u32 s28, v19;
	v59 =	vand.u32 v8, v41  }
0x359: {  	s18 =	sadd.s32 $0xFFFFFFC0, s15;
	v31 =	vld [tilespmem:$0x1FE20];
	v22 =	vor.u32 s30, v19;
	[tilespmem:v50+s11+$0x0] =	vst.idx.msk $0xffff, v55;
	v60 =	vand.u32 v12, v51  }
0x35a: {  	s17 =	sadd.s32 $0xFFFFFFF0, s15;
	v2 =	vld [tilespmem:$0x1FE80];
	v39 =	vor.u32 s18, v19;
	[tilespmem:v46+s11+$0x0] =	vst.idx.msk $0xffff, v54;
	v62 =	vand.u32 v14, v22  }
0x35b: {  	s31 =	sadd.s32 $0xFFFFFFE0, s15;
	v55 =	vor.u32 s17, v19;
	[tilespmem:v43+s11+$0x0] =	vst.idx.msk $0xffff, v52;
	v61 =	vand.u32 v13, v39;
	v47 =	vld.idx.msk [tilespmem:v38+s10+$0x0], $0xffff  }
0x35c: {  	v58 =	vor.u32 s31, v19;
	v57 =	vand.u32 v7, v55;
	[tilespmem:v48+s11+$0x0] =	vst.idx.msk $0xffff, v37;
	v48 =	vld.idx.msk [tilespmem:v23+s10+$0x0], $0xffff  }
0x35d: {  	[tilespmem:v49+s11+$0x0] =	vst.idx.msk $0xffff, v45;
	v63 =	vand.u32 v0, v58;
	v49 =	vld.idx.msk [tilespmem:v59+s10+$0x0], $0xffff  }
0x35e: {  	[tilespmem:v44+s11+$0x0] =	vst.idx.msk $0xffff, v40;
	v52 =	vld.idx.msk [tilespmem:v60+s10+$0x0], $0xffff  }
0x35f: {  	[tilespmem:v42+s11+$0x0] =	vst.idx.msk $0xffff, v53;
	v46 =	vshll.u32 v21, $0x4;
	v53 =	vld.idx.msk [tilespmem:v62+s10+$0x0], $0xffff  }
0x360: {  	v42 =	vshll.u32 v41, $0x4;
	v43 =	vshll.u32 v51, $0x4;
	v50 =	vld.idx.msk [tilespmem:v61+s10+$0x0], $0xffff;
	v3 =	vadd.s32 v30, v47  }
0x361: {  	v44 =	vshll.u32 v39, $0x4;
	v41 =	vshll.u32 v22, $0x4;
	v51 =	vld.idx.msk [tilespmem:v57+s10+$0x0], $0xffff;
	v26 =	vadd.s32 v30, v48  }
0x362: {  	v40 =	vshll.u32 v58, $0x4;
	v45 =	vshll.u32 v56, $0x4;
	v54 =	vld.idx.msk [tilespmem:v63+s10+$0x0], $0xffff;
	v8 =	vadd.s32 v30, v49  }
0x363: {  	v1 =	vor.u32 v19, v46;
	v33 =	vor.u32 v19, v42;
	v0 =	vld [tilespmem:$0x1FEB0];
	v11 =	vadd.s32 v30, v52  }
0x364: {  	v21 =	vmovc v32;
	v34 =	vor.u32 v19, v43;
	v4 =	vadd.s32 v32, v47;
	v32 =	vld [tilespmem:$0x1FE30];
	v16 =	vadd.s32 v30, v53  }
0x365: {  	v35 =	vor.u32 v19, v44;
	v36 =	vor.u32 v19, v41;
	v14 =	vadd.s32 v30, v50;
	v3 =	vld.idx.msk [tilespmem:v3+s2+$0x0], $0xffff  }
0x366: {  	v39 =	vor.u32 v19, v45;
	v55 =	vshll.u32 v55, $0x4;
	v5 =	vadd.s32 v30, v51;
	v63 =	vld.idx.msk [tilespmem:v26+s2+$0x0], $0xffff  }
0x367: {  	v18 =	vor.u32 v19, v55;
	v38 =	vor.u32 v19, v40;
	v19 =	vadd.s32 v30, v54;
	v8 =	vld.idx.msk [tilespmem:v8+s2+$0x0], $0xffff  }
0x368: {  	v11 =	vld.idx.msk [tilespmem:v11+s2+$0x0], $0xffff  }
0x369: {  	v16 =	vld.idx.msk [tilespmem:v16+s2+$0x0], $0xffff  }
0x36a: {  	v6 =	vadd.s32 v21, v48;
	v14 =	vld.idx.msk [tilespmem:v14+s2+$0x0], $0xffff  }
0x36b: {  	v9 =	vadd.s32 v21, v49;
	v5 =	vld.idx.msk [tilespmem:v5+s2+$0x0], $0xffff  }
0x36c: {  	v12 =	vadd.s32 v21, v52;
	[tilespmem:v39+s11+$0x0] =	vst.idx.msk $0xffff, v3;
	v3 =	vld.idx.msk [tilespmem:v19+s2+$0x0], $0xffff  }
0x36d: {  	v27 =	vor.u32 v31, v42;
	[tilespmem:v1+s11+$0x0] =	vst.idx.msk $0xffff, v63;
	v1 =	vld [tilespmem:$0x1FEC0]  }
0x36e: {  	v56 =	vor.u32 v31, v44;
	v15 =	vadd.s32 v21, v50;
	[tilespmem:v36+s11+$0x0] =	vst.idx.msk $0xffff, v16;
	v36 =	vld [tilespmem:$0x1FED0]  }
0x36f: {  	v37 =	vor.u32 v31, v46;
	v17 =	vadd.s32 v21, v53;
	[tilespmem:v33+s11+$0x0] =	vst.idx.msk $0xffff, v8;
	v6 =	vld.idx.msk [tilespmem:v6+s2+$0x0], $0xffff  }
0x370: {  	v20 =	vadd.s32 v21, v54;
	v21 =	vadd.s32 v21, v51;
	[tilespmem:v34+s11+$0x0] =	vst.idx.msk $0xffff, v11;
	v9 =	vld.idx.msk [tilespmem:v9+s2+$0x0], $0xffff  }
0x371: {  	v58 =	vor.u32 v2, v46;
	v60 =	vor.u32 v31, v43;
	v59 =	vor.u32 v31, v45;
	v11 =	vld.idx.msk [tilespmem:v12+s2+$0x0], $0xffff  }
0x372: {  	v57 =	vor.u32 v31, v41;
	v25 =	vadd.s32 v32, v47;
	[tilespmem:v35+s11+$0x0] =	vst.idx.msk $0xffff, v14;
	v4 =	vld.idx.msk [tilespmem:v4+s2+$0x0], $0xffff  }
0x373: {  	v29 =	vadd.s32 v0, v49;
	v7 =	vadd.s32 v32, v48;
	[tilespmem:$0x1FB50] =	vst v25;
	v15 =	vld.idx.msk [tilespmem:v15+s2+$0x0], $0xffff  }
0x374: {  	v30 =	vadd.s32 v0, v53;
	v10 =	vadd.s32 v32, v49;
	[tilespmem:v18+s11+$0x0] =	vst.idx.msk $0xffff, v5;
	v17 =	vld.idx.msk [tilespmem:v17+s2+$0x0], $0xffff  }
0x375: {  	v13 =	vadd.s32 v32, v52;
	v63 =	vor.u32 v31, v55;
	v21 =	vld.idx.msk [tilespmem:v21+s2+$0x0], $0xffff;
	[tilespmem:v37+s11+$0x0] =	vst.idx.msk $0xffff, v6  }
0x376: {  	v22 =	vadd.s32 v32, v50;
	v8 =	vadd.s32 v32, v51;
	[tilespmem:v27+s11+$0x0] =	vst.idx.msk $0xffff, v9;
	v27 =	vld [tilespmem:$0x1FEE0]  }
0x377: {  	v23 =	vadd.s32 v32, v53;
	v39 =	vor.u32 v2, v45;
	[tilespmem:v59+s11+$0x0] =	vst.idx.msk $0xffff, v4;
	v59 =	vld [tilespmem:$0x1FB50]  }
0x378: {  	v19 =	vadd.s32 v0, v54;
	v33 =	vadd.s32 v0, v47;
	[tilespmem:$0x1FB60] =	vst v39;
	v7 =	vld.idx.msk [tilespmem:v7+s2+$0x0], $0xffff  }
0x379: {  	v39 =	vadd.s32 v0, v48;
	v5 =	vadd.s32 v0, v52;
	[tilespmem:v60+s11+$0x0] =	vst.idx.msk $0xffff, v11;
	v10 =	vld.idx.msk [tilespmem:v10+s2+$0x0], $0xffff  }
0x37a: {  	v18 =	vadd.s32 v0, v50;
	v9 =	vadd.s32 v0, v51;
	[tilespmem:v63+s11+$0x0] =	vst.idx.msk $0xffff, v21;
	v0 =	vld.idx.msk [tilespmem:v13+s2+$0x0], $0xffff  }
0x37b: {  	v25 =	vor.u32 v2, v43;
	[tilespmem:v38+s11+$0x0] =	vst.idx.msk $0xffff, v3;
	v3 =	vld.idx.msk [tilespmem:v8+s2+$0x0], $0xffff  }
0x37c: {  	[tilespmem:v56+s11+$0x0] =	vst.idx.msk $0xffff, v15;
	v8 =	vld.idx.msk [tilespmem:v20+s2+$0x0], $0xffff;
	v20 =	vor.u32 v2, v55  }
0x37d: {  	v24 =	vor.u32 v2, v42;
	[tilespmem:v57+s11+$0x0] =	vst.idx.msk $0xffff, v17;
	v17 =	vld.idx.msk [tilespmem:v22+s2+$0x0], $0xffff  }
0x37e: {  	[tilespmem:$0x1FB40] =	vst v24;
	v26 =	vor.u32 v2, v44;
	v23 =	vld.idx.msk [tilespmem:v23+s2+$0x0], $0xffff  }
0x37f: {  	v62 =	vor.u32 v31, v40;
	[tilespmem:v58+s11+$0x0] =	vst.idx.msk $0xffff, v7;
	v58 =	vld [tilespmem:$0x1FB40]  }
0x380: {  	v24 =	vadd.s32 v32, v54;
	[tilespmem:v25+s11+$0x0] =	vst.idx.msk $0xffff, v0;
	v0 =	vld [tilespmem:$0x1FF00]  }
0x381: {  	v28 =	vor.u32 v2, v41;
	[tilespmem:v20+s11+$0x0] =	vst.idx.msk $0xffff, v3;
	v3 =	vld [tilespmem:$0x1FEF0]  }
0x382: {  	v61 =	vor.u32 v2, v40;
	v31 =	vor.u32 v1, v46;
	v39 =	vld.idx.msk [tilespmem:v39+s2+$0x0], $0xffff  }
0x383: {  	v32 =	vor.u32 v1, v42;
	v12 =	vor.u32 v1, v43;
	[tilespmem:v26+s11+$0x0] =	vst.idx.msk $0xffff, v17;
	v5 =	vld.idx.msk [tilespmem:v5+s2+$0x0], $0xffff  }
0x384: {  	v34 =	vor.u32 v1, v44;
	v14 =	vor.u32 v1, v40;
	[tilespmem:v62+s11+$0x0] =	vst.idx.msk $0xffff, v8;
	v18 =	vld.idx.msk [tilespmem:v18+s2+$0x0], $0xffff  }
0x385: {  	v16 =	vor.u32 v1, v41;
	v35 =	vadd.s32 v36, v48;
	[tilespmem:$0x1FB70] =	vst v14;
	v7 =	vld.idx.msk [tilespmem:v24+s2+$0x0], $0xffff  }
0x386: {  	v14 =	vor.u32 v1, v45;
	[tilespmem:v28+s11+$0x0] =	vst.idx.msk $0xffff, v23;
	v62 =	vor.u32 v1, v55;
	v1 =	vld [tilespmem:$0x1FF10]  }
0x387: {  	v6 =	vadd.s32 v36, v50;
	[tilespmem:$0x1FB80] =	vst v14;
	v57 =	vor.u32 v27, v40;
	v30 =	vld.idx.msk [tilespmem:v30+s2+$0x0], $0xffff  }
0x388: {  	v14 =	vadd.s32 v36, v53;
	[tilespmem:$0x1FB90] =	vst v57;
	v8 =	vld.idx.msk [tilespmem:v9+s2+$0x0], $0xffff  }
0x389: {  	v63 =	vadd.s32 v36, v52;
	v24 =	vadd.s32 v36, v51;
	v56 =	vld.idx.msk [tilespmem:v59+s2+$0x0], $0xffff;
	[tilespmem:v31+s11+$0x0] =	vst.idx.msk $0xffff, v39  }
0x38a: {  	v38 =	vor.u32 v27, v46;
	v60 =	vor.u32 v27, v42;
	[tilespmem:v61+s11+$0x0] =	vst.idx.msk $0xffff, v7;
	v61 =	vld [tilespmem:$0x1FB60]  }
0x38b: {  	v13 =	vor.u32 v27, v43;
	v15 =	vor.u32 v27, v44;
	[tilespmem:v34+s11+$0x0] =	vst.idx.msk $0xffff, v18;
	v35 =	vld.idx.msk [tilespmem:v35+s2+$0x0], $0xffff  }
0x38c: {  	v22 =	vor.u32 v27, v41;
	v9 =	vor.u32 v27, v45;
	[tilespmem:v16+s11+$0x0] =	vst.idx.msk $0xffff, v30;
	v6 =	vld.idx.msk [tilespmem:v6+s2+$0x0], $0xffff  }
0x38d: {  	v59 =	vor.u32 v0, v42;
	v17 =	vor.u32 v0, v43;
	[tilespmem:v62+s11+$0x0] =	vst.idx.msk $0xffff, v8;
	v14 =	vld.idx.msk [tilespmem:v14+s2+$0x0], $0xffff  }
0x38e: {  	v26 =	vor.u32 v0, v44;
	v23 =	vor.u32 v0, v40;
	v7 =	vor.u32 v27, v55;
	v24 =	vld.idx.msk [tilespmem:v24+s2+$0x0], $0xffff  }
0x38f: {  	v2 =	vadd.s32 v3, v48;
	v30 =	vor.u32 v0, v55;
	v8 =	vor.u32 v0, v41;
	v19 =	vld.idx.msk [tilespmem:v19+s2+$0x0], $0xffff  }
0x390: {  	v27 =	vor.u32 v0, v45;
	[tilespmem:v58+s11+$0x0] =	vst.idx.msk $0xffff, v10;
	v58 =	vor.u32 v0, v46;
	v0 =	vld [tilespmem:$0x1FF40]  }
0x391: {  	[tilespmem:v12+s11+$0x0] =	vst.idx.msk $0xffff, v5;
	v10 =	vadd.s32 v3, v50;
	v29 =	vld.idx.msk [tilespmem:v29+s2+$0x0], $0xffff  }
0x392: {  	v57 =	vadd.s32 v3, v53;
	[tilespmem:v22+s11+$0x0] =	vst.idx.msk $0xffff, v14;
	v14 =	vld [tilespmem:$0x1FB90]  }
0x393: {  	v62 =	vadd.s32 v3, v51;
	[tilespmem:v7+s11+$0x0] =	vst.idx.msk $0xffff, v24;
	v24 =	vld.idx.msk [tilespmem:v63+s2+$0x0], $0xffff  }
0x394: {  	[tilespmem:v38+s11+$0x0] =	vst.idx.msk $0xffff, v35;
	v63 =	vld [tilespmem:$0x1FB80]  }
0x395: {  	[tilespmem:v15+s11+$0x0] =	vst.idx.msk $0xffff, v6;
	v2 =	vld.idx.msk [tilespmem:v2+s2+$0x0], $0xffff  }
0x396: {  	v21 =	vadd.s32 v36, v49;
	v10 =	vld.idx.msk [tilespmem:v10+s2+$0x0], $0xffff  }
0x397: {  	v11 =	vadd.s32 v36, v54;
	v37 =	vadd.s32 v36, v47;
	[tilespmem:$0x1FBA0] =	vst v9;
	v57 =	vld.idx.msk [tilespmem:v57+s2+$0x0], $0xffff  }
0x398: {  	v20 =	vadd.s32 v3, v49;
	v4 =	vadd.s32 v3, v52;
	v9 =	vadd.s32 v3, v54;
	v18 =	vld.idx.msk [tilespmem:v62+s2+$0x0], $0xffff  }
0x399: {  	v25 =	vadd.s32 v3, v47;
	v28 =	vadd.s32 v1, v48;
	[tilespmem:v32+s11+$0x0] =	vst.idx.msk $0xffff, v29;
	v62 =	vld [tilespmem:$0x1FB70]  }
0x39a: {  	v31 =	vadd.s32 v1, v52;
	v34 =	vadd.s32 v1, v51;
	[tilespmem:v61+s11+$0x0] =	vst.idx.msk $0xffff, v56;
	v61 =	vld [tilespmem:$0x1FF20]  }
0x39b: {  	v5 =	vadd.s32 v1, v54;
	v12 =	vadd.s32 v1, v47;
	v29 =	vadd.s32 v1, v50;
	v36 =	vld.idx.msk [tilespmem:v21+s2+$0x0], $0xffff  }
0x39c: {  	v3 =	vadd.s32 v1, v49;
	v32 =	vadd.s32 v1, v53;
	v1 =	vld [tilespmem:$0x1FF50];
	[tilespmem:v13+s11+$0x0] =	vst.idx.msk $0xffff, v24  }
0x39d: {  	v33 =	vld.idx.msk [tilespmem:v33+s2+$0x0], $0xffff;
	[tilespmem:v26+s11+$0x0] =	vst.idx.msk $0xffff, v10  }
0x39e: {  	[tilespmem:v30+s11+$0x0] =	vst.idx.msk $0xffff, v18;
	v4 =	vld.idx.msk [tilespmem:v4+s2+$0x0], $0xffff  }
0x39f: {  	[tilespmem:v8+s11+$0x0] =	vst.idx.msk $0xffff, v57;
	v13 =	vld.idx.msk [tilespmem:v34+s2+$0x0], $0xffff;
	v6 =	vor.u32 v61, v55  }
0x3a0: {  	v35 =	vadd.s32 v0, v52;
	v8 =	vld.idx.msk [tilespmem:v29+s2+$0x0], $0xffff;
	v21 =	vor.u32 v61, v44;
	[tilespmem:v60+s11+$0x0] =	vst.idx.msk $0xffff, v36  }
0x3a1: {  	v32 =	vld.idx.msk [tilespmem:v32+s2+$0x0], $0xffff;
	v16 =	vor.u32 v61, v41;
	v36 =	vadd.s32 v0, v50;
	[tilespmem:v62+s11+$0x0] =	vst.idx.msk $0xffff, v19  }
0x3a2: {  	v38 =	vadd.s32 v0, v53;
	v18 =	vadd.s32 v0, v47;
	[tilespmem:v63+s11+$0x0] =	vst.idx.msk $0xffff, v33;
	v11 =	vld.idx.msk [tilespmem:v11+s2+$0x0], $0xffff  }
0x3a3: {  	v60 =	vadd.s32 v0, v54;
	v33 =	vadd.s32 v0, v49;
	v20 =	vld.idx.msk [tilespmem:v20+s2+$0x0], $0xffff;
	[tilespmem:v17+s11+$0x0] =	vst.idx.msk $0xffff, v4  }
0x3a4: {  	v62 =	vadd.s32 v0, v48;
	v37 =	vld.idx.msk [tilespmem:v37+s2+$0x0], $0xffff;
	v0 =	vadd.s32 v0, v51;
	[tilespmem:v6+s11+$0x0] =	vst.idx.msk $0xffff, v13  }
0x3a5: {  	v26 =	vld.idx.msk [tilespmem:v31+s2+$0x0], $0xffff;
	[tilespmem:v21+s11+$0x0] =	vst.idx.msk $0xffff, v8  }
0x3a6: {  	[tilespmem:v16+s11+$0x0] =	vst.idx.msk $0xffff, v32;
	v16 =	vld.idx.msk [tilespmem:v36+s2+$0x0], $0xffff  }
0x3a7: {  	v36 =	vld.idx.msk [tilespmem:v38+s2+$0x0], $0xffff;
	[tilespmem:v14+s11+$0x0] =	vst.idx.msk $0xffff, v11;
	v11 =	vor.u32 v1, v40  }
0x3a8: {  	v7 =	vor.u32 v61, v43;
	[tilespmem:$0x1FBC0] =	vst v11;
	v11 =	vld [tilespmem:$0x1FBA0]  }
0x3a9: {  	v15 =	vor.u32 v1, v44;
	[tilespmem:v59+s11+$0x0] =	vst.idx.msk $0xffff, v20;
	v0 =	vld.idx.msk [tilespmem:v0+s2+$0x0], $0xffff  }
0x3aa: {  	v22 =	vor.u32 v1, v41;
	v3 =	vld.idx.msk [tilespmem:v3+s2+$0x0], $0xffff  }
0x3ab: {  	[tilespmem:v58+s11+$0x0] =	vst.idx.msk $0xffff, v2;
	v63 =	vor.u32 v61, v45;
	v14 =	vld [tilespmem:$0x1FF60]  }
0x3ac: {  	[tilespmem:$0x1FBB0] =	vst v63;
	v4 =	vor.u32 v1, v55;
	v2 =	vld.idx.msk [tilespmem:v9+s2+$0x0], $0xffff  }
0x3ad: {  	v56 =	vor.u32 v61, v42;
	v9 =	vld [tilespmem:$0x1FF30];
	[tilespmem:v7+s11+$0x0] =	vst.idx.msk $0xffff, v26  }
0x3ae: {  	v30 =	vor.u32 v1, v46;
	[tilespmem:v15+s11+$0x0] =	vst.idx.msk $0xffff, v16  }
0x3af: {  	v24 =	vor.u32 v1, v43;
	v39 =	vor.u32 v61, v46;
	v8 =	vld.idx.msk [tilespmem:v35+s2+$0x0], $0xffff;
	[tilespmem:v22+s11+$0x0] =	vst.idx.msk $0xffff, v36  }
0x3b0: {  	v63 =	vor.u32 v1, v42;
	[tilespmem:v11+s11+$0x0] =	vst.idx.msk $0xffff, v37;
	v11 =	vor.u32 v1, v45;
	v1 =	vld [tilespmem:$0x1FF70]  }
0x3b1: {  	v19 =	vor.u32 v61, v40;
	[tilespmem:v4+s11+$0x0] =	vst.idx.msk $0xffff, v0;
	v10 =	vadd.s32 v14, v51;
	v6 =	vld.idx.msk [tilespmem:v25+s2+$0x0], $0xffff  }
0x3b2: {  	[tilespmem:v56+s11+$0x0] =	vst.idx.msk $0xffff, v3;
	v58 =	vadd.s32 v14, v50;
	v17 =	vor.u32 v9, v42;
	v25 =	vld.idx.msk [tilespmem:v28+s2+$0x0], $0xffff  }
0x3b3: {  	v33 =	vld.idx.msk [tilespmem:v33+s2+$0x0], $0xffff;
	v31 =	vor.u32 v9, v43;
	[tilespmem:v23+s11+$0x0] =	vst.idx.msk $0xffff, v2;
	v23 =	vor.u32 v9, v40  }
0x3b4: {  	v21 =	vld [tilespmem:$0x1FBB0];
	v59 =	vor.u32 v9, v44;
	v29 =	vor.u32 v9, v41;
	[tilespmem:$0x1FBE0] =	vst v23;
	v28 =	vor.u32 v9, v46  }
0x3b5: {  	v5 =	vld.idx.msk [tilespmem:v5+s2+$0x0], $0xffff;
	v23 =	vadd.s32 v1, v48;
	v57 =	vadd.s32 v1, v52;
	v2 =	vadd.s32 v1, v50  }
0x3b6: {  	v10 =	vld.idx.msk [tilespmem:v10+s2+$0x0], $0xffff;
	v4 =	vadd.s32 v1, v53;
	v3 =	vadd.s32 v1, v54;
	[tilespmem:v27+s11+$0x0] =	vst.idx.msk $0xffff, v6  }
0x3b7: {  	v6 =	vor.u32 v9, v45;
	[tilespmem:v39+s11+$0x0] =	vst.idx.msk $0xffff, v25;
	v25 =	vor.u32 v9, v55;
	v9 =	vld [tilespmem:$0x1FF90]  }
0x3b8: {  	v7 =	vadd.s32 v1, v51;
	v26 =	vadd.s32 v1, v47;
	v27 =	vadd.s32 v1, v49;
	v1 =	vld [tilespmem:$0x1FF80]  }
0x3b9: {  	[tilespmem:v24+s11+$0x0] =	vst.idx.msk $0xffff, v8  }
0x3ba: {  	[tilespmem:$0x1FBD0] =	vst v11;
	v39 =	vld.idx.msk [tilespmem:v62+s2+$0x0], $0xffff  }
0x3bb: {  	v34 =	vadd.s32 v14, v48;
	v37 =	vadd.s32 v14, v52;
	[tilespmem:v63+s11+$0x0] =	vst.idx.msk $0xffff, v33;
	v12 =	vld.idx.msk [tilespmem:v12+s2+$0x0], $0xffff  }
0x3bc: {  	v11 =	vadd.s32 v14, v49;
	[tilespmem:v19+s11+$0x0] =	vst.idx.msk $0xffff, v5;
	v19 =	vadd.s32 v9, v48  }
0x3bd: {  	v22 =	vld.idx.msk [tilespmem:v58+s2+$0x0], $0xffff;
	[tilespmem:v25+s11+$0x0] =	vst.idx.msk $0xffff, v10;
	v38 =	vor.u32 v1, v45;
	v25 =	vadd.s32 v9, v49  }
0x3be: {  	v33 =	vadd.s32 v9, v53;
	v8 =	vadd.s32 v9, v54;
	v24 =	vadd.s32 v9, v47;
	v10 =	vld [tilespmem:$0x1FBC0];
	[tilespmem:$0x1FBF0] =	vst v38  }
0x3bf: {  	v38 =	vadd.s32 v9, v52;
	v7 =	vld.idx.msk [tilespmem:v7+s2+$0x0], $0xffff;
	[tilespmem:v30+s11+$0x0] =	vst.idx.msk $0xffff, v39;
	v30 =	vor.u32 v1, v55  }
0x3c0: {  	[tilespmem:v21+s11+$0x0] =	vst.idx.msk $0xffff, v12;
	v12 =	vadd.s32 v9, v50;
	v39 =	vadd.s32 v9, v51;
	v9 =	vld [tilespmem:$0x1FFA0]  }
0x3c1: {  	v61 =	vadd.s32 v14, v53;
	v13 =	vadd.s32 v14, v54;
	v20 =	vadd.s32 v14, v47;
	v15 =	vld.idx.msk [tilespmem:v37+s2+$0x0], $0xffff  }
0x3c2: {  	v56 =	vor.u32 v1, v46;
	v62 =	vor.u32 v1, v42;
	v14 =	vor.u32 v1, v43;
	v21 =	vld.idx.msk [tilespmem:v60+s2+$0x0], $0xffff  }
0x3c3: {  	v35 =	vor.u32 v1, v44;
	v32 =	vor.u32 v1, v41;
	v5 =	vor.u32 v1, v40;
	v1 =	vld.idx.msk [tilespmem:v11+s2+$0x0], $0xffff  }
0x3c4: {  	v34 =	vld.idx.msk [tilespmem:v34+s2+$0x0], $0xffff;
	[tilespmem:v30+s11+$0x0] =	vst.idx.msk $0xffff, v7  }
0x3c5: {  	v60 =	vor.u32 v9, v46;
	v63 =	vor.u32 v9, v42;
	v16 =	vor.u32 v9, v43;
	v11 =	vld.idx.msk [tilespmem:v39+s2+$0x0], $0xffff  }
0x3c6: {  	v37 =	vor.u32 v9, v44;
	v36 =	vor.u32 v9, v41;
	v58 =	vor.u32 v9, v40;
	v39 =	vld.idx.msk [tilespmem:v61+s2+$0x0], $0xffff  }
0x3c7: {  	v61 =	vor.u32 v9, v55;
	[tilespmem:v10+s11+$0x0] =	vst.idx.msk $0xffff, v21;
	v21 =	vor.u32 v9, v45;
	v9 =	vld [tilespmem:$0x1FBD0]  }
0x3c8: {  	v0 =	vld [tilespmem:$0x1FFB0];
	[tilespmem:v31+s11+$0x0] =	vst.idx.msk $0xffff, v15  }
0x3c9: {  	[tilespmem:v59+s11+$0x0] =	vst.idx.msk $0xffff, v22;
	v22 =	vld.idx.msk [tilespmem:v57+s2+$0x0], $0xffff  }
0x3ca: {  	v18 =	vld.idx.msk [tilespmem:v18+s2+$0x0], $0xffff;
	[tilespmem:v17+s11+$0x0] =	vst.idx.msk $0xffff, v1  }
0x3cb: {  	v1 =	vld.idx.msk [tilespmem:v2+s2+$0x0], $0xffff;
	[tilespmem:v28+s11+$0x0] =	vst.idx.msk $0xffff, v34  }
0x3cc: {  	[tilespmem:v61+s11+$0x0] =	vst.idx.msk $0xffff, v11;
	v61 =	vld [tilespmem:$0x1FBE0]  }
0x3cd: {  	v15 =	vadd.s32 v0, v54;
	v7 =	vadd.s32 v0, v48;
	v30 =	vadd.s32 v0, v49;
	v23 =	vld.idx.msk [tilespmem:v23+s2+$0x0], $0xffff  }
0x3ce: {  	v17 =	vadd.s32 v0, v53;
	v28 =	vadd.s32 v0, v47;
	v10 =	vadd.s32 v0, v50;
	v13 =	vld.idx.msk [tilespmem:v13+s2+$0x0], $0xffff  }
0x3cf: {  	[tilespmem:v9+s11+$0x0] =	vst.idx.msk $0xffff, v18;
	v9 =	vadd.s32 v0, v52;
	v18 =	vadd.s32 v0, v51;
	v0 =	vld [tilespmem:$0x1FFC0]  }
0x3d0: {  	[tilespmem:v14+s11+$0x0] =	vst.idx.msk $0xffff, v22  }
0x3d1: {  	v27 =	vld.idx.msk [tilespmem:v27+s2+$0x0], $0xffff;
	[tilespmem:v35+s11+$0x0] =	vst.idx.msk $0xffff, v1  }
0x3d2: {  	[tilespmem:v29+s11+$0x0] =	vst.idx.msk $0xffff, v39;
	v12 =	vld.idx.msk [tilespmem:v12+s2+$0x0], $0xffff  }
0x3d3: {  	v4 =	vld.idx.msk [tilespmem:v4+s2+$0x0], $0xffff;
	[tilespmem:v56+s11+$0x0] =	vst.idx.msk $0xffff, v23  }
0x3d4: {  	v19 =	vld.idx.msk [tilespmem:v19+s2+$0x0], $0xffff;
	[tilespmem:v61+s11+$0x0] =	vst.idx.msk $0xffff, v13;
	v31 =	vor.u32 v0, v46;
	v34 =	vor.u32 v0, v42  }
0x3d5: {  	v20 =	vld.idx.msk [tilespmem:v20+s2+$0x0], $0xffff;
	v57 =	vor.u32 v0, v43;
	v59 =	vor.u32 v0, v44;
	v11 =	vor.u32 v0, v41  }
0x3d6: {  	v29 =	vor.u32 v0, v40;
	v2 =	vor.u32 v0, v55;
	v13 =	vor.u32 v0, v45;
	v0 =	vld [tilespmem:$0x1FFD0]  }
0x3d7: {  	v1 =	vld [tilespmem:$0x1FFF0];
	[tilespmem:v62+s11+$0x0] =	vst.idx.msk $0xffff, v27  }
0x3d8: {  	v25 =	vld.idx.msk [tilespmem:v25+s2+$0x0], $0xffff;
	[tilespmem:v37+s11+$0x0] =	vst.idx.msk $0xffff, v12  }
0x3d9: {  	[tilespmem:v32+s11+$0x0] =	vst.idx.msk $0xffff, v4;
	v10 =	vld.idx.msk [tilespmem:v10+s2+$0x0], $0xffff  }
0x3da: {  	v33 =	vld.idx.msk [tilespmem:v33+s2+$0x0], $0xffff;
	[tilespmem:v60+s11+$0x0] =	vst.idx.msk $0xffff, v19  }
0x3db: {  	v3 =	vld.idx.msk [tilespmem:v3+s2+$0x0], $0xffff;
	[tilespmem:v6+s11+$0x0] =	vst.idx.msk $0xffff, v20;
	v39 =	vadd.s32 v0, v48;
	v61 =	vadd.s32 v0, v51  }
0x3dc: {  	v18 =	vld.idx.msk [tilespmem:v18+s2+$0x0], $0xffff;
	v6 =	vadd.s32 v0, v49;
	v20 =	vadd.s32 v0, v52;
	v23 =	vadd.s32 v0, v50  }
0x3dd: {  	v27 =	vadd.s32 v0, v53;
	v14 =	vadd.s32 v0, v54;
	v22 =	vadd.s32 v0, v47;
	v0 =	vld [tilespmem:$0x1FFE0]  }
0x3de: {  	v7 =	vld.idx.msk [tilespmem:v7+s2+$0x0], $0xffff  }
0x3df: {  	v26 =	vld.idx.msk [tilespmem:v26+s2+$0x0], $0xffff;
	[tilespmem:v36+s11+$0x0] =	vst.idx.msk $0xffff, v33  }
0x3e0: {  	v17 =	vld.idx.msk [tilespmem:v17+s2+$0x0], $0xffff;
	[tilespmem:v5+s11+$0x0] =	vst.idx.msk $0xffff, v3  }
0x3e1: {  	[tilespmem:v2+s11+$0x0] =	vst.idx.msk $0xffff, v18;
	v8 =	vld.idx.msk [tilespmem:v8+s2+$0x0], $0xffff  }
0x3e2: {  	[tilespmem:v59+s11+$0x0] =	vst.idx.msk $0xffff, v10;
	v59 =	vld [tilespmem:$0x1FE40];
	v56 =	vor.u32 v0, v46;
	v62 =	vor.u32 v0, v42  }
0x3e3: {  	v2 =	vor.u32 v0, v43;
	v35 =	vor.u32 v0, v44;
	v18 =	vld.idx.msk [tilespmem:v61+s2+$0x0], $0xffff;
	v4 =	vor.u32 v0, v41  }
0x3e4: {  	v32 =	vor.u32 v0, v55;
	v3 =	vor.u32 v0, v40;
	v61 =	vld [tilespmem:$0x1FBF0];
	v0 =	vor.u32 v0, v45;
	[tilespmem:$0x1FC00] =	vst v35  }
0x3e5: {  	v5 =	vadd.s32 v1, v51;
	v35 =	vld.idx.msk [tilespmem:v38+s2+$0x0], $0xffff;
	[tilespmem:$0x1FC10] =	vst v0  }
0x3e6: {  	v0 =	vld [tilespmem:$0x1FE90];
	[tilespmem:v58+s11+$0x0] =	vst.idx.msk $0xffff, v8  }
0x3e7: {  	v15 =	vld.idx.msk [tilespmem:v15+s2+$0x0], $0xffff  }
0x3e8: {  	[tilespmem:v11+s11+$0x0] =	vst.idx.msk $0xffff, v17;
	v11 =	vld.idx.msk [tilespmem:v23+s2+$0x0], $0xffff  }
0x3e9: {  	v27 =	vld.idx.msk [tilespmem:v27+s2+$0x0], $0xffff;
	[tilespmem:v32+s11+$0x0] =	vst.idx.msk $0xffff, v18  }
0x3ea: {  	[tilespmem:v63+s11+$0x0] =	vst.idx.msk $0xffff, v25;
	v25 =	vadd.s32 v1, v50;
	v19 =	vadd.s32 v1, v49;
	v5 =	vld.idx.msk [tilespmem:v5+s2+$0x0], $0xffff  }
0x3eb: {  	v60 =	vadd.s32 v1, v53;
	v38 =	vadd.s32 v1, v48;
	[tilespmem:v16+s11+$0x0] =	vst.idx.msk $0xffff, v35;
	v16 =	vld.idx.msk [tilespmem:v30+s2+$0x0], $0xffff  }
0x3ec: {  	v18 =	vadd.s32 v1, v47;
	v12 =	vor.u32 v0, v55;
	v9 =	vld.idx.msk [tilespmem:v9+s2+$0x0], $0xffff;
	[tilespmem:v29+s11+$0x0] =	vst.idx.msk $0xffff, v15  }
0x3ed: {  	[tilespmem:v61+s11+$0x0] =	vst.idx.msk $0xffff, v26;
	v26 =	vadd.s32 v1, v52;
	v61 =	vadd.s32 v1, v54;
	v1 =	vld [tilespmem:$0x1FE70]  }
0x3ee: {  	[tilespmem:v31+s11+$0x0] =	vst.idx.msk $0xffff, v7;
	v14 =	vld.idx.msk [tilespmem:v14+s2+$0x0], $0xffff  }
0x3ef: {  	[tilespmem:v4+s11+$0x0] =	vst.idx.msk $0xffff, v27;
	v24 =	vld.idx.msk [tilespmem:v24+s2+$0x0], $0xffff  }
0x3f0: {  	v32 =	vor.u32 v0, v46;
	v60 =	vld.idx.msk [tilespmem:v60+s2+$0x0], $0xffff;
	[tilespmem:v34+s11+$0x0] =	vst.idx.msk $0xffff, v16  }
0x3f1: {  	v63 =	vor.u32 v0, v42;
	v30 =	vor.u32 v0, v43;
	[tilespmem:v57+s11+$0x0] =	vst.idx.msk $0xffff, v9;
	v6 =	vld.idx.msk [tilespmem:v6+s2+$0x0], $0xffff  }
0x3f2: {  	v35 =	vor.u32 v0, v44;
	v36 =	vor.u32 v0, v41;
	[tilespmem:v12+s11+$0x0] =	vst.idx.msk $0xffff, v5;
	v20 =	vld.idx.msk [tilespmem:v20+s2+$0x0], $0xffff  }
0x3f3: {  	v8 =	vor.u32 v0, v40;
	v33 =	vadd.s32 v1, v51;
	[tilespmem:v3+s11+$0x0] =	vst.idx.msk $0xffff, v14;
	v14 =	vld [tilespmem:$0x1FDF0]  }
0x3f4: {  	v37 =	vadd.s32 v1, v48;
	[tilespmem:v21+s11+$0x0] =	vst.idx.msk $0xffff, v24;
	v21 =	vor.u32 v0, v45;
	v0 =	vld [tilespmem:$0x1FE50]  }
0x3f5: {  	v7 =	vadd.s32 v1, v49;
	v31 =	vadd.s32 v1, v50;
	v58 =	vadd.s32 v1, v53;
	v5 =	vld.idx.msk [tilespmem:v28+s2+$0x0], $0xffff  }
0x3f6: {  	v12 =	vadd.s32 v1, v54;
	v24 =	vadd.s32 v1, v52;
	v28 =	vadd.s32 v1, v47;
	v1 =	vld [tilespmem:$0x1FEA0]  }
0x3f7: {  	[tilespmem:v62+s11+$0x0] =	vst.idx.msk $0xffff, v6;
	v62 =	vld.idx.msk [tilespmem:v61+s2+$0x0], $0xffff  }
0x3f8: {  	v16 =	vld.idx.msk [tilespmem:v33+s2+$0x0], $0xffff  }
0x3f9: {  	v33 =	vld.idx.msk [tilespmem:v39+s2+$0x0], $0xffff  }
0x3fa: {  	[tilespmem:v36+s11+$0x0] =	vst.idx.msk $0xffff, v60;
	v6 =	vadd.s32 v59, v54;
	v54 =	vld.idx.msk [tilespmem:v19+s2+$0x0], $0xffff  }
0x3fb: {  	v3 =	vld.idx.msk [tilespmem:v58+s2+$0x0], $0xffff;
	v9 =	vor.u32 v1, v55;
	[tilespmem:v13+s11+$0x0] =	vst.idx.msk $0xffff, v5  }
0x3fc: {  	v10 =	vadd.s32 v59, v51;
	[tilespmem:v2+s11+$0x0] =	vst.idx.msk $0xffff, v20;
	v22 =	vld.idx.msk [tilespmem:v22+s2+$0x0], $0xffff  }
0x3fd: {  	v34 =	vor.u32 v1, v46;
	v39 =	vor.u32 v1, v42;
	[tilespmem:v8+s11+$0x0] =	vst.idx.msk $0xffff, v62;
	v8 =	vld [tilespmem:$0x1FDC0]  }
0x3fe: {  	v51 =	vor.u32 v1, v43;
	v57 =	vor.u32 v1, v44;
	[tilespmem:v56+s11+$0x0] =	vst.idx.msk $0xffff, v33;
	v56 =	vld.idx.msk [tilespmem:v26+s2+$0x0], $0xffff  }
0x3ff: {  	v17 =	vor.u32 v1, v41;
	v15 =	vor.u32 v1, v40;
	v5 =	vor.u32 v1, v45;
	v1 =	vld.idx.msk [tilespmem:v12+s2+$0x0], $0xffff  }
0x400: {  	[tilespmem:v9+s11+$0x0] =	vst.idx.msk $0xffff, v16;
	v16 =	vadd.s32 v59, v53;
	v53 =	vor.u32 v0, v55;
	v55 =	vld [tilespmem:$0x1FC00]  }
0x401: {  	v38 =	vld.idx.msk [tilespmem:v38+s2+$0x0], $0xffff  }
0x402: {  	v29 =	vadd.s32 v59, v52;
	v52 =	vld.idx.msk [tilespmem:v10+s2+$0x0], $0xffff  }
0x403: {  	v10 =	vld [tilespmem:$0x1FC10]  }
0x404: {  	[tilespmem:v63+s11+$0x0] =	vst.idx.msk $0xffff, v54;
	v12 =	vld [tilespmem:$0x1FDD0]  }
0x405: {  	v2 =	vld.idx.msk [tilespmem:v7+s2+$0x0], $0xffff;
	[tilespmem:v30+s11+$0x0] =	vst.idx.msk $0xffff, v56  }
0x406: {  	v30 =	vld [tilespmem:$0x1FDA0];
	[tilespmem:v15+s11+$0x0] =	vst.idx.msk $0xffff, v1  }
0x407: {  	v15 =	vld [tilespmem:$0x1FD90];
	[tilespmem:v32+s11+$0x0] =	vst.idx.msk $0xffff, v38  }
0x408: {  	v23 =	vadd.s32 v59, v48;
	v13 =	vadd.s32 v59, v49;
	v32 =	vld [tilespmem:$0x1FDB0];
	[tilespmem:v55+s11+$0x0] =	vst.idx.msk $0xffff, v11  }
0x409: {  	v47 =	vadd.s32 v59, v47;
	v43 =	vor.u32 v0, v43;
	v9 =	vadd.s32 v59, v50;
	v4 =	vld.idx.msk [tilespmem:v25+s2+$0x0], $0xffff  }
0x40a: {  	v50 =	vor.u32 v0, v46;
	v59 =	vmov v0;
	v46 =	vor.u32 v0, v42;
	v0 =	vld.idx.msk [tilespmem:v24+s2+$0x0], $0xffff  }
0x40b: {  	v48 =	vor.u32 v59, v45;
	v45 =	vld.idx.msk [tilespmem:v6+s2+$0x0], $0xffff;
	[tilespmem:v10+s11+$0x0] =	vst.idx.msk $0xffff, v22  }
0x40c: {  	[tilespmem:v39+s11+$0x0] =	vst.idx.msk $0xffff, v2;
	v10 =	vld.idx.msk [tilespmem:v18+s2+$0x0], $0xffff  }
0x40d: {  	v54 =	vld.idx.msk [tilespmem:v13+s2+$0x0], $0xffff  }
0x40e: {  	v11 =	vld.idx.msk [tilespmem:v37+s2+$0x0], $0xffff;
	[tilespmem:v35+s11+$0x0] =	vst.idx.msk $0xffff, v4  }
0x40f: {  	[tilespmem:v17+s11+$0x0] =	vst.idx.msk $0xffff, v3;
	v4 =	vld.idx.msk [tilespmem:v31+s2+$0x0], $0xffff  }
0x410: {  	v13 =	vld [tilespmem:$0x1FDE0];
	[tilespmem:v53+s11+$0x0] =	vst.idx.msk $0xffff, v52  }
0x411: {  	s14 =	sadd.s32 $0x8, s14;
	v49 =	vor.u32 v59, v40;
	v40 =	vld.idx.msk [tilespmem:v16+s2+$0x0], $0xffff;
	[tilespmem:v21+s11+$0x0] =	vst.idx.msk $0xffff, v10  }
0x412: {  	p1 =	slt.u32 s14, $0xB8;
	[tilespmem:v51+s11+$0x0] =	vst.idx.msk $0xffff, v0;
	v7 =	vld.idx.msk [tilespmem:v28+s2+$0x0], $0xffff  }
.Ltmp6:
0x413: {  	v52 =	vld.idx.msk [tilespmem:v29+s2+$0x0], $0xffff;
	[tilespmem:v34+s11+$0x0] =	vst.idx.msk $0xffff, v11;
	(pc) =	sbr.rel @p1 .LBB2_3-.Ltmp6, $4  }
0x414: {  	v55 =	vld.idx.msk [tilespmem:v23+s2+$0x0], $0xffff;
	[tilespmem:v57+s11+$0x0] =	vst.idx.msk $0xffff, v4  }
0x415: {  	v53 =	vld.idx.msk [tilespmem:v9+s2+$0x0], $0xffff  }
0x416: {  	v9 =	vld [tilespmem:$0x1FE60]  }
0x417: {  	s15 =	sadd.s32 $0x80, s15;
	v19 =	vlaneseq.u32;
	v42 =	vor.u32 v59, v44;
	v44 =	vor.u32 v59, v41;
	[tilespmem:v5+s11+$0x0] =	vst.idx.msk $0xffff, v7;
	v7 =	vld [tilespmem:$0x1FE10]  }
0x418: {  	_ =	sdelay $0x3  }
0x419: {  	[tilespmem:v46+s11+$0x0] =	vst.idx.msk $0xffff, v54  }
0x41a: {  	v0 =	vld.idx.msk [tilespmem:v47+s2+$0x0], $0xffff;
	[tilespmem:v43+s11+$0x0] =	vst.idx.msk $0xffff, v52  }
0x41b: {  	[tilespmem:v44+s11+$0x0] =	vst.idx.msk $0xffff, v40  }
0x41c: {  	[tilespmem:v49+s11+$0x0] =	vst.idx.msk $0xffff, v45  }
0x41d: {  	[tilespmem:v50+s11+$0x0] =	vst.idx.msk $0xffff, v55  }
0x41e: {  	[tilespmem:v42+s11+$0x0] =	vst.idx.msk $0xffff, v53  }
0x41f: {  	[tilespmem:v48+s11+$0x0] =	vst.idx.msk $0xffff, v0  }
0x420: {  	v62 =	vld [tilespmem:$0x1FE20]  }
0x421: {  	v63 =	vld [tilespmem:$0x1FE30]  }
0x422: {  	v5 =	vld [tilespmem:$0x1FE80]  }
0x423: {  	v16 =	vld [tilespmem:$0x1FEB0]  }
0x424: {  	v17 =	vld [tilespmem:$0x1FEC0]  }
0x425: {  	v18 =	vld [tilespmem:$0x1FED0]  }
0x426: {  	v20 =	vld [tilespmem:$0x1FEE0]  }
0x427: {  	v21 =	vld [tilespmem:$0x1FEF0]  }
0x428: {  	v22 =	vld [tilespmem:$0x1FF00]  }
0x429: {  	v23 =	vld [tilespmem:$0x1FF10]  }
0x42a: {  	v24 =	vld [tilespmem:$0x1FF20]  }
0x42b: {  	v25 =	vld [tilespmem:$0x1FF30]  }
0x42c: {  	v26 =	vld [tilespmem:$0x1FF40]  }
0x42d: {  	v27 =	vld [tilespmem:$0x1FF50]  }
0x42e: {  	v28 =	vld [tilespmem:$0x1FF60]  }
0x42f: {  	v29 =	vld [tilespmem:$0x1FF70]  }
0x430: {  	v31 =	vld [tilespmem:$0x1FF80]  }
0x431: {  	v37 =	vld [tilespmem:$0x1FF90]  }
0x432: {  	v33 =	vld [tilespmem:$0x1FFA0]  }
0x433: {  	v38 =	vld [tilespmem:$0x1FFB0]  }
0x434: {  	v34 =	vld [tilespmem:$0x1FFC0]  }
0x435: {  	v35 =	vld [tilespmem:$0x1FFD0]  }
0x436: {  	v36 =	vld [tilespmem:$0x1FFE0]  }
0x437: {  	v39 =	vld [tilespmem:$0x1FFF0]  }
0x438: {  	v10 =	vld [tilespmem:$0x1FE90]  }
0x439: {  	v6 =	vld [tilespmem:$0x1FE70]  }
0x43a: {  	v11 =	vld [tilespmem:$0x1FEA0]  }
0x43b: {  	v60 =	vld [tilespmem:$0x1FE40]  }
.LBB2_5:
0x43c: {  	v0 =	vor.u32 s13, v19  }
0x43d: {  	v1 =	vand.u32 v9, v0;
	_ =	sdelay $0x4  }
0x43e: {  	v1 =	vld.idx.msk [tilespmem:v1+s10+$0x0], $0xffff;
	_ =	sdelay $0x4  }
0x43f: {  	v2 =	vadd.s32 v30, v1;
	_ =	sdelay $0x3  }
0x440: {  	v0 =	vshll.u32 v0, $0x4  }
0x441: {  	v3 =	vor.u32 v19, v0;
	v2 =	vld.idx.msk [tilespmem:v2+s2+$0x0], $0xffff  }
0x442: {  	v4 =	vadd.s32 v32, v1;
	_ =	sdelay $0x3  }
0x443: {  	[tilespmem:v3+s11+$0x0] =	vst.idx.msk $0xffff, v2  }
0x444: {  	v3 =	vor.u32 v62, v0;
	v2 =	vld.idx.msk [tilespmem:v4+s2+$0x0], $0xffff  }
0x445: {  	v4 =	vadd.s32 v63, v1;
	_ =	sdelay $0x3  }
0x446: {  	[tilespmem:v3+s11+$0x0] =	vst.idx.msk $0xffff, v2  }
0x447: {  	v3 =	vor.u32 v5, v0;
	v2 =	vld.idx.msk [tilespmem:v4+s2+$0x0], $0xffff  }
0x448: {  	v4 =	vadd.s32 v16, v1;
	_ =	sdelay $0x3  }
0x449: {  	[tilespmem:v3+s11+$0x0] =	vst.idx.msk $0xffff, v2  }
0x44a: {  	v3 =	vor.u32 v17, v0;
	v2 =	vld.idx.msk [tilespmem:v4+s2+$0x0], $0xffff  }
0x44b: {  	v4 =	vadd.s32 v18, v1;
	_ =	sdelay $0x3  }
0x44c: {  	[tilespmem:v3+s11+$0x0] =	vst.idx.msk $0xffff, v2  }
0x44d: {  	v3 =	vor.u32 v20, v0;
	v2 =	vld.idx.msk [tilespmem:v4+s2+$0x0], $0xffff  }
0x44e: {  	v4 =	vadd.s32 v21, v1;
	_ =	sdelay $0x3  }
0x44f: {  	[tilespmem:v3+s11+$0x0] =	vst.idx.msk $0xffff, v2  }
0x450: {  	v3 =	vor.u32 v22, v0;
	v2 =	vld.idx.msk [tilespmem:v4+s2+$0x0], $0xffff  }
0x451: {  	v4 =	vadd.s32 v23, v1;
	_ =	sdelay $0x3  }
0x452: {  	[tilespmem:v3+s11+$0x0] =	vst.idx.msk $0xffff, v2  }
0x453: {  	v3 =	vor.u32 v24, v0;
	v2 =	vld.idx.msk [tilespmem:v4+s2+$0x0], $0xffff  }
0x454: {  	v4 =	vadd.s32 v26, v1;
	_ =	sdelay $0x3  }
0x455: {  	[tilespmem:v3+s11+$0x0] =	vst.idx.msk $0xffff, v2  }
0x456: {  	v3 =	vor.u32 v27, v0;
	v2 =	vld.idx.msk [tilespmem:v4+s2+$0x0], $0xffff  }
0x457: {  	v4 =	vadd.s32 v28, v1;
	_ =	sdelay $0x3  }
0x458: {  	[tilespmem:v3+s11+$0x0] =	vst.idx.msk $0xffff, v2  }
0x459: {  	v3 =	vor.u32 v25, v0;
	v2 =	vld.idx.msk [tilespmem:v4+s2+$0x0], $0xffff  }
0x45a: {  	v4 =	vadd.s32 v29, v1;
	_ =	sdelay $0x3  }
0x45b: {  	[tilespmem:v3+s11+$0x0] =	vst.idx.msk $0xffff, v2  }
0x45c: {  	v3 =	vor.u32 v31, v0;
	v2 =	vld.idx.msk [tilespmem:v4+s2+$0x0], $0xffff  }
0x45d: {  	v4 =	vadd.s32 v37, v1;
	_ =	sdelay $0x3  }
0x45e: {  	[tilespmem:v3+s11+$0x0] =	vst.idx.msk $0xffff, v2  }
0x45f: {  	v3 =	vor.u32 v33, v0;
	v2 =	vld.idx.msk [tilespmem:v4+s2+$0x0], $0xffff  }
0x460: {  	v4 =	vadd.s32 v38, v1;
	_ =	sdelay $0x3  }
0x461: {  	[tilespmem:v3+s11+$0x0] =	vst.idx.msk $0xffff, v2  }
0x462: {  	v3 =	vor.u32 v34, v0;
	v2 =	vld.idx.msk [tilespmem:v4+s2+$0x0], $0xffff  }
0x463: {  	v4 =	vadd.s32 v35, v1;
	_ =	sdelay $0x3  }
0x464: {  	[tilespmem:v3+s11+$0x0] =	vst.idx.msk $0xffff, v2  }
0x465: {  	v3 =	vor.u32 v36, v0;
	v2 =	vld.idx.msk [tilespmem:v4+s2+$0x0], $0xffff  }
0x466: {  	v4 =	vadd.s32 v39, v1;
	_ =	sdelay $0x3  }
0x467: {  	[tilespmem:v3+s11+$0x0] =	vst.idx.msk $0xffff, v2  }
0x468: {  	v3 =	vor.u32 v10, v0;
	v2 =	vld.idx.msk [tilespmem:v4+s2+$0x0], $0xffff  }
0x469: {  	v4 =	vadd.s32 v6, v1;
	_ =	sdelay $0x3  }
0x46a: {  	[tilespmem:v3+s11+$0x0] =	vst.idx.msk $0xffff, v2  }
0x46b: {  	v3 =	vor.u32 v11, v0;
	v2 =	vld.idx.msk [tilespmem:v4+s2+$0x0], $0xffff  }
0x46c: {  	v1 =	vadd.s32 v60, v1;
	_ =	sdelay $0x3  }
0x46d: {  	[tilespmem:v3+s11+$0x0] =	vst.idx.msk $0xffff, v2  }
0x46e: {  	p1 =	sne.s32 s13, $0xC30;
	v0 =	vor.u32 v59, v0;
	v1 =	vld.idx.msk [tilespmem:v1+s2+$0x0], $0xffff  }
.Ltmp7:
0x46f: {  	_ = 	snop;
	(pc) =	sbr.rel @p1 .LBB2_5-.Ltmp7, $2  }
0x470: {  	_ =	sdelay $0x2  }
0x471: {  	s13 =	sadd.s32 $0x10, s13;
	[tilespmem:v0+s11+$0x0] =	vst.idx.msk $0xffff, v1  }
.Ltmp8:
0x472: {  	(pc) =	sbr.rel .LBB2_12-.Ltmp8, $4  }
0x473: {  	[hbm4b:s5+s2] =	stream.linear.scatter [tilespmem:s11], [sflag:$0x1], $0xC400, $0x38;
	[tilespmem:$0xD840] =	vst v63  }
0x474: {  	_ =	swait.ge [sflag:s9], $0xC400  }
0x475: {  	[sflag:s9] =	ssyncset.done $0x0  }
0x476: {  	v61 =	vld [tilespmem:$0x1FE00];
	[sflag:s9] =	ssyncadd.s32 $0xFFFF3C00  }
.LBB2_13:
0x477: {  	_ =	sfence.sel $0x180000  }
0x478: {  	[bflag:$0x0] =	sbarrier.arrive $0xFFFF  }
0x479: {  	p0 =	sne.s32 s0, $0x0;
	_ =	strace $0x90000047  }
0x47a: {  	s0 =	sadd.s32 @!p0 $0x100000, s1;
	[bflag:$0x2] =	sbarrier.arrive $0xFFFF  }
0x47b: {  	[sflag:s0] =	ssyncadd.tile.s32 @!p0 $0x1;
	_ =	shalt  }
.Lfunc_end2:
_tile_overlayer_lowered:
.L_overlay_start_2:
0x47c: {  	(tag) =	ssettag $0x2  }
0x47d: {  	s0 =	rddreg [dreg:$0x0];
	s2 =	stileid.u32  }
0x47e: {  	s1 =	rddreg [dreg:$0x1];
	p0 =	sne.s32 s2, $0x0  }
0x47f: {  	s3 =	rddreg [dreg:$0x2];
	[bflag:$0x3] =	sbarrier.arrive $0xFFFF;
	s2 =	simm.s32 @!p0 $0x1C01  }
0x480: {  	[timem:s3], [sflag:s2] =	dma.local @!p0 [hbm:s0], s1  }
0x481: {  	s0 =	simm.s32 @!p0 $0x1  }
0x482: {  	_ =	swait.ge @!p0 [sflag:s0], s1  }
0x483: {  	s1 =	ssub.s32 @!p0 $0x0, s1;
	[sflag:s0] =	ssyncset.done @!p0 $0x0  }
0x484: {  	[sflag:s0] =	ssyncadd.s32 @!p0 s1  }
0x485: {  	[bflag:$0x3] =	sbarrier.arrive $0xFFFF  }
0x486: {  	_ =	shalt  }

</sc_bundles>
